<compile_context>
chip_gen: v7x
topology: tpu7x:2x2x1
jax: 0.10.2.dev20260603
libtpu: 0.0.44.dev20260713+nightly
codegen_flags: <defaults>
</compile_context>

<pallas_src>
import functools

import jax
import jax.numpy as jnp
from jax import lax
from jax.experimental import pallas as pl
from jax.experimental.pallas import tpu as pltpu
from jax.experimental.pallas import tpu_sc as plsc

_MAXREL = 32
_SEQ = 512
_DIM = 128
_NTAB = 2 * _MAXREL + 1
_BAND = 72
_PAD = (_BAND - 72) // 2 + _MAXREL
_ROWS_PER_TILE = 16
_CROWS_PER_TILE = 32
_INROWS = _BAND + 24


def _zone_geom(i):
    j0 = jnp.clip(i - _PAD, 0, _SEQ - _BAND)
    j0a = (j0 // 8) * 8
    l_hi = j0a
    l_lo = _SEQ - _BAND - j0a
    return l_hi, l_lo, j0a


def _bits(n):
    return (n // 4) % 2, (n // 2) % 2, n % 2


def _interior_chunks(l_hi, l_lo):
    chunks = []
    off = jnp.int32(0)
    for size in (256, 128, 64, 32, 16, 8):
        bit = (l_hi // size) % 2
        chunks.append(("hi", bit != 0, off, size))
        off = off + bit * size
    off = jnp.int32(_SEQ)
    for size in (256, 128, 64, 32, 16, 8):
        bit = (l_lo // size) % 2
        off = off - bit * size
        chunks.append(("lo", bit != 0, jnp.minimum(off, _SEQ - size), size))
    return chunks


def _sc_body(in_hbm, tab_hbm, out_hbm,
             in_v, pin_v, tab_v, cbuf_hi, cbuf_lo, band_v, chi_s, clo_s,
             sem_bulk, sem_in, sem_b0, sem_b1):
    c = lax.axis_index("c")
    s = lax.axis_index("s")
    wid = c * 16 + s
    row0 = wid * _ROWS_PER_TILE
    base_b = jnp.clip(row0 - _PAD - 8, 0, _SEQ - _INROWS)
    base_b = pl.multiple_of(base_b, 8)

    in_cp = pltpu.make_async_copy(in_hbm.at[pl.ds(base_b, _INROWS)], in_v,
                                  sem_in)
    in_cp.start()
    pltpu.sync_copy(tab_hbm, tab_v)
    pltpu.sync_copy(in_hbm.at[pl.ds(s * _CROWS_PER_TILE, _CROWS_PER_TILE)],
                    pin_v)

    def c_row(j, _):
        for cc in range(_DIM // 16):
            dsl = pl.ds(cc * 16, 16)
            x = pin_v[j, dsl]
            cbuf_hi[j, dsl] = x + tab_v[_NTAB - 1, dsl]
            cbuf_lo[j, dsl] = x + tab_v[0, dsl]
        return 0

    lax.fori_loop(0, _CROWS_PER_TILE, c_row, 0)
    pltpu.sync_copy(cbuf_hi, chi_s.at[pl.ds(s * _CROWS_PER_TILE, _CROWS_PER_TILE)])
    pltpu.sync_copy(cbuf_lo, clo_s.at[pl.ds(s * _CROWS_PER_TILE, _CROWS_PER_TILE)])
    plsc.subcore_barrier()
    in_cp.wait()

    def fire_interior(i, l_hi, l_lo, do_wait):
        for side, cond, off, size in _interior_chunks(l_hi, l_lo):
            src = chi_s if side == "hi" else clo_s
            off = pl.multiple_of(off, 8)

            @pl.when(cond)
            def _(off=off, size=size, src=src):
                cp = pltpu.make_async_copy(
                    src.at[pl.ds(off, size)],
                    out_hbm.at[i, pl.ds(off, size)], sem_bulk)
                if do_wait:
                    cp.wait()
                else:
                    cp.start()

    def band_dma(r, do_wait):
        i = row0 + r
        _, _, j0a = _zone_geom(i)
        p = lax.rem(r, 2)

        @pl.when(p == 0)
        def _():
            cp = pltpu.make_async_copy(
                band_v.at[0], out_hbm.at[i, pl.ds(j0a, _BAND)], sem_b0)
            if do_wait:
                cp.wait()
            else:
                cp.start()

        @pl.when(p == 1)
        def _():
            cp = pltpu.make_async_copy(
                band_v.at[1], out_hbm.at[i, pl.ds(j0a, _BAND)], sem_b1)
            if do_wait:
                cp.wait()
            else:
                cp.start()

    def out_row(r, _):
        i = row0 + r
        l_hi, l_lo, j0a = _zone_geom(i)
        p = lax.rem(r, 2)

        fire_interior(i, l_hi, l_lo, do_wait=False)

        @pl.when(r >= 2)
        def _():
            band_dma(r - 2, do_wait=True)

        def band_row(t, _):
            j = j0a + t
            ridx = jnp.clip(i - j, -_MAXREL, _MAXREL) + _MAXREL
            for cc in range(_DIM // 16):
                dsl = pl.ds(cc * 16, 16)
                band_v[p, t, dsl] = in_v[j - base_b, dsl] + tab_v[ridx, dsl]
            return 0

        lax.fori_loop(0, _BAND, band_row, 0)
        band_dma(r, do_wait=False)
        return 0

    lax.fori_loop(0, _ROWS_PER_TILE, out_row, 0)

    band_dma(_ROWS_PER_TILE - 2, do_wait=True)
    band_dma(_ROWS_PER_TILE - 1, do_wait=True)

    def drain_row(r, _):
        i = row0 + r
        l_hi, l_lo, _ = _zone_geom(i)
        fire_interior(i, l_hi, l_lo, do_wait=True)
        return 0

    lax.fori_loop(0, _ROWS_PER_TILE, drain_row, 0)


@jax.jit
def _rpe_sc(in2d, table):
    mesh = plsc.VectorSubcoreMesh(core_axis_name="c", subcore_axis_name="s")
    f = functools.partial(
        pl.kernel,
        out_type=jax.ShapeDtypeStruct((_SEQ, _SEQ, _DIM), jnp.float32),
        mesh=mesh,
        scratch_types=[
            pltpu.VMEM((_INROWS, _DIM), jnp.float32),
            pltpu.VMEM((_CROWS_PER_TILE, _DIM), jnp.float32),
            pltpu.VMEM((_NTAB, _DIM), jnp.float32),
            pltpu.VMEM((_CROWS_PER_TILE, _DIM), jnp.float32),
            pltpu.VMEM((_CROWS_PER_TILE, _DIM), jnp.float32),
            pltpu.VMEM((2, _BAND, _DIM), jnp.float32),
            pltpu.VMEM_SHARED((_SEQ, _DIM), jnp.float32),
            pltpu.VMEM_SHARED((_SEQ, _DIM), jnp.float32),
            pltpu.SemaphoreType.DMA,
            pltpu.SemaphoreType.DMA,
            pltpu.SemaphoreType.DMA,
            pltpu.SemaphoreType.DMA,
        ],
    )(_sc_body)
    return f(in2d, table)


def kernel(input_embeddings, relative_position_embeddings):
    in2d = input_embeddings.reshape(_SEQ, _DIM)
    return _rpe_sc(in2d, relative_position_embeddings)

# --- scband reference (transcript-rebuilt; emitter-appended) ---
"""Pipeline reference for scband-relative-positional-encoding-51049981281195 (READ-ONLY COPY).

The authoritative reference and input builder live on the scoring server;
editing this copy changes nothing except your own understanding.
"""

import jax, jax.numpy as jnp
import numpy as np

MAX_REL = 32
EMB_DIM = 128
BATCH = 1
SEQ = 512

def setup_inputs(seed: int = 0) -> dict:
    key = jax.random.key(seed)
    k1, k2 = jax.random.split(key)
    input_embeddings = jax.random.normal(k1, (BATCH, SEQ, EMB_DIM), dtype=jnp.float32)
    relative_position_embeddings = jax.random.normal(k2, (2 * MAX_REL + 1, EMB_DIM), dtype=jnp.float32)
    return {
        "input_embeddings": input_embeddings,
        "relative_position_embeddings": relative_position_embeddings,
    }

def reference(input_embeddings, relative_position_embeddings):
    batch_size, sequence_length, embedding_dim = input_embeddings.shape
    position_indices = jnp.arange(sequence_length)
    relative_positions = position_indices[:, None] - position_indices[None, :]
    relative_positions = jnp.clip(relative_positions, -MAX_REL, MAX_REL)
    relative_positions = relative_positions + MAX_REL
    # gather: [S, S, D] embedding lookup from the relative-position table
    relative_embeddings = jnp.take(relative_position_embeddings, relative_positions, axis=0)
    # broadcast add: [B, S, D] + [S, S, D] -> [S, S, D] (B == 1)
    encoded_embeddings = input_embeddings + relative_embeddings
    # dropout is identity in eval mode
    return encoded_embeddings

if __name__ == "__main__":
    import jax
    _d = setup_inputs()
    print(jax.jit(kernel)(*tuple(_d.values())))

</pallas_src>

<mosaic_0001>
#map = affine_map<(d0, d1) -> (0, 0)>
#map1 = affine_map<(d0, d1) -> (0, 0, 0)>
module attributes {stable_mosaic.version = 14 : i64} {
  func.func @_sc_body(%arg0: i32, %arg1: i32, %arg2: memref<512x128xf32, #tpu.memory_space<hbm>>, %arg3: memref<65x128xf32, #tpu.memory_space<hbm>>, %arg4: memref<512x512x128xf32, #tpu.memory_space<hbm>>, %arg5: memref<96x128xf32, #tpu.memory_space<vmem>>, %arg6: memref<32x128xf32, #tpu.memory_space<vmem>>, %arg7: memref<65x128xf32, #tpu.memory_space<vmem>>, %arg8: memref<32x128xf32, #tpu.memory_space<vmem>>, %arg9: memref<32x128xf32, #tpu.memory_space<vmem>>, %arg10: memref<2x72x128xf32, #tpu.memory_space<vmem>>, %arg11: memref<512x128xf32, #tpu.memory_space<vmem_shared>>, %arg12: memref<512x128xf32, #tpu.memory_space<vmem_shared>>, %arg13: memref<!tpu.dma_semaphore, #tpu.memory_space<semaphore_mem>>, %arg14: memref<!tpu.dma_semaphore, #tpu.memory_space<semaphore_mem>>, %arg15: memref<!tpu.dma_semaphore, #tpu.memory_space<semaphore_mem>>, %arg16: memref<!tpu.dma_semaphore, #tpu.memory_space<semaphore_mem>>) attributes {dimension_semantics = [#tpu.dimension_semantics<core_parallel>, #tpu.dimension_semantics<subcore_parallel>], iteration_bounds = array<i64: 2, 16>, scalar_prefetch = 0 : i64, scratch_operands = 12 : i64, tpu.core_type = #tpu.core_type<sc_vector_subcore>, window_params = [{transform_indices = #map}, {transform_indices = #map}, {transform_indices = #map1}]} {
    %mul3A = arith.constant 16 : i32
    %mul3A_0 = arith.muli %arg0, %mul3A : i32
    %add3A = arith.addi %mul3A_0, %arg1 : i32
    %mul3A_1 = arith.constant 16 : i32
    %mul3A_2 = arith.muli %add3A, %mul3A_1 : i32
    %sub3A = arith.constant 32 : i32
    %sub3A_3 = arith.subi %mul3A_2, %sub3A : i32
    %sub3A_4 = arith.constant 8 : i32
    %sub3A_5 = arith.subi %sub3A_3, %sub3A_4 : i32
    %jit3A = arith.constant 0 : i32
    %jit3A_6 = arith.constant 416 : i32
    %max3A = arith.maxsi %jit3A, %sub3A_5 : i32
    %min3A = arith.minsi %jit3A_6, %max3A : i32
    %multiple_of3A = tpu.assume_multiple %min3A, 8 : i32
    %dma_start3A = arith.constant 0 : i32
    %dma_start3A_7 = tpu.memref_slice %arg2[%multiple_of3A, %dma_start3A] : memref<512x128xf32, #tpu.memory_space<hbm>> -> memref<96x128xf32, #tpu.memory_space<hbm>>
    %dma_start3A_8 = arith.constant 0 : i32
    %dma_start3A_9 = tpu.memref_slice %arg2[%multiple_of3A, %dma_start3A_8] : memref<512x128xf32, #tpu.memory_space<hbm>> -> memref<96x128xf32, #tpu.memory_space<hbm>>
    tpu.enqueue_dma source(%dma_start3A_9 : memref<96x128xf32, #tpu.memory_space<hbm>>) target(%arg5 : memref<96x128xf32, #tpu.memory_space<vmem>>) target_semaphore(%arg14 : memref<!tpu.dma_semaphore, #tpu.memory_space<semaphore_mem>>)
    "tpu.region"() ({
      %run_scoped3A = tpu.sem_alloc : memref<!tpu.dma_semaphore, #tpu.memory_space<semaphore_mem>>
      tpu.enqueue_dma source(%arg3 : memref<65x128xf32, #tpu.memory_space<hbm>>) target(%arg7 : memref<65x128xf32, #tpu.memory_space<vmem>>) target_semaphore(%run_scoped3A : memref<!tpu.dma_semaphore, #tpu.memory_space<semaphore_mem>>)
      tpu.wait_dma2 semaphore(%run_scoped3A : memref<!tpu.dma_semaphore, #tpu.memory_space<semaphore_mem>>) src(%arg3 : memref<65x128xf32, #tpu.memory_space<hbm>>) dst(%arg7 : memref<65x128xf32, #tpu.memory_space<vmem>>)
      tpu.yield
    }) : () -> ()
    %mul3A_10 = arith.constant 32 : i32
    %mul3A_11 = arith.muli %arg1, %mul3A_10 : i32
    "tpu.region"() ({
      %run_scoped3A = tpu.sem_alloc : memref<!tpu.dma_semaphore, #tpu.memory_space<semaphore_mem>>
      %dma_start3A_128 = arith.constant 0 : i32
      %dma_start3A_129 = tpu.memref_slice %arg2[%mul3A_11, %dma_start3A_128] : memref<512x128xf32, #tpu.memory_space<hbm>> -> memref<32x128xf32, #tpu.memory_space<hbm>>
      %dma_start3A_130 = arith.constant 0 : i32
      %dma_start3A_131 = tpu.memref_slice %arg2[%mul3A_11, %dma_start3A_130] : memref<512x128xf32, #tpu.memory_space<hbm>> -> memref<32x128xf32, #tpu.memory_space<hbm>>
      tpu.enqueue_dma source(%dma_start3A_131 : memref<32x128xf32, #tpu.memory_space<hbm>>) target(%arg6 : memref<32x128xf32, #tpu.memory_space<vmem>>) target_semaphore(%run_scoped3A : memref<!tpu.dma_semaphore, #tpu.memory_space<semaphore_mem>>)
      %dma_wait3A_132 = arith.constant 0 : i32
      %dma_wait3A_133 = tpu.memref_slice %arg2[%mul3A_11, %dma_wait3A_132] : memref<512x128xf32, #tpu.memory_space<hbm>> -> memref<32x128xf32, #tpu.memory_space<hbm>>
      %dma_wait3A_134 = arith.constant 0 : i32
      %dma_wait3A_135 = tpu.memref_slice %arg2[%mul3A_11, %dma_wait3A_134] : memref<512x128xf32, #tpu.memory_space<hbm>> -> memref<32x128xf32, #tpu.memory_space<hbm>>
      tpu.wait_dma2 semaphore(%run_scoped3A : memref<!tpu.dma_semaphore, #tpu.memory_space<semaphore_mem>>) src(%dma_wait3A_135 : memref<32x128xf32, #tpu.memory_space<hbm>>) dst(%arg6 : memref<32x128xf32, #tpu.memory_space<vmem>>)
      tpu.yield
    }) : () -> ()
    %scan3A = arith.constant 0 : i32
    %scan3A_12 = arith.constant 0 : i32
    %scan3A_13 = arith.constant 32 : i32
    %scan3A_14 = arith.addi %scan3A_12, %scan3A_13 : i32
    %scan3A_15 = arith.constant 1 : i32
    %scan3A_16 = scf.for %scan3A_128 = %scan3A_12 to %scan3A_14 step %scan3A_15 iter_args(%scan3A_129 = %scan3A) -> (i32)  : i32 {
      %get3A = arith.index_cast %scan3A_128 : i32 to index
      %get3A_130 = arith.constant 0 : index
      %get3A_131 = tpu.vector_load %arg6[%get3A, %get3A_130] {strides = array<i32>} : memref<32x128xf32, #tpu.memory_space<vmem>>, vector<1x16xf32>,
      %get3A_132 = vector.shape_cast %get3A_131 : vector<1x16xf32> to vector<16xf32>
      %get3A_133 = arith.constant 64 : i32
      %get3A_134 = arith.index_cast %get3A_133 : i32 to index
      %get3A_135 = arith.constant 0 : index
      %get3A_136 = tpu.vector_load %arg7[%get3A_134, %get3A_135] {strides = array<i32>} : memref<65x128xf32, #tpu.memory_space<vmem>>, vector<1x16xf32>,
      %get3A_137 = vector.shape_cast %get3A_136 : vector<1x16xf32> to vector<16xf32>
      %add3A_138 = arith.addf %get3A_132, %get3A_137 : vector<16xf32>
      %swap3A = arith.index_cast %scan3A_128 : i32 to index
      %swap3A_139 = arith.constant 0 : index
      %swap3A_140 = tpu.vector_load %arg8[%swap3A, %swap3A_139] {strides = array<i32>} : memref<32x128xf32, #tpu.memory_space<vmem>>, vector<1x16xf32>,
      %swap3A_141 = vector.shape_cast %swap3A_140 : vector<1x16xf32> to vector<16xf32>
      %swap3A_142 = vector.shape_cast %add3A_138 : vector<16xf32> to vector<1x16xf32>
      tpu.vector_store %arg8[%swap3A, %swap3A_139], %swap3A_142 {strides = array<i32>} : memref<32x128xf32, #tpu.memory_space<vmem>>, vector<1x16xf32>,
      %get3A_143 = arith.constant 0 : i32
      %get3A_144 = arith.index_cast %get3A_143 : i32 to index
      %get3A_145 = arith.constant 0 : index
      %get3A_146 = tpu.vector_load %arg7[%get3A_144, %get3A_145] {strides = array<i32>} : memref<65x128xf32, #tpu.memory_space<vmem>>, vector<1x16xf32>,
      %get3A_147 = vector.shape_cast %get3A_146 : vector<1x16xf32> to vector<16xf32>
      %add3A_148 = arith.addf %get3A_132, %get3A_147 : vector<16xf32>
      %swap3A_149 = arith.index_cast %scan3A_128 : i32 to index
      %swap3A_150 = arith.constant 0 : index
      %swap3A_151 = tpu.vector_load %arg9[%swap3A_149, %swap3A_150] {strides = array<i32>} : memref<32x128xf32, #tpu.memory_space<vmem>>, vector<1x16xf32>,
      %swap3A_152 = vector.shape_cast %swap3A_151 : vector<1x16xf32> to vector<16xf32>
      %swap3A_153 = vector.shape_cast %add3A_148 : vector<16xf32> to vector<1x16xf32>
      tpu.vector_store %arg9[%swap3A_149, %swap3A_150], %swap3A_153 {strides = array<i32>} : memref<32x128xf32, #tpu.memory_space<vmem>>, vector<1x16xf32>,
      %get3A_154 = arith.index_cast %scan3A_128 : i32 to index
      %get3A_155 = arith.constant 16 : index
      %get3A_156 = tpu.vector_load %arg6[%get3A_154, %get3A_155] {strides = array<i32>} : memref<32x128xf32, #tpu.memory_space<vmem>>, vector<1x16xf32>,
      %get3A_157 = vector.shape_cast %get3A_156 : vector<1x16xf32> to vector<16xf32>
      %get3A_158 = arith.constant 64 : i32
      %get3A_159 = arith.index_cast %get3A_158 : i32 to index
      %get3A_160 = arith.constant 16 : index
      %get3A_161 = tpu.vector_load %arg7[%get3A_159, %get3A_160] {strides = array<i32>} : memref<65x128xf32, #tpu.memory_space<vmem>>, vector<1x16xf32>,
      %get3A_162 = vector.shape_cast %get3A_161 : vector<1x16xf32> to vector<16xf32>
      %add3A_163 = arith.addf %get3A_157, %get3A_162 : vector<16xf32>
      %swap3A_164 = arith.index_cast %scan3A_128 : i32 to index
      %swap3A_165 = arith.constant 16 : index
      %swap3A_166 = tpu.vector_load %arg8[%swap3A_164, %swap3A_165] {strides = array<i32>} : memref<32x128xf32, #tpu.memory_space<vmem>>, vector<1x16xf32>,
      %swap3A_167 = vector.shape_cast %swap3A_166 : vector<1x16xf32> to vector<16xf32>
      %swap3A_168 = vector.shape_cast %add3A_163 : vector<16xf32> to vector<1x16xf32>
      tpu.vector_store %arg8[%swap3A_164, %swap3A_165], %swap3A_168 {strides = array<i32>} : memref<32x128xf32, #tpu.memory_space<vmem>>, vector<1x16xf32>,
      %get3A_169 = arith.constant 0 : i32
      %get3A_170 = arith.index_cast %get3A_169 : i32 to index
      %get3A_171 = arith.constant 16 : index
      %get3A_172 = tpu.vector_load %arg7[%get3A_170, %get3A_171] {strides = array<i32>} : memref<65x128xf32, #tpu.memory_space<vmem>>, vector<1x16xf32>,
      %get3A_173 = vector.shape_cast %get3A_172 : vector<1x16xf32> to vector<16xf32>
      %add3A_174 = arith.addf %get3A_157, %get3A_173 : vector<16xf32>
      %swap3A_175 = arith.index_cast %scan3A_128 : i32 to index
      %swap3A_176 = arith.constant 16 : index
      %swap3A_177 = tpu.vector_load %arg9[%swap3A_175, %swap3A_176] {strides = array<i32>} : memref<32x128xf32, #tpu.memory_space<vmem>>, vector<1x16xf32>,
      %swap3A_178 = vector.shape_cast %swap3A_177 : vector<1x16xf32> to vector<16xf32>
      %swap3A_179 = vector.shape_cast %add3A_174 : vector<16xf32> to vector<1x16xf32>
      tpu.vector_store %arg9[%swap3A_175, %swap3A_176], %swap3A_179 {strides = array<i32>} : memref<32x128xf32, #tpu.memory_space<vmem>>, vector<1x16xf32>,
      %get3A_180 = arith.index_cast %scan3A_128 : i32 to index
      %get3A_181 = arith.constant 32 : index
      %get3A_182 = tpu.vector_load %arg6[%get3A_180, %get3A_181] {strides = array<i32>} : memref<32x128xf32, #tpu.memory_space<vmem>>, vector<1x16xf32>,
      %get3A_183 = vector.shape_cast %get3A_182 : vector<1x16xf32> to vector<16xf32>
      %get3A_184 = arith.constant 64 : i32
      %get3A_185 = arith.index_cast %get3A_184 : i32 to index
      %get3A_186 = arith.constant 32 : index
      %get3A_187 = tpu.vector_load %arg7[%get3A_185, %get3A_186] {strides = array<i32>} : memref<65x128xf32, #tpu.memory_space<vmem>>, vector<1x16xf32>,
      %get3A_188 = vector.shape_cast %get3A_187 : vector<1x16xf32> to vector<16xf32>
      %add3A_189 = arith.addf %get3A_183, %get3A_188 : vector<16xf32>
      %swap3A_190 = arith.index_cast %scan3A_128 : i32 to index
      %swap3A_191 = arith.constant 32 : index
      %swap3A_192 = tpu.vector_load %arg8[%swap3A_190, %swap3A_191] {strides = array<i32>} : memref<32x128xf32, #tpu.memory_space<vmem>>, vector<1x16xf32>,
      %swap3A_193 = vector.shape_cast %swap3A_192 : vector<1x16xf32> to vector<16xf32>
      %swap3A_194 = vector.shape_cast %add3A_189 : vector<16xf32> to vector<1x16xf32>
      tpu.vector_store %arg8[%swap3A_190, %swap3A_191], %swap3A_194 {strides = array<i32>} : memref<32x128xf32, #tpu.memory_space<vmem>>, vector<1x16xf32>,
      %get3A_195 = arith.constant 0 : i32
      %get3A_196 = arith.index_cast %get3A_195 : i32 to index
      %get3A_197 = arith.constant 32 : index
      %get3A_198 = tpu.vector_load %arg7[%get3A_196, %get3A_197] {strides = array<i32>} : memref<65x128xf32, #tpu.memory_space<vmem>>, vector<1x16xf32>,
      %get3A_199 = vector.shape_cast %get3A_198 : vector<1x16xf32> to vector<16xf32>
      %add3A_200 = arith.addf %get3A_183, %get3A_199 : vector<16xf32>
      %swap3A_201 = arith.index_cast %scan3A_128 : i32 to index
      %swap3A_202 = arith.constant 32 : index
      %swap3A_203 = tpu.vector_load %arg9[%swap3A_201, %swap3A_202] {strides = array<i32>} : memref<32x128xf32, #tpu.memory_space<vmem>>, vector<1x16xf32>,
      %swap3A_204 = vector.shape_cast %swap3A_203 : vector<1x16xf32> to vector<16xf32>
      %swap3A_205 = vector.shape_cast %add3A_200 : vector<16xf32> to vector<1x16xf32>
      tpu.vector_store %arg9[%swap3A_201, %swap3A_202], %swap3A_205 {strides = array<i32>} : memref<32x128xf32, #tpu.memory_space<vmem>>, vector<1x16xf32>,
      %get3A_206 = arith.index_cast %scan3A_128 : i32 to index
      %get3A_207 = arith.constant 48 : index
      %get3A_208 = tpu.vector_load %arg6[%get3A_206, %get3A_207] {strides = array<i32>} : memref<32x128xf32, #tpu.memory_space<vmem>>, vector<1x16xf32>,
      %get3A_209 = vector.shape_cast %get3A_208 : vector<1x16xf32> to vector<16xf32>
      %get3A_210 = arith.constant 64 : i32
      %get3A_211 = arith.index_cast %get3A_210 : i32 to index
      %get3A_212 = arith.constant 48 : index
      %get3A_213 = tpu.vector_load %arg7[%get3A_211, %get3A_212] {strides = array<i32>} : memref<65x128xf32, #tpu.memory_space<vmem>>, vector<1x16xf32>,
      %get3A_214 = vector.shape_cast %get3A_213 : vector<1x16xf32> to vector<16xf32>
      %add3A_215 = arith.addf %get3A_209, %get3A_214 : vector<16xf32>
      %swap3A_216 = arith.index_cast %scan3A_128 : i32 to index
      %swap3A_217 = arith.constant 48 : index
      %swap3A_218 = tpu.vector_load %arg8[%swap3A_216, %swap3A_217] {strides = array<i32>} : memref<32x128xf32, #tpu.memory_space<vmem>>, vector<1x16xf32>,
      %swap3A_219 = vector.shape_cast %swap3A_218 : vector<1x16xf32> to vector<16xf32>
      %swap3A_220 = vector.shape_cast %add3A_215 : vector<16xf32> to vector<1x16xf32>
      tpu.vector_store %arg8[%swap3A_216, %swap3A_217], %swap3A_220 {strides = array<i32>} : memref<32x128xf32, #tpu.memory_space<vmem>>, vector<1x16xf32>,
      %get3A_221 = arith.constant 0 : i32
      %get3A_222 = arith.index_cast %get3A_221 : i32 to index
      %get3A_223 = arith.constant 48 : index
      %get3A_224 = tpu.vector_load %arg7[%get3A_222, %get3A_223] {strides = array<i32>} : memref<65x128xf32, #tpu.memory_space<vmem>>, vector<1x16xf32>,
      %get3A_225 = vector.shape_cast %get3A_224 : vector<1x16xf32> to vector<16xf32>
      %add3A_226 = arith.addf %get3A_209, %get3A_225 : vector<16xf32>
      %swap3A_227 = arith.index_cast %scan3A_128 : i32 to index
      %swap3A_228 = arith.constant 48 : index
      %swap3A_229 = tpu.vector_load %arg9[%swap3A_227, %swap3A_228] {strides = array<i32>} : memref<32x128xf32, #tpu.memory_space<vmem>>, vector<1x16xf32>,
      %swap3A_230 = vector.shape_cast %swap3A_229 : vector<1x16xf32> to vector<16xf32>
      %swap3A_231 = vector.shape_cast %add3A_226 : vector<16xf32> to vector<1x16xf32>
      tpu.vector_store %arg9[%swap3A_227, %swap3A_228], %swap3A_231 {strides = array<i32>} : memref<32x128xf32, #tpu.memory_space<vmem>>, vector<1x16xf32>,
      %get3A_232 = arith.index_cast %scan3A_128 : i32 to index
      %get3A_233 = arith.constant 64 : index
      %get3A_234 = tpu.vector_load %arg6[%get3A_232, %get3A_233] {strides = array<i32>} : memref<32x128xf32, #tpu.memory_space<vmem>>, vector<1x16xf32>,
      %get3A_235 = vector.shape_cast %get3A_234 : vector<1x16xf32> to vector<16xf32>
      %get3A_236 = arith.constant 64 : i32
      %get3A_237 = arith.index_cast %get3A_236 : i32 to index
      %get3A_238 = arith.constant 64 : index
      %get3A_239 = tpu.vector_load %arg7[%get3A_237, %get3A_238] {strides = array<i32>} : memref<65x128xf32, #tpu.memory_space<vmem>>, vector<1x16xf32>,
      %get3A_240 = vector.shape_cast %get3A_239 : vector<1x16xf32> to vector<16xf32>
      %add3A_241 = arith.addf %get3A_235, %get3A_240 : vector<16xf32>
      %swap3A_242 = arith.index_cast %scan3A_128 : i32 to index
      %swap3A_243 = arith.constant 64 : index
      %swap3A_244 = tpu.vector_load %arg8[%swap3A_242, %swap3A_243] {strides = array<i32>} : memref<32x128xf32, #tpu.memory_space<vmem>>, vector<1x16xf32>,
      %swap3A_245 = vector.shape_cast %swap3A_244 : vector<1x16xf32> to vector<16xf32>
      %swap3A_246 = vector.shape_cast %add3A_241 : vector<16xf32> to vector<1x16xf32>
      tpu.vector_store %arg8[%swap3A_242, %swap3A_243], %swap3A_246 {strides = array<i32>} : memref<32x128xf32, #tpu.memory_space<vmem>>, vector<1x16xf32>,
      %get3A_247 = arith.constant 0 : i32
      %get3A_248 = arith.index_cast %get3A_247 : i32 to index
      %get3A_249 = arith.constant 64 : index
      %get3A_250 = tpu.vector_load %arg7[%get3A_248, %get3A_249] {strides = array<i32>} : memref<65x128xf32, #tpu.memory_space<vmem>>, vector<1x16xf32>,
      %get3A_251 = vector.shape_cast %get3A_250 : vector<1x16xf32> to vector<16xf32>
      %add3A_252 = arith.addf %get3A_235, %get3A_251 : vector<16xf32>
      %swap3A_253 = arith.index_cast %scan3A_128 : i32 to index
      %swap3A_254 = arith.constant 64 : index
      %swap3A_255 = tpu.vector_load %arg9[%swap3A_253, %swap3A_254] {strides = array<i32>} : memref<32x128xf32, #tpu.memory_space<vmem>>, vector<1x16xf32>,
      %swap3A_256 = vector.shape_cast %swap3A_255 : vector<1x16xf32> to vector<16xf32>
      %swap3A_257 = vector.shape_cast %add3A_252 : vector<16xf32> to vector<1x16xf32>
      tpu.vector_store %arg9[%swap3A_253, %swap3A_254], %swap3A_257 {strides = array<i32>} : memref<32x128xf32, #tpu.memory_space<vmem>>, vector<1x16xf32>,
      %get3A_258 = arith.index_cast %scan3A_128 : i32 to index
      %get3A_259 = arith.constant 80 : index
      %get3A_260 = tpu.vector_load %arg6[%get3A_258, %get3A_259] {strides = array<i32>} : memref<32x128xf32, #tpu.memory_space<vmem>>, vector<1x16xf32>,
      %get3A_261 = vector.shape_cast %get3A_260 : vector<1x16xf32> to vector<16xf32>
      %get3A_262 = arith.constant 64 : i32
      %get3A_263 = arith.index_cast %get3A_262 : i32 to index
      %get3A_264 = arith.constant 80 : index
      %get3A_265 = tpu.vector_load %arg7[%get3A_263, %get3A_264] {strides = array<i32>} : memref<65x128xf32, #tpu.memory_space<vmem>>, vector<1x16xf32>,
      %get3A_266 = vector.shape_cast %get3A_265 : vector<1x16xf32> to vector<16xf32>
      %add3A_267 = arith.addf %get3A_261, %get3A_266 : vector<16xf32>
      %swap3A_268 = arith.index_cast %scan3A_128 : i32 to index
      %swap3A_269 = arith.constant 80 : index
      %swap3A_270 = tpu.vector_load %arg8[%swap3A_268, %swap3A_269] {strides = array<i32>} : memref<32x128xf32, #tpu.memory_space<vmem>>, vector<1x16xf32>,
      %swap3A_271 = vector.shape_cast %swap3A_270 : vector<1x16xf32> to vector<16xf32>
      %swap3A_272 = vector.shape_cast %add3A_267 : vector<16xf32> to vector<1x16xf32>
      tpu.vector_store %arg8[%swap3A_268, %swap3A_269], %swap3A_272 {strides = array<i32>} : memref<32x128xf32, #tpu.memory_space<vmem>>, vector<1x16xf32>,
      %get3A_273 = arith.constant 0 : i32
      %get3A_274 = arith.index_cast %get3A_273 : i32 to index
      %get3A_275 = arith.constant 80 : index
      %get3A_276 = tpu.vector_load %arg7[%get3A_274, %get3A_275] {strides = array<i32>} : memref<65x128xf32, #tpu.memory_space<vmem>>, vector<1x16xf32>,
      %get3A_277 = vector.shape_cast %get3A_276 : vector<1x16xf32> to vector<16xf32>
      %add3A_278 = arith.addf %get3A_261, %get3A_277 : vector<16xf32>
      %swap3A_279 = arith.index_cast %scan3A_128 : i32 to index
      %swap3A_280 = arith.constant 80 : index
      %swap3A_281 = tpu.vector_load %arg9[%swap3A_279, %swap3A_280] {strides = array<i32>} : memref<32x128xf32, #tpu.memory_space<vmem>>, vector<1x16xf32>,
      %swap3A_282 = vector.shape_cast %swap3A_281 : vector<1x16xf32> to vector<16xf32>
      %swap3A_283 = vector.shape_cast %add3A_278 : vector<16xf32> to vector<1x16xf32>
      tpu.vector_store %arg9[%swap3A_279, %swap3A_280], %swap3A_283 {strides = array<i32>} : memref<32x128xf32, #tpu.memory_space<vmem>>, vector<1x16xf32>,
      %get3A_284 = arith.index_cast %scan3A_128 : i32 to index
      %get3A_285 = arith.constant 96 : index
      %get3A_286 = tpu.vector_load %arg6[%get3A_284, %get3A_285] {strides = array<i32>} : memref<32x128xf32, #tpu.memory_space<vmem>>, vector<1x16xf32>,
      %get3A_287 = vector.shape_cast %get3A_286 : vector<1x16xf32> to vector<16xf32>
      %get3A_288 = arith.constant 64 : i32
      %get3A_289 = arith.index_cast %get3A_288 : i32 to index
      %get3A_290 = arith.constant 96 : index
      %get3A_291 = tpu.vector_load %arg7[%get3A_289, %get3A_290] {strides = array<i32>} : memref<65x128xf32, #tpu.memory_space<vmem>>, vector<1x16xf32>,
      %get3A_292 = vector.shape_cast %get3A_291 : vector<1x16xf32> to vector<16xf32>
      %add3A_293 = arith.addf %get3A_287, %get3A_292 : vector<16xf32>
      %swap3A_294 = arith.index_cast %scan3A_128 : i32 to index
      %swap3A_295 = arith.constant 96 : index
      %swap3A_296 = tpu.vector_load %arg8[%swap3A_294, %swap3A_295] {strides = array<i32>} : memref<32x128xf32, #tpu.memory_space<vmem>>, vector<1x16xf32>,
      %swap3A_297 = vector.shape_cast %swap3A_296 : vector<1x16xf32> to vector<16xf32>
      %swap3A_298 = vector.shape_cast %add3A_293 : vector<16xf32> to vector<1x16xf32>
      tpu.vector_store %arg8[%swap3A_294, %swap3A_295], %swap3A_298 {strides = array<i32>} : memref<32x128xf32, #tpu.memory_space<vmem>>, vector<1x16xf32>,
      %get3A_299 = arith.constant 0 : i32
      %get3A_300 = arith.index_cast %get3A_299 : i32 to index
      %get3A_301 = arith.constant 96 : index
      %get3A_302 = tpu.vector_load %arg7[%get3A_300, %get3A_301] {strides = array<i32>} : memref<65x128xf32, #tpu.memory_space<vmem>>, vector<1x16xf32>,
      %get3A_303 = vector.shape_cast %get3A_302 : vector<1x16xf32> to vector<16xf32>
      %add3A_304 = arith.addf %get3A_287, %get3A_303 : vector<16xf32>
      %swap3A_305 = arith.index_cast %scan3A_128 : i32 to index
      %swap3A_306 = arith.constant 96 : index
      %swap3A_307 = tpu.vector_load %arg9[%swap3A_305, %swap3A_306] {strides = array<i32>} : memref<32x128xf32, #tpu.memory_space<vmem>>, vector<1x16xf32>,
      %swap3A_308 = vector.shape_cast %swap3A_307 : vector<1x16xf32> to vector<16xf32>
      %swap3A_309 = vector.shape_cast %add3A_304 : vector<16xf32> to vector<1x16xf32>
      tpu.vector_store %arg9[%swap3A_305, %swap3A_306], %swap3A_309 {strides = array<i32>} : memref<32x128xf32, #tpu.memory_space<vmem>>, vector<1x16xf32>,
      %get3A_310 = arith.index_cast %scan3A_128 : i32 to index
      %get3A_311 = arith.constant 112 : index
      %get3A_312 = tpu.vector_load %arg6[%get3A_310, %get3A_311] {strides = array<i32>} : memref<32x128xf32, #tpu.memory_space<vmem>>, vector<1x16xf32>,
      %get3A_313 = vector.shape_cast %get3A_312 : vector<1x16xf32> to vector<16xf32>
      %get3A_314 = arith.constant 64 : i32
      %get3A_315 = arith.index_cast %get3A_314 : i32 to index
      %get3A_316 = arith.constant 112 : index
      %get3A_317 = tpu.vector_load %arg7[%get3A_315, %get3A_316] {strides = array<i32>} : memref<65x128xf32, #tpu.memory_space<vmem>>, vector<1x16xf32>,
      %get3A_318 = vector.shape_cast %get3A_317 : vector<1x16xf32> to vector<16xf32>
      %add3A_319 = arith.addf %get3A_313, %get3A_318 : vector<16xf32>
      %swap3A_320 = arith.index_cast %scan3A_128 : i32 to index
      %swap3A_321 = arith.constant 112 : index
      %swap3A_322 = tpu.vector_load %arg8[%swap3A_320, %swap3A_321] {strides = array<i32>} : memref<32x128xf32, #tpu.memory_space<vmem>>, vector<1x16xf32>,
      %swap3A_323 = vector.shape_cast %swap3A_322 : vector<1x16xf32> to vector<16xf32>
      %swap3A_324 = vector.shape_cast %add3A_319 : vector<16xf32> to vector<1x16xf32>
      tpu.vector_store %arg8[%swap3A_320, %swap3A_321], %swap3A_324 {strides = array<i32>} : memref<32x128xf32, #tpu.memory_space<vmem>>, vector<1x16xf32>,
      %get3A_325 = arith.constant 0 : i32
      %get3A_326 = arith.index_cast %get3A_325 : i32 to index
      %get3A_327 = arith.constant 112 : index
      %get3A_328 = tpu.vector_load %arg7[%get3A_326, %get3A_327] {strides = array<i32>} : memref<65x128xf32, #tpu.memory_space<vmem>>, vector<1x16xf32>,
      %get3A_329 = vector.shape_cast %get3A_328 : vector<1x16xf32> to vector<16xf32>
      %add3A_330 = arith.addf %get3A_313, %get3A_329 : vector<16xf32>
      %swap3A_331 = arith.index_cast %scan3A_128 : i32 to index
      %swap3A_332 = arith.constant 112 : index
      %swap3A_333 = tpu.vector_load %arg9[%swap3A_331, %swap3A_332] {strides = array<i32>} : memref<32x128xf32, #tpu.memory_space<vmem>>, vector<1x16xf32>,
      %swap3A_334 = vector.shape_cast %swap3A_333 : vector<1x16xf32> to vector<16xf32>
      %swap3A_335 = vector.shape_cast %add3A_330 : vector<16xf32> to vector<1x16xf32>
      tpu.vector_store %arg9[%swap3A_331, %swap3A_332], %swap3A_335 {strides = array<i32>} : memref<32x128xf32, #tpu.memory_space<vmem>>, vector<1x16xf32>,
      %scan3A_336 = arith.constant 0 : i32
      scf.yield %scan3A_336 : i32
    }
    %scan3A_17 = arith.constant 32 : i32
    %mul3A_18 = arith.constant 32 : i32
    %mul3A_19 = arith.muli %arg1, %mul3A_18 : i32
    "tpu.region"() ({
      %run_scoped3A = tpu.sem_alloc : memref<!tpu.dma_semaphore, #tpu.memory_space<semaphore_mem>>
      %dma_start3A_128 = arith.constant 0 : i32
      %dma_start3A_129 = tpu.memref_slice %arg11[%mul3A_19, %dma_start3A_128] : memref<512x128xf32, #tpu.memory_space<vmem_shared>> -> memref<32x128xf32, #tpu.memory_space<vmem_shared>>
      %dma_start3A_130 = arith.constant 0 : i32
      %dma_start3A_131 = tpu.memref_slice %arg11[%mul3A_19, %dma_start3A_130] : memref<512x128xf32, #tpu.memory_space<vmem_shared>> -> memref<32x128xf32, #tpu.memory_space<vmem_shared>>
      tpu.enqueue_dma source(%arg8 : memref<32x128xf32, #tpu.memory_space<vmem>>) target(%dma_start3A_131 : memref<32x128xf32, #tpu.memory_space<vmem_shared>>) target_semaphore(%run_scoped3A : memref<!tpu.dma_semaphore, #tpu.memory_space<semaphore_mem>>)
      %dma_wait3A_132 = arith.constant 0 : i32
      %dma_wait3A_133 = tpu.memref_slice %arg11[%mul3A_19, %dma_wait3A_132] : memref<512x128xf32, #tpu.memory_space<vmem_shared>> -> memref<32x128xf32, #tpu.memory_space<vmem_shared>>
      %dma_wait3A_134 = arith.constant 0 : i32
      %dma_wait3A_135 = tpu.memref_slice %arg11[%mul3A_19, %dma_wait3A_134] : memref<512x128xf32, #tpu.memory_space<vmem_shared>> -> memref<32x128xf32, #tpu.memory_space<vmem_shared>>
      tpu.wait_dma2 semaphore(%run_scoped3A : memref<!tpu.dma_semaphore, #tpu.memory_space<semaphore_mem>>) src(%arg8 : memref<32x128xf32, #tpu.memory_space<vmem>>) dst(%dma_wait3A_135 : memref<32x128xf32, #tpu.memory_space<vmem_shared>>)
      tpu.yield
    }) : () -> ()
    %mul3A_20 = arith.constant 32 : i32
    %mul3A_21 = arith.muli %arg1, %mul3A_20 : i32
    "tpu.region"() ({
      %run_scoped3A = tpu.sem_alloc : memref<!tpu.dma_semaphore, #tpu.memory_space<semaphore_mem>>
      %dma_start3A_128 = arith.constant 0 : i32
      %dma_start3A_129 = tpu.memref_slice %arg12[%mul3A_21, %dma_start3A_128] : memref<512x128xf32, #tpu.memory_space<vmem_shared>> -> memref<32x128xf32, #tpu.memory_space<vmem_shared>>
      %dma_start3A_130 = arith.constant 0 : i32
      %dma_start3A_131 = tpu.memref_slice %arg12[%mul3A_21, %dma_start3A_130] : memref<512x128xf32, #tpu.memory_space<vmem_shared>> -> memref<32x128xf32, #tpu.memory_space<vmem_shared>>
      tpu.enqueue_dma source(%arg9 : memref<32x128xf32, #tpu.memory_space<vmem>>) target(%dma_start3A_131 : memref<32x128xf32, #tpu.memory_space<vmem_shared>>) target_semaphore(%run_scoped3A : memref<!tpu.dma_semaphore, #tpu.memory_space<semaphore_mem>>)
      %dma_wait3A_132 = arith.constant 0 : i32
      %dma_wait3A_133 = tpu.memref_slice %arg12[%mul3A_21, %dma_wait3A_132] : memref<512x128xf32, #tpu.memory_space<vmem_shared>> -> memref<32x128xf32, #tpu.memory_space<vmem_shared>>
      %dma_wait3A_134 = arith.constant 0 : i32
      %dma_wait3A_135 = tpu.memref_slice %arg12[%mul3A_21, %dma_wait3A_134] : memref<512x128xf32, #tpu.memory_space<vmem_shared>> -> memref<32x128xf32, #tpu.memory_space<vmem_shared>>
      tpu.wait_dma2 semaphore(%run_scoped3A : memref<!tpu.dma_semaphore, #tpu.memory_space<semaphore_mem>>) src(%arg9 : memref<32x128xf32, #tpu.memory_space<vmem>>) dst(%dma_wait3A_135 : memref<32x128xf32, #tpu.memory_space<vmem_shared>>)
      tpu.yield
    }) : () -> ()
    %barrier3A = arith.constant 0 : index
    tpu.barrier barrier_id(%barrier3A)
    %dma_wait3A = arith.constant 0 : i32
    %dma_wait3A_22 = tpu.memref_slice %arg2[%multiple_of3A, %dma_wait3A] : memref<512x128xf32, #tpu.memory_space<hbm>> -> memref<96x128xf32, #tpu.memory_space<hbm>>
    %dma_wait3A_23 = arith.constant 0 : i32
    %dma_wait3A_24 = tpu.memref_slice %arg2[%multiple_of3A, %dma_wait3A_23] : memref<512x128xf32, #tpu.memory_space<hbm>> -> memref<96x128xf32, #tpu.memory_space<hbm>>
    tpu.wait_dma2 semaphore(%arg14 : memref<!tpu.dma_semaphore, #tpu.memory_space<semaphore_mem>>) src(%dma_wait3A_24 : memref<96x128xf32, #tpu.memory_space<hbm>>) dst(%arg5 : memref<96x128xf32, #tpu.memory_space<vmem>>)
    %scan3A_25 = arith.constant 0 : i32
    %scan3A_26 = arith.constant 0 : i32
    %scan3A_27 = arith.constant 16 : i32
    %scan3A_28 = arith.addi %scan3A_26, %scan3A_27 : i32
    %scan3A_29 = arith.constant 1 : i32
    %scan3A_30 = scf.for %scan3A_128 = %scan3A_26 to %scan3A_28 step %scan3A_29 iter_args(%scan3A_129 = %scan3A_25) -> (i32)  : i32 {
      %add3A_130 = arith.addi %mul3A_2, %scan3A_128 : i32
      %sub3A_131 = arith.constant 32 : i32
      %sub3A_132 = arith.subi %add3A_130, %sub3A_131 : i32
      %jit3A_133 = arith.constant 0 : i32
      %jit3A_134 = arith.constant 440 : i32
      %max3A_135 = arith.maxsi %jit3A_133, %sub3A_132 : i32
      %min3A_136 = arith.minsi %jit3A_134, %max3A_135 : i32
      %jit3A_137 = arith.constant 8 : i32
      %div3A_138 = arith.divsi %min3A_136, %jit3A_137 : i32
      %sign3A_139 = arith.constant 0 : i32
      %sign3A_140 = arith.cmpi sgt, %min3A_136, %sign3A_139 : i32
      %sign3A_141 = arith.extui %sign3A_140 : i1 to i32
      %sign3A_142 = arith.constant 0 : i32
      %sign3A_143 = arith.cmpi slt, %min3A_136, %sign3A_142 : i32
      %sign3A_144 = arith.extui %sign3A_143 : i1 to i32
      %sign3A_145 = arith.subi %sign3A_141, %sign3A_144 : i32
      %sign3A_146 = arith.constant 0 : i32
      %sign3A_147 = arith.cmpi sgt, %jit3A_137, %sign3A_146 : i32
      %sign3A_148 = arith.extui %sign3A_147 : i1 to i32
      %sign3A_149 = arith.constant 0 : i32
      %sign3A_150 = arith.cmpi slt, %jit3A_137, %sign3A_149 : i32
      %sign3A_151 = arith.extui %sign3A_150 : i1 to i32
      %sign3A_152 = arith.subi %sign3A_148, %sign3A_151 : i32
      %ne3A_153 = arith.cmpi ne, %sign3A_145, %sign3A_152 : i32
      %rem3A_154 = arith.remsi %min3A_136, %jit3A_137 : i32
      %ne3A_155 = arith.constant 0 : i32
      %ne3A_156 = arith.cmpi ne, %rem3A_154, %ne3A_155 : i32
      %and3A_157 = arith.andi %ne3A_153, %ne3A_156 : i1
      %sub3A_158 = arith.constant 1 : i32
      %sub3A_159 = arith.subi %div3A_138, %sub3A_158 : i32
      %select_n3A_160 = arith.select %and3A_157, %sub3A_159, %div3A_138 : i32
      %mul3A_161 = arith.constant 8 : i32
      %mul3A_162 = arith.muli %select_n3A_160, %mul3A_161 : i32
      %sub3A_163 = arith.constant 440 : i32
      %sub3A_164 = arith.subi %sub3A_163, %mul3A_162 : i32
      %rem3A_165 = arith.constant 2 : i32
      %rem3A_166 = arith.remsi %scan3A_128, %rem3A_165 : i32
      %jit3A_167 = arith.constant 256 : i32
      %div3A_168 = arith.divsi %mul3A_162, %jit3A_167 : i32
      %sign3A_169 = arith.constant 0 : i32
      %sign3A_170 = arith.cmpi sgt, %mul3A_162, %sign3A_169 : i32
      %sign3A_171 = arith.extui %sign3A_170 : i1 to i32
      %sign3A_172 = arith.constant 0 : i32
      %sign3A_173 = arith.cmpi slt, %mul3A_162, %sign3A_172 : i32
      %sign3A_174 = arith.extui %sign3A_173 : i1 to i32
      %sign3A_175 = arith.subi %sign3A_171, %sign3A_174 : i32
      %sign3A_176 = arith.constant 0 : i32
      %sign3A_177 = arith.cmpi sgt, %jit3A_167, %sign3A_176 : i32
      %sign3A_178 = arith.extui %sign3A_177 : i1 to i32
      %sign3A_179 = arith.constant 0 : i32
      %sign3A_180 = arith.cmpi slt, %jit3A_167, %sign3A_179 : i32
      %sign3A_181 = arith.extui %sign3A_180 : i1 to i32
      %sign3A_182 = arith.subi %sign3A_178, %sign3A_181 : i32
      %ne3A_183 = arith.cmpi ne, %sign3A_175, %sign3A_182 : i32
      %rem3A_184 = arith.remsi %mul3A_162, %jit3A_167 : i32
      %ne3A_185 = arith.constant 0 : i32
      %ne3A_186 = arith.cmpi ne, %rem3A_184, %ne3A_185 : i32
      %and3A_187 = arith.andi %ne3A_183, %ne3A_186 : i1
      %sub3A_188 = arith.constant 1 : i32
      %sub3A_189 = arith.subi %div3A_168, %sub3A_188 : i32
      %select_n3A_190 = arith.select %and3A_187, %sub3A_189, %div3A_168 : i32
      %jit3A_191 = arith.constant 2 : i32
      %eq3A_192 = arith.constant 0 : i32
      %eq3A_193 = arith.cmpi eq, %jit3A_191, %eq3A_192 : i32
      %jit3A_194 = arith.constant 1 : i32
      %select_n3A_195 = arith.select %eq3A_193, %jit3A_194, %jit3A_191 : i32
      %rem3A_196 = arith.remsi %select_n3A_190, %select_n3A_195 : i32
      %ne3A_197 = arith.constant 0 : i32
      %ne3A_198 = arith.cmpi ne, %rem3A_196, %ne3A_197 : i32
      %lt3A = arith.constant 0 : i32
      %lt3A_199 = arith.cmpi slt, %rem3A_196, %lt3A : i32
      %lt3A_200 = arith.constant 0 : i32
      %lt3A_201 = arith.cmpi slt, %select_n3A_195, %lt3A_200 : i32
      %ne3A_202 = arith.xori %lt3A_199, %lt3A_201 : i1
      %and3A_203 = arith.andi %ne3A_202, %ne3A_198 : i1
      %add3A_204 = arith.addi %rem3A_196, %select_n3A_195 : i32
      %select_n3A_205 = arith.select %and3A_203, %add3A_204, %rem3A_196 : i32
      %ne3A_206 = arith.constant 0 : i32
      %ne3A_207 = arith.cmpi ne, %select_n3A_205, %ne3A_206 : i32
      %mul3A_208 = arith.constant 256 : i32
      %mul3A_209 = arith.muli %select_n3A_205, %mul3A_208 : i32
      %add3A_210 = arith.constant 0 : i32
      %add3A_211 = arith.addi %add3A_210, %mul3A_209 : i32
      %jit3A_212 = arith.constant 128 : i32
      %div3A_213 = arith.divsi %mul3A_162, %jit3A_212 : i32
      %sign3A_214 = arith.constant 0 : i32
      %sign3A_215 = arith.cmpi sgt, %mul3A_162, %sign3A_214 : i32
      %sign3A_216 = arith.extui %sign3A_215 : i1 to i32
      %sign3A_217 = arith.constant 0 : i32
      %sign3A_218 = arith.cmpi slt, %mul3A_162, %sign3A_217 : i32
      %sign3A_219 = arith.extui %sign3A_218 : i1 to i32
      %sign3A_220 = arith.subi %sign3A_216, %sign3A_219 : i32
      %sign3A_221 = arith.constant 0 : i32
      %sign3A_222 = arith.cmpi sgt, %jit3A_212, %sign3A_221 : i32
      %sign3A_223 = arith.extui %sign3A_222 : i1 to i32
      %sign3A_224 = arith.constant 0 : i32
      %sign3A_225 = arith.cmpi slt, %jit3A_212, %sign3A_224 : i32
      %sign3A_226 = arith.extui %sign3A_225 : i1 to i32
      %sign3A_227 = arith.subi %sign3A_223, %sign3A_226 : i32
      %ne3A_228 = arith.cmpi ne, %sign3A_220, %sign3A_227 : i32
      %rem3A_229 = arith.remsi %mul3A_162, %jit3A_212 : i32
      %ne3A_230 = arith.constant 0 : i32
      %ne3A_231 = arith.cmpi ne, %rem3A_229, %ne3A_230 : i32
      %and3A_232 = arith.andi %ne3A_228, %ne3A_231 : i1
      %sub3A_233 = arith.constant 1 : i32
      %sub3A_234 = arith.subi %div3A_213, %sub3A_233 : i32
      %select_n3A_235 = arith.select %and3A_232, %sub3A_234, %div3A_213 : i32
      %jit3A_236 = arith.constant 2 : i32
      %eq3A_237 = arith.constant 0 : i32
      %eq3A_238 = arith.cmpi eq, %jit3A_236, %eq3A_237 : i32
      %jit3A_239 = arith.constant 1 : i32
      %select_n3A_240 = arith.select %eq3A_238, %jit3A_239, %jit3A_236 : i32
      %rem3A_241 = arith.remsi %select_n3A_235, %select_n3A_240 : i32
      %ne3A_242 = arith.constant 0 : i32
      %ne3A_243 = arith.cmpi ne, %rem3A_241, %ne3A_242 : i32
      %lt3A_244 = arith.constant 0 : i32
      %lt3A_245 = arith.cmpi slt, %rem3A_241, %lt3A_244 : i32
      %lt3A_246 = arith.constant 0 : i32
      %lt3A_247 = arith.cmpi slt, %select_n3A_240, %lt3A_246 : i32
      %ne3A_248 = arith.xori %lt3A_245, %lt3A_247 : i1
      %and3A_249 = arith.andi %ne3A_248, %ne3A_243 : i1
      %add3A_250 = arith.addi %rem3A_241, %select_n3A_240 : i32
      %select_n3A_251 = arith.select %and3A_249, %add3A_250, %rem3A_241 : i32
      %ne3A_252 = arith.constant 0 : i32
      %ne3A_253 = arith.cmpi ne, %select_n3A_251, %ne3A_252 : i32
      %mul3A_254 = arith.constant 128 : i32
      %mul3A_255 = arith.muli %select_n3A_251, %mul3A_254 : i32
      %add3A_256 = arith.addi %add3A_211, %mul3A_255 : i32
      %jit3A_257 = arith.constant 64 : i32
      %div3A_258 = arith.divsi %mul3A_162, %jit3A_257 : i32
      %sign3A_259 = arith.constant 0 : i32
      %sign3A_260 = arith.cmpi sgt, %mul3A_162, %sign3A_259 : i32
      %sign3A_261 = arith.extui %sign3A_260 : i1 to i32
      %sign3A_262 = arith.constant 0 : i32
      %sign3A_263 = arith.cmpi slt, %mul3A_162, %sign3A_262 : i32
      %sign3A_264 = arith.extui %sign3A_263 : i1 to i32
      %sign3A_265 = arith.subi %sign3A_261, %sign3A_264 : i32
      %sign3A_266 = arith.constant 0 : i32
      %sign3A_267 = arith.cmpi sgt, %jit3A_257, %sign3A_266 : i32
      %sign3A_268 = arith.extui %sign3A_267 : i1 to i32
      %sign3A_269 = arith.constant 0 : i32
      %sign3A_270 = arith.cmpi slt, %jit3A_257, %sign3A_269 : i32
      %sign3A_271 = arith.extui %sign3A_270 : i1 to i32
      %sign3A_272 = arith.subi %sign3A_268, %sign3A_271 : i32
      %ne3A_273 = arith.cmpi ne, %sign3A_265, %sign3A_272 : i32
      %rem3A_274 = arith.remsi %mul3A_162, %jit3A_257 : i32
      %ne3A_275 = arith.constant 0 : i32
      %ne3A_276 = arith.cmpi ne, %rem3A_274, %ne3A_275 : i32
      %and3A_277 = arith.andi %ne3A_273, %ne3A_276 : i1
      %sub3A_278 = arith.constant 1 : i32
      %sub3A_279 = arith.subi %div3A_258, %sub3A_278 : i32
      %select_n3A_280 = arith.select %and3A_277, %sub3A_279, %div3A_258 : i32
      %jit3A_281 = arith.constant 2 : i32
      %eq3A_282 = arith.constant 0 : i32
      %eq3A_283 = arith.cmpi eq, %jit3A_281, %eq3A_282 : i32
      %jit3A_284 = arith.constant 1 : i32
      %select_n3A_285 = arith.select %eq3A_283, %jit3A_284, %jit3A_281 : i32
      %rem3A_286 = arith.remsi %select_n3A_280, %select_n3A_285 : i32
      %ne3A_287 = arith.constant 0 : i32
      %ne3A_288 = arith.cmpi ne, %rem3A_286, %ne3A_287 : i32
      %lt3A_289 = arith.constant 0 : i32
      %lt3A_290 = arith.cmpi slt, %rem3A_286, %lt3A_289 : i32
      %lt3A_291 = arith.constant 0 : i32
      %lt3A_292 = arith.cmpi slt, %select_n3A_285, %lt3A_291 : i32
      %ne3A_293 = arith.xori %lt3A_290, %lt3A_292 : i1
      %and3A_294 = arith.andi %ne3A_293, %ne3A_288 : i1
      %add3A_295 = arith.addi %rem3A_286, %select_n3A_285 : i32
      %select_n3A_296 = arith.select %and3A_294, %add3A_295, %rem3A_286 : i32
      %ne3A_297 = arith.constant 0 : i32
      %ne3A_298 = arith.cmpi ne, %select_n3A_296, %ne3A_297 : i32
      %mul3A_299 = arith.constant 64 : i32
      %mul3A_300 = arith.muli %select_n3A_296, %mul3A_299 : i32
      %add3A_301 = arith.addi %add3A_256, %mul3A_300 : i32
      %jit3A_302 = arith.constant 32 : i32
      %div3A_303 = arith.divsi %mul3A_162, %jit3A_302 : i32
      %sign3A_304 = arith.constant 0 : i32
      %sign3A_305 = arith.cmpi sgt, %mul3A_162, %sign3A_304 : i32
      %sign3A_306 = arith.extui %sign3A_305 : i1 to i32
      %sign3A_307 = arith.constant 0 : i32
      %sign3A_308 = arith.cmpi slt, %mul3A_162, %sign3A_307 : i32
      %sign3A_309 = arith.extui %sign3A_308 : i1 to i32
      %sign3A_310 = arith.subi %sign3A_306, %sign3A_309 : i32
      %sign3A_311 = arith.constant 0 : i32
      %sign3A_312 = arith.cmpi sgt, %jit3A_302, %sign3A_311 : i32
      %sign3A_313 = arith.extui %sign3A_312 : i1 to i32
      %sign3A_314 = arith.constant 0 : i32
      %sign3A_315 = arith.cmpi slt, %jit3A_302, %sign3A_314 : i32
      %sign3A_316 = arith.extui %sign3A_315 : i1 to i32
      %sign3A_317 = arith.subi %sign3A_313, %sign3A_316 : i32
      %ne3A_318 = arith.cmpi ne, %sign3A_310, %sign3A_317 : i32
      %rem3A_319 = arith.remsi %mul3A_162, %jit3A_302 : i32
      %ne3A_320 = arith.constant 0 : i32
      %ne3A_321 = arith.cmpi ne, %rem3A_319, %ne3A_320 : i32
      %and3A_322 = arith.andi %ne3A_318, %ne3A_321 : i1
      %sub3A_323 = arith.constant 1 : i32
      %sub3A_324 = arith.subi %div3A_303, %sub3A_323 : i32
      %select_n3A_325 = arith.select %and3A_322, %sub3A_324, %div3A_303 : i32
      %jit3A_326 = arith.constant 2 : i32
      %eq3A_327 = arith.constant 0 : i32
      %eq3A_328 = arith.cmpi eq, %jit3A_326, %eq3A_327 : i32
      %jit3A_329 = arith.constant 1 : i32
      %select_n3A_330 = arith.select %eq3A_328, %jit3A_329, %jit3A_326 : i32
      %rem3A_331 = arith.remsi %select_n3A_325, %select_n3A_330 : i32
      %ne3A_332 = arith.constant 0 : i32
      %ne3A_333 = arith.cmpi ne, %rem3A_331, %ne3A_332 : i32
      %lt3A_334 = arith.constant 0 : i32
      %lt3A_335 = arith.cmpi slt, %rem3A_331, %lt3A_334 : i32
      %lt3A_336 = arith.constant 0 : i32
      %lt3A_337 = arith.cmpi slt, %select_n3A_330, %lt3A_336 : i32
      %ne3A_338 = arith.xori %lt3A_335, %lt3A_337 : i1
      %and3A_339 = arith.andi %ne3A_338, %ne3A_333 : i1
      %add3A_340 = arith.addi %rem3A_331, %select_n3A_330 : i32
      %select_n3A_341 = arith.select %and3A_339, %add3A_340, %rem3A_331 : i32
      %ne3A_342 = arith.constant 0 : i32
      %ne3A_343 = arith.cmpi ne, %select_n3A_341, %ne3A_342 : i32
      %mul3A_344 = arith.constant 32 : i32
      %mul3A_345 = arith.muli %select_n3A_341, %mul3A_344 : i32
      %add3A_346 = arith.addi %add3A_301, %mul3A_345 : i32
      %jit3A_347 = arith.constant 16 : i32
      %div3A_348 = arith.divsi %mul3A_162, %jit3A_347 : i32
      %sign3A_349 = arith.constant 0 : i32
      %sign3A_350 = arith.cmpi sgt, %mul3A_162, %sign3A_349 : i32
      %sign3A_351 = arith.extui %sign3A_350 : i1 to i32
      %sign3A_352 = arith.constant 0 : i32
      %sign3A_353 = arith.cmpi slt, %mul3A_162, %sign3A_352 : i32
      %sign3A_354 = arith.extui %sign3A_353 : i1 to i32
      %sign3A_355 = arith.subi %sign3A_351, %sign3A_354 : i32
      %sign3A_356 = arith.constant 0 : i32
      %sign3A_357 = arith.cmpi sgt, %jit3A_347, %sign3A_356 : i32
      %sign3A_358 = arith.extui %sign3A_357 : i1 to i32
      %sign3A_359 = arith.constant 0 : i32
      %sign3A_360 = arith.cmpi slt, %jit3A_347, %sign3A_359 : i32
      %sign3A_361 = arith.extui %sign3A_360 : i1 to i32
      %sign3A_362 = arith.subi %sign3A_358, %sign3A_361 : i32
      %ne3A_363 = arith.cmpi ne, %sign3A_355, %sign3A_362 : i32
      %rem3A_364 = arith.remsi %mul3A_162, %jit3A_347 : i32
      %ne3A_365 = arith.constant 0 : i32
      %ne3A_366 = arith.cmpi ne, %rem3A_364, %ne3A_365 : i32
      %and3A_367 = arith.andi %ne3A_363, %ne3A_366 : i1
      %sub3A_368 = arith.constant 1 : i32
      %sub3A_369 = arith.subi %div3A_348, %sub3A_368 : i32
      %select_n3A_370 = arith.select %and3A_367, %sub3A_369, %div3A_348 : i32
      %jit3A_371 = arith.constant 2 : i32
      %eq3A_372 = arith.constant 0 : i32
      %eq3A_373 = arith.cmpi eq, %jit3A_371, %eq3A_372 : i32
      %jit3A_374 = arith.constant 1 : i32
      %select_n3A_375 = arith.select %eq3A_373, %jit3A_374, %jit3A_371 : i32
      %rem3A_376 = arith.remsi %select_n3A_370, %select_n3A_375 : i32
      %ne3A_377 = arith.constant 0 : i32
      %ne3A_378 = arith.cmpi ne, %rem3A_376, %ne3A_377 : i32
      %lt3A_379 = arith.constant 0 : i32
      %lt3A_380 = arith.cmpi slt, %rem3A_376, %lt3A_379 : i32
      %lt3A_381 = arith.constant 0 : i32
      %lt3A_382 = arith.cmpi slt, %select_n3A_375, %lt3A_381 : i32
      %ne3A_383 = arith.xori %lt3A_380, %lt3A_382 : i1
      %and3A_384 = arith.andi %ne3A_383, %ne3A_378 : i1
      %add3A_385 = arith.addi %rem3A_376, %select_n3A_375 : i32
      %select_n3A_386 = arith.select %and3A_384, %add3A_385, %rem3A_376 : i32
      %ne3A_387 = arith.constant 0 : i32
      %ne3A_388 = arith.cmpi ne, %select_n3A_386, %ne3A_387 : i32
      %mul3A_389 = arith.constant 16 : i32
      %mul3A_390 = arith.muli %select_n3A_386, %mul3A_389 : i32
      %add3A_391 = arith.addi %add3A_346, %mul3A_390 : i32
      %jit3A_392 = arith.constant 8 : i32
      %div3A_393 = arith.divsi %mul3A_162, %jit3A_392 : i32
      %sign3A_394 = arith.constant 0 : i32
      %sign3A_395 = arith.cmpi sgt, %mul3A_162, %sign3A_394 : i32
      %sign3A_396 = arith.extui %sign3A_395 : i1 to i32
      %sign3A_397 = arith.constant 0 : i32
      %sign3A_398 = arith.cmpi slt, %mul3A_162, %sign3A_397 : i32
      %sign3A_399 = arith.extui %sign3A_398 : i1 to i32
      %sign3A_400 = arith.subi %sign3A_396, %sign3A_399 : i32
      %sign3A_401 = arith.constant 0 : i32
      %sign3A_402 = arith.cmpi sgt, %jit3A_392, %sign3A_401 : i32
      %sign3A_403 = arith.extui %sign3A_402 : i1 to i32
      %sign3A_404 = arith.constant 0 : i32
      %sign3A_405 = arith.cmpi slt, %jit3A_392, %sign3A_404 : i32
      %sign3A_406 = arith.extui %sign3A_405 : i1 to i32
      %sign3A_407 = arith.subi %sign3A_403, %sign3A_406 : i32
      %ne3A_408 = arith.cmpi ne, %sign3A_400, %sign3A_407 : i32
      %rem3A_409 = arith.remsi %mul3A_162, %jit3A_392 : i32
      %ne3A_410 = arith.constant 0 : i32
      %ne3A_411 = arith.cmpi ne, %rem3A_409, %ne3A_410 : i32
      %and3A_412 = arith.andi %ne3A_408, %ne3A_411 : i1
      %sub3A_413 = arith.constant 1 : i32
      %sub3A_414 = arith.subi %div3A_393, %sub3A_413 : i32
      %select_n3A_415 = arith.select %and3A_412, %sub3A_414, %div3A_393 : i32
      %jit3A_416 = arith.constant 2 : i32
      %eq3A_417 = arith.constant 0 : i32
      %eq3A_418 = arith.cmpi eq, %jit3A_416, %eq3A_417 : i32
      %jit3A_419 = arith.constant 1 : i32
      %select_n3A_420 = arith.select %eq3A_418, %jit3A_419, %jit3A_416 : i32
      %rem3A_421 = arith.remsi %select_n3A_415, %select_n3A_420 : i32
      %ne3A_422 = arith.constant 0 : i32
      %ne3A_423 = arith.cmpi ne, %rem3A_421, %ne3A_422 : i32
      %lt3A_424 = arith.constant 0 : i32
      %lt3A_425 = arith.cmpi slt, %rem3A_421, %lt3A_424 : i32
      %lt3A_426 = arith.constant 0 : i32
      %lt3A_427 = arith.cmpi slt, %select_n3A_420, %lt3A_426 : i32
      %ne3A_428 = arith.xori %lt3A_425, %lt3A_427 : i1
      %and3A_429 = arith.andi %ne3A_428, %ne3A_423 : i1
      %add3A_430 = arith.addi %rem3A_421, %select_n3A_420 : i32
      %select_n3A_431 = arith.select %and3A_429, %add3A_430, %rem3A_421 : i32
      %ne3A_432 = arith.constant 0 : i32
      %ne3A_433 = arith.cmpi ne, %select_n3A_431, %ne3A_432 : i32
      %mul3A_434 = arith.constant 8 : i32
      %mul3A_435 = arith.muli %select_n3A_431, %mul3A_434 : i32
      %add3A_436 = arith.addi %add3A_391, %mul3A_435 : i32
      %jit3A_437 = arith.constant 256 : i32
      %div3A_438 = arith.divsi %sub3A_164, %jit3A_437 : i32
      %sign3A_439 = arith.constant 0 : i32
      %sign3A_440 = arith.cmpi sgt, %sub3A_164, %sign3A_439 : i32
      %sign3A_441 = arith.extui %sign3A_440 : i1 to i32
      %sign3A_442 = arith.constant 0 : i32
      %sign3A_443 = arith.cmpi slt, %sub3A_164, %sign3A_442 : i32
      %sign3A_444 = arith.extui %sign3A_443 : i1 to i32
      %sign3A_445 = arith.subi %sign3A_441, %sign3A_444 : i32
      %sign3A_446 = arith.constant 0 : i32
      %sign3A_447 = arith.cmpi sgt, %jit3A_437, %sign3A_446 : i32
      %sign3A_448 = arith.extui %sign3A_447 : i1 to i32
      %sign3A_449 = arith.constant 0 : i32
      %sign3A_450 = arith.cmpi slt, %jit3A_437, %sign3A_449 : i32
      %sign3A_451 = arith.extui %sign3A_450 : i1 to i32
      %sign3A_452 = arith.subi %sign3A_448, %sign3A_451 : i32
      %ne3A_453 = arith.cmpi ne, %sign3A_445, %sign3A_452 : i32
      %rem3A_454 = arith.remsi %sub3A_164, %jit3A_437 : i32
      %ne3A_455 = arith.constant 0 : i32
      %ne3A_456 = arith.cmpi ne, %rem3A_454, %ne3A_455 : i32
      %and3A_457 = arith.andi %ne3A_453, %ne3A_456 : i1
      %sub3A_458 = arith.constant 1 : i32
      %sub3A_459 = arith.subi %div3A_438, %sub3A_458 : i32
      %select_n3A_460 = arith.select %and3A_457, %sub3A_459, %div3A_438 : i32
      %jit3A_461 = arith.constant 2 : i32
      %eq3A_462 = arith.constant 0 : i32
      %eq3A_463 = arith.cmpi eq, %jit3A_461, %eq3A_462 : i32
      %jit3A_464 = arith.constant 1 : i32
      %select_n3A_465 = arith.select %eq3A_463, %jit3A_464, %jit3A_461 : i32
      %rem3A_466 = arith.remsi %select_n3A_460, %select_n3A_465 : i32
      %ne3A_467 = arith.constant 0 : i32
      %ne3A_468 = arith.cmpi ne, %rem3A_466, %ne3A_467 : i32
      %lt3A_469 = arith.constant 0 : i32
      %lt3A_470 = arith.cmpi slt, %rem3A_466, %lt3A_469 : i32
      %lt3A_471 = arith.constant 0 : i32
      %lt3A_472 = arith.cmpi slt, %select_n3A_465, %lt3A_471 : i32
      %ne3A_473 = arith.xori %lt3A_470, %lt3A_472 : i1
      %and3A_474 = arith.andi %ne3A_473, %ne3A_468 : i1
      %add3A_475 = arith.addi %rem3A_466, %select_n3A_465 : i32
      %select_n3A_476 = arith.select %and3A_474, %add3A_475, %rem3A_466 : i32
      %mul3A_477 = arith.constant 256 : i32
      %mul3A_478 = arith.muli %select_n3A_476, %mul3A_477 : i32
      %sub3A_479 = arith.constant 512 : i32
      %sub3A_480 = arith.subi %sub3A_479, %mul3A_478 : i32
      %ne3A_481 = arith.constant 0 : i32
      %ne3A_482 = arith.cmpi ne, %select_n3A_476, %ne3A_481 : i32
      %min3A_483 = arith.constant 256 : i32
      %min3A_484 = arith.minsi %sub3A_480, %min3A_483 : i32
      %jit3A_485 = arith.constant 128 : i32
      %div3A_486 = arith.divsi %sub3A_164, %jit3A_485 : i32
      %sign3A_487 = arith.constant 0 : i32
      %sign3A_488 = arith.cmpi sgt, %sub3A_164, %sign3A_487 : i32
      %sign3A_489 = arith.extui %sign3A_488 : i1 to i32
      %sign3A_490 = arith.constant 0 : i32
      %sign3A_491 = arith.cmpi slt, %sub3A_164, %sign3A_490 : i32
      %sign3A_492 = arith.extui %sign3A_491 : i1 to i32
      %sign3A_493 = arith.subi %sign3A_489, %sign3A_492 : i32
      %sign3A_494 = arith.constant 0 : i32
      %sign3A_495 = arith.cmpi sgt, %jit3A_485, %sign3A_494 : i32
      %sign3A_496 = arith.extui %sign3A_495 : i1 to i32
      %sign3A_497 = arith.constant 0 : i32
      %sign3A_498 = arith.cmpi slt, %jit3A_485, %sign3A_497 : i32
      %sign3A_499 = arith.extui %sign3A_498 : i1 to i32
      %sign3A_500 = arith.subi %sign3A_496, %sign3A_499 : i32
      %ne3A_501 = arith.cmpi ne, %sign3A_493, %sign3A_500 : i32
      %rem3A_502 = arith.remsi %sub3A_164, %jit3A_485 : i32
      %ne3A_503 = arith.constant 0 : i32
      %ne3A_504 = arith.cmpi ne, %rem3A_502, %ne3A_503 : i32
      %and3A_505 = arith.andi %ne3A_501, %ne3A_504 : i1
      %sub3A_506 = arith.constant 1 : i32
      %sub3A_507 = arith.subi %div3A_486, %sub3A_506 : i32
      %select_n3A_508 = arith.select %and3A_505, %sub3A_507, %div3A_486 : i32
      %jit3A_509 = arith.constant 2 : i32
      %eq3A_510 = arith.constant 0 : i32
      %eq3A_511 = arith.cmpi eq, %jit3A_509, %eq3A_510 : i32
      %jit3A_512 = arith.constant 1 : i32
      %select_n3A_513 = arith.select %eq3A_511, %jit3A_512, %jit3A_509 : i32
      %rem3A_514 = arith.remsi %select_n3A_508, %select_n3A_513 : i32
      %ne3A_515 = arith.constant 0 : i32
      %ne3A_516 = arith.cmpi ne, %rem3A_514, %ne3A_515 : i32
      %lt3A_517 = arith.constant 0 : i32
      %lt3A_518 = arith.cmpi slt, %rem3A_514, %lt3A_517 : i32
      %lt3A_519 = arith.constant 0 : i32
      %lt3A_520 = arith.cmpi slt, %select_n3A_513, %lt3A_519 : i32
      %ne3A_521 = arith.xori %lt3A_518, %lt3A_520 : i1
      %and3A_522 = arith.andi %ne3A_521, %ne3A_516 : i1
      %add3A_523 = arith.addi %rem3A_514, %select_n3A_513 : i32
      %select_n3A_524 = arith.select %and3A_522, %add3A_523, %rem3A_514 : i32
      %mul3A_525 = arith.constant 128 : i32
      %mul3A_526 = arith.muli %select_n3A_524, %mul3A_525 : i32
      %sub3A_527 = arith.subi %sub3A_480, %mul3A_526 : i32
      %ne3A_528 = arith.constant 0 : i32
      %ne3A_529 = arith.cmpi ne, %select_n3A_524, %ne3A_528 : i32
      %min3A_530 = arith.constant 384 : i32
      %min3A_531 = arith.minsi %sub3A_527, %min3A_530 : i32
      %jit3A_532 = arith.constant 64 : i32
      %div3A_533 = arith.divsi %sub3A_164, %jit3A_532 : i32
      %sign3A_534 = arith.constant 0 : i32
      %sign3A_535 = arith.cmpi sgt, %sub3A_164, %sign3A_534 : i32
      %sign3A_536 = arith.extui %sign3A_535 : i1 to i32
      %sign3A_537 = arith.constant 0 : i32
      %sign3A_538 = arith.cmpi slt, %sub3A_164, %sign3A_537 : i32
      %sign3A_539 = arith.extui %sign3A_538 : i1 to i32
      %sign3A_540 = arith.subi %sign3A_536, %sign3A_539 : i32
      %sign3A_541 = arith.constant 0 : i32
      %sign3A_542 = arith.cmpi sgt, %jit3A_532, %sign3A_541 : i32
      %sign3A_543 = arith.extui %sign3A_542 : i1 to i32
      %sign3A_544 = arith.constant 0 : i32
      %sign3A_545 = arith.cmpi slt, %jit3A_532, %sign3A_544 : i32
      %sign3A_546 = arith.extui %sign3A_545 : i1 to i32
      %sign3A_547 = arith.subi %sign3A_543, %sign3A_546 : i32
      %ne3A_548 = arith.cmpi ne, %sign3A_540, %sign3A_547 : i32
      %rem3A_549 = arith.remsi %sub3A_164, %jit3A_532 : i32
      %ne3A_550 = arith.constant 0 : i32
      %ne3A_551 = arith.cmpi ne, %rem3A_549, %ne3A_550 : i32
      %and3A_552 = arith.andi %ne3A_548, %ne3A_551 : i1
      %sub3A_553 = arith.constant 1 : i32
      %sub3A_554 = arith.subi %div3A_533, %sub3A_553 : i32
      %select_n3A_555 = arith.select %and3A_552, %sub3A_554, %div3A_533 : i32
      %jit3A_556 = arith.constant 2 : i32
      %eq3A_557 = arith.constant 0 : i32
      %eq3A_558 = arith.cmpi eq, %jit3A_556, %eq3A_557 : i32
      %jit3A_559 = arith.constant 1 : i32
      %select_n3A_560 = arith.select %eq3A_558, %jit3A_559, %jit3A_556 : i32
      %rem3A_561 = arith.remsi %select_n3A_555, %select_n3A_560 : i32
      %ne3A_562 = arith.constant 0 : i32
      %ne3A_563 = arith.cmpi ne, %rem3A_561, %ne3A_562 : i32
      %lt3A_564 = arith.constant 0 : i32
      %lt3A_565 = arith.cmpi slt, %rem3A_561, %lt3A_564 : i32
      %lt3A_566 = arith.constant 0 : i32
      %lt3A_567 = arith.cmpi slt, %select_n3A_560, %lt3A_566 : i32
      %ne3A_568 = arith.xori %lt3A_565, %lt3A_567 : i1
      %and3A_569 = arith.andi %ne3A_568, %ne3A_563 : i1
      %add3A_570 = arith.addi %rem3A_561, %select_n3A_560 : i32
      %select_n3A_571 = arith.select %and3A_569, %add3A_570, %rem3A_561 : i32
      %mul3A_572 = arith.constant 64 : i32
      %mul3A_573 = arith.muli %select_n3A_571, %mul3A_572 : i32
      %sub3A_574 = arith.subi %sub3A_527, %mul3A_573 : i32
      %ne3A_575 = arith.constant 0 : i32
      %ne3A_576 = arith.cmpi ne, %select_n3A_571, %ne3A_575 : i32
      %min3A_577 = arith.constant 448 : i32
      %min3A_578 = arith.minsi %sub3A_574, %min3A_577 : i32
      %jit3A_579 = arith.constant 32 : i32
      %div3A_580 = arith.divsi %sub3A_164, %jit3A_579 : i32
      %sign3A_581 = arith.constant 0 : i32
      %sign3A_582 = arith.cmpi sgt, %sub3A_164, %sign3A_581 : i32
      %sign3A_583 = arith.extui %sign3A_582 : i1 to i32
      %sign3A_584 = arith.constant 0 : i32
      %sign3A_585 = arith.cmpi slt, %sub3A_164, %sign3A_584 : i32
      %sign3A_586 = arith.extui %sign3A_585 : i1 to i32
      %sign3A_587 = arith.subi %sign3A_583, %sign3A_586 : i32
      %sign3A_588 = arith.constant 0 : i32
      %sign3A_589 = arith.cmpi sgt, %jit3A_579, %sign3A_588 : i32
      %sign3A_590 = arith.extui %sign3A_589 : i1 to i32
      %sign3A_591 = arith.constant 0 : i32
      %sign3A_592 = arith.cmpi slt, %jit3A_579, %sign3A_591 : i32
      %sign3A_593 = arith.extui %sign3A_592 : i1 to i32
      %sign3A_594 = arith.subi %sign3A_590, %sign3A_593 : i32
      %ne3A_595 = arith.cmpi ne, %sign3A_587, %sign3A_594 : i32
      %rem3A_596 = arith.remsi %sub3A_164, %jit3A_579 : i32
      %ne3A_597 = arith.constant 0 : i32
      %ne3A_598 = arith.cmpi ne, %rem3A_596, %ne3A_597 : i32
      %and3A_599 = arith.andi %ne3A_595, %ne3A_598 : i1
      %sub3A_600 = arith.constant 1 : i32
      %sub3A_601 = arith.subi %div3A_580, %sub3A_600 : i32
      %select_n3A_602 = arith.select %and3A_599, %sub3A_601, %div3A_580 : i32
      %jit3A_603 = arith.constant 2 : i32
      %eq3A_604 = arith.constant 0 : i32
      %eq3A_605 = arith.cmpi eq, %jit3A_603, %eq3A_604 : i32
      %jit3A_606 = arith.constant 1 : i32
      %select_n3A_607 = arith.select %eq3A_605, %jit3A_606, %jit3A_603 : i32
      %rem3A_608 = arith.remsi %select_n3A_602, %select_n3A_607 : i32
      %ne3A_609 = arith.constant 0 : i32
      %ne3A_610 = arith.cmpi ne, %rem3A_608, %ne3A_609 : i32
      %lt3A_611 = arith.constant 0 : i32
      %lt3A_612 = arith.cmpi slt, %rem3A_608, %lt3A_611 : i32
      %lt3A_613 = arith.constant 0 : i32
      %lt3A_614 = arith.cmpi slt, %select_n3A_607, %lt3A_613 : i32
      %ne3A_615 = arith.xori %lt3A_612, %lt3A_614 : i1
      %and3A_616 = arith.andi %ne3A_615, %ne3A_610 : i1
      %add3A_617 = arith.addi %rem3A_608, %select_n3A_607 : i32
      %select_n3A_618 = arith.select %and3A_616, %add3A_617, %rem3A_608 : i32
      %mul3A_619 = arith.constant 32 : i32
      %mul3A_620 = arith.muli %select_n3A_618, %mul3A_619 : i32
      %sub3A_621 = arith.subi %sub3A_574, %mul3A_620 : i32
      %ne3A_622 = arith.constant 0 : i32
      %ne3A_623 = arith.cmpi ne, %select_n3A_618, %ne3A_622 : i32
      %min3A_624 = arith.constant 480 : i32
      %min3A_625 = arith.minsi %sub3A_621, %min3A_624 : i32
      %jit3A_626 = arith.constant 16 : i32
      %div3A_627 = arith.divsi %sub3A_164, %jit3A_626 : i32
      %sign3A_628 = arith.constant 0 : i32
      %sign3A_629 = arith.cmpi sgt, %sub3A_164, %sign3A_628 : i32
      %sign3A_630 = arith.extui %sign3A_629 : i1 to i32
      %sign3A_631 = arith.constant 0 : i32
      %sign3A_632 = arith.cmpi slt, %sub3A_164, %sign3A_631 : i32
      %sign3A_633 = arith.extui %sign3A_632 : i1 to i32
      %sign3A_634 = arith.subi %sign3A_630, %sign3A_633 : i32
      %sign3A_635 = arith.constant 0 : i32
      %sign3A_636 = arith.cmpi sgt, %jit3A_626, %sign3A_635 : i32
      %sign3A_637 = arith.extui %sign3A_636 : i1 to i32
      %sign3A_638 = arith.constant 0 : i32
      %sign3A_639 = arith.cmpi slt, %jit3A_626, %sign3A_638 : i32
      %sign3A_640 = arith.extui %sign3A_639 : i1 to i32
      %sign3A_641 = arith.subi %sign3A_637, %sign3A_640 : i32
      %ne3A_642 = arith.cmpi ne, %sign3A_634, %sign3A_641 : i32
      %rem3A_643 = arith.remsi %sub3A_164, %jit3A_626 : i32
      %ne3A_644 = arith.constant 0 : i32
      %ne3A_645 = arith.cmpi ne, %rem3A_643, %ne3A_644 : i32
      %and3A_646 = arith.andi %ne3A_642, %ne3A_645 : i1
      %sub3A_647 = arith.constant 1 : i32
      %sub3A_648 = arith.subi %div3A_627, %sub3A_647 : i32
      %select_n3A_649 = arith.select %and3A_646, %sub3A_648, %div3A_627 : i32
      %jit3A_650 = arith.constant 2 : i32
      %eq3A_651 = arith.constant 0 : i32
      %eq3A_652 = arith.cmpi eq, %jit3A_650, %eq3A_651 : i32
      %jit3A_653 = arith.constant 1 : i32
      %select_n3A_654 = arith.select %eq3A_652, %jit3A_653, %jit3A_650 : i32
      %rem3A_655 = arith.remsi %select_n3A_649, %select_n3A_654 : i32
      %ne3A_656 = arith.constant 0 : i32
      %ne3A_657 = arith.cmpi ne, %rem3A_655, %ne3A_656 : i32
      %lt3A_658 = arith.constant 0 : i32
      %lt3A_659 = arith.cmpi slt, %rem3A_655, %lt3A_658 : i32
      %lt3A_660 = arith.constant 0 : i32
      %lt3A_661 = arith.cmpi slt, %select_n3A_654, %lt3A_660 : i32
      %ne3A_662 = arith.xori %lt3A_659, %lt3A_661 : i1
      %and3A_663 = arith.andi %ne3A_662, %ne3A_657 : i1
      %add3A_664 = arith.addi %rem3A_655, %select_n3A_654 : i32
      %select_n3A_665 = arith.select %and3A_663, %add3A_664, %rem3A_655 : i32
      %mul3A_666 = arith.constant 16 : i32
      %mul3A_667 = arith.muli %select_n3A_665, %mul3A_666 : i32
      %sub3A_668 = arith.subi %sub3A_621, %mul3A_667 : i32
      %ne3A_669 = arith.constant 0 : i32
      %ne3A_670 = arith.cmpi ne, %select_n3A_665, %ne3A_669 : i32
      %min3A_671 = arith.constant 496 : i32
      %min3A_672 = arith.minsi %sub3A_668, %min3A_671 : i32
      %jit3A_673 = arith.constant 8 : i32
      %div3A_674 = arith.divsi %sub3A_164, %jit3A_673 : i32
      %sign3A_675 = arith.constant 0 : i32
      %sign3A_676 = arith.cmpi sgt, %sub3A_164, %sign3A_675 : i32
      %sign3A_677 = arith.extui %sign3A_676 : i1 to i32
      %sign3A_678 = arith.constant 0 : i32
      %sign3A_679 = arith.cmpi slt, %sub3A_164, %sign3A_678 : i32
      %sign3A_680 = arith.extui %sign3A_679 : i1 to i32
      %sign3A_681 = arith.subi %sign3A_677, %sign3A_680 : i32
      %sign3A_682 = arith.constant 0 : i32
      %sign3A_683 = arith.cmpi sgt, %jit3A_673, %sign3A_682 : i32
      %sign3A_684 = arith.extui %sign3A_683 : i1 to i32
      %sign3A_685 = arith.constant 0 : i32
      %sign3A_686 = arith.cmpi slt, %jit3A_673, %sign3A_685 : i32
      %sign3A_687 = arith.extui %sign3A_686 : i1 to i32
      %sign3A_688 = arith.subi %sign3A_684, %sign3A_687 : i32
      %ne3A_689 = arith.cmpi ne, %sign3A_681, %sign3A_688 : i32
      %rem3A_690 = arith.remsi %sub3A_164, %jit3A_673 : i32
      %ne3A_691 = arith.constant 0 : i32
      %ne3A_692 = arith.cmpi ne, %rem3A_690, %ne3A_691 : i32
      %and3A_693 = arith.andi %ne3A_689, %ne3A_692 : i1
      %sub3A_694 = arith.constant 1 : i32
      %sub3A_695 = arith.subi %div3A_674, %sub3A_694 : i32
      %select_n3A_696 = arith.select %and3A_693, %sub3A_695, %div3A_674 : i32
      %jit3A_697 = arith.constant 2 : i32
      %eq3A_698 = arith.constant 0 : i32
      %eq3A_699 = arith.cmpi eq, %jit3A_697, %eq3A_698 : i32
      %jit3A_700 = arith.constant 1 : i32
      %select_n3A_701 = arith.select %eq3A_699, %jit3A_700, %jit3A_697 : i32
      %rem3A_702 = arith.remsi %select_n3A_696, %select_n3A_701 : i32
      %ne3A_703 = arith.constant 0 : i32
      %ne3A_704 = arith.cmpi ne, %rem3A_702, %ne3A_703 : i32
      %lt3A_705 = arith.constant 0 : i32
      %lt3A_706 = arith.cmpi slt, %rem3A_702, %lt3A_705 : i32
      %lt3A_707 = arith.constant 0 : i32
      %lt3A_708 = arith.cmpi slt, %select_n3A_701, %lt3A_707 : i32
      %ne3A_709 = arith.xori %lt3A_706, %lt3A_708 : i1
      %and3A_710 = arith.andi %ne3A_709, %ne3A_704 : i1
      %add3A_711 = arith.addi %rem3A_702, %select_n3A_701 : i32
      %select_n3A_712 = arith.select %and3A_710, %add3A_711, %rem3A_702 : i32
      %mul3A_713 = arith.constant 8 : i32
      %mul3A_714 = arith.muli %select_n3A_712, %mul3A_713 : i32
      %sub3A_715 = arith.subi %sub3A_668, %mul3A_714 : i32
      %ne3A_716 = arith.constant 0 : i32
      %ne3A_717 = arith.cmpi ne, %select_n3A_712, %ne3A_716 : i32
      %min3A_718 = arith.constant 504 : i32
      %min3A_719 = arith.minsi %sub3A_715, %min3A_718 : i32
      %multiple_of3A_720 = arith.constant 0 : i32
      %multiple_of3A_721 = tpu.assume_multiple %multiple_of3A_720, 8 : i32
      %convert_element_type3A_722 = arith.extui %ne3A_207 : i1 to i32
      %cond3A_723 = arith.constant 0 : i32
      %cond3A_724 = arith.cmpi ne, %convert_element_type3A_722, %cond3A_723 : i32
      scf.if %cond3A_724 {
        %dma_start3A_828 = arith.constant 0 : i32
        %dma_start3A_829 = tpu.memref_slice %arg4[%add3A_130, %multiple_of3A_721, %dma_start3A_828] : memref<512x512x128xf32, #tpu.memory_space<hbm>> -> memref<1x256x128xf32, #tpu.memory_space<hbm>>
        %dma_start3A_830 = tpu.memref_squeeze %dma_start3A_829 : memref<1x256x128xf32, #tpu.memory_space<hbm>> -> memref<256x128xf32, #tpu.memory_space<hbm>>
        %dma_start3A_831 = arith.constant 0 : i32
        %dma_start3A_832 = tpu.memref_slice %arg11[%multiple_of3A_721, %dma_start3A_831] : memref<512x128xf32, #tpu.memory_space<vmem_shared>> -> memref<256x128xf32, #tpu.memory_space<vmem_shared>>
        tpu.enqueue_dma source(%dma_start3A_832 : memref<256x128xf32, #tpu.memory_space<vmem_shared>>) target(%dma_start3A_830 : memref<256x128xf32, #tpu.memory_space<hbm>>) target_semaphore(%arg13 : memref<!tpu.dma_semaphore, #tpu.memory_space<semaphore_mem>>)
      } else {
      }
      %multiple_of3A_725 = tpu.assume_multiple %add3A_211, 8 : i32
      %convert_element_type3A_726 = arith.extui %ne3A_253 : i1 to i32
      %cond3A_727 = arith.constant 0 : i32
      %cond3A_728 = arith.cmpi ne, %convert_element_type3A_726, %cond3A_727 : i32
      scf.if %cond3A_728 {
        %dma_start3A_828 = arith.constant 0 : i32
        %dma_start3A_829 = tpu.memref_slice %arg4[%add3A_130, %multiple_of3A_725, %dma_start3A_828] : memref<512x512x128xf32, #tpu.memory_space<hbm>> -> memref<1x128x128xf32, #tpu.memory_space<hbm>>
        %dma_start3A_830 = tpu.memref_squeeze %dma_start3A_829 : memref<1x128x128xf32, #tpu.memory_space<hbm>> -> memref<128x128xf32, #tpu.memory_space<hbm>>
        %dma_start3A_831 = arith.constant 0 : i32
        %dma_start3A_832 = tpu.memref_slice %arg11[%multiple_of3A_725, %dma_start3A_831] : memref<512x128xf32, #tpu.memory_space<vmem_shared>> -> memref<128x128xf32, #tpu.memory_space<vmem_shared>>
        tpu.enqueue_dma source(%dma_start3A_832 : memref<128x128xf32, #tpu.memory_space<vmem_shared>>) target(%dma_start3A_830 : memref<128x128xf32, #tpu.memory_space<hbm>>) target_semaphore(%arg13 : memref<!tpu.dma_semaphore, #tpu.memory_space<semaphore_mem>>)
      } else {
      }
      %multiple_of3A_729 = tpu.assume_multiple %add3A_256, 8 : i32
      %convert_element_type3A_730 = arith.extui %ne3A_298 : i1 to i32
      %cond3A_731 = arith.constant 0 : i32
      %cond3A_732 = arith.cmpi ne, %convert_element_type3A_730, %cond3A_731 : i32
      scf.if %cond3A_732 {
        %dma_start3A_828 = arith.constant 0 : i32
        %dma_start3A_829 = tpu.memref_slice %arg4[%add3A_130, %multiple_of3A_729, %dma_start3A_828] : memref<512x512x128xf32, #tpu.memory_space<hbm>> -> memref<1x64x128xf32, #tpu.memory_space<hbm>>
        %dma_start3A_830 = tpu.memref_squeeze %dma_start3A_829 : memref<1x64x128xf32, #tpu.memory_space<hbm>> -> memref<64x128xf32, #tpu.memory_space<hbm>>
        %dma_start3A_831 = arith.constant 0 : i32
        %dma_start3A_832 = tpu.memref_slice %arg11[%multiple_of3A_729, %dma_start3A_831] : memref<512x128xf32, #tpu.memory_space<vmem_shared>> -> memref<64x128xf32, #tpu.memory_space<vmem_shared>>
        tpu.enqueue_dma source(%dma_start3A_832 : memref<64x128xf32, #tpu.memory_space<vmem_shared>>) target(%dma_start3A_830 : memref<64x128xf32, #tpu.memory_space<hbm>>) target_semaphore(%arg13 : memref<!tpu.dma_semaphore, #tpu.memory_space<semaphore_mem>>)
      } else {
      }
      %multiple_of3A_733 = tpu.assume_multiple %add3A_301, 8 : i32
      %convert_element_type3A_734 = arith.extui %ne3A_343 : i1 to i32
      %cond3A_735 = arith.constant 0 : i32
      %cond3A_736 = arith.cmpi ne, %convert_element_type3A_734, %cond3A_735 : i32
      scf.if %cond3A_736 {
        %dma_start3A_828 = arith.constant 0 : i32
        %dma_start3A_829 = tpu.memref_slice %arg4[%add3A_130, %multiple_of3A_733, %dma_start3A_828] : memref<512x512x128xf32, #tpu.memory_space<hbm>> -> memref<1x32x128xf32, #tpu.memory_space<hbm>>
        %dma_start3A_830 = tpu.memref_squeeze %dma_start3A_829 : memref<1x32x128xf32, #tpu.memory_space<hbm>> -> memref<32x128xf32, #tpu.memory_space<hbm>>
        %dma_start3A_831 = arith.constant 0 : i32
        %dma_start3A_832 = tpu.memref_slice %arg11[%multiple_of3A_733, %dma_start3A_831] : memref<512x128xf32, #tpu.memory_space<vmem_shared>> -> memref<32x128xf32, #tpu.memory_space<vmem_shared>>
        tpu.enqueue_dma source(%dma_start3A_832 : memref<32x128xf32, #tpu.memory_space<vmem_shared>>) target(%dma_start3A_830 : memref<32x128xf32, #tpu.memory_space<hbm>>) target_semaphore(%arg13 : memref<!tpu.dma_semaphore, #tpu.memory_space<semaphore_mem>>)
      } else {
      }
      %multiple_of3A_737 = tpu.assume_multiple %add3A_346, 8 : i32
      %convert_element_type3A_738 = arith.extui %ne3A_388 : i1 to i32
      %cond3A_739 = arith.constant 0 : i32
      %cond3A_740 = arith.cmpi ne, %convert_element_type3A_738, %cond3A_739 : i32
      scf.if %cond3A_740 {
        %dma_start3A_828 = arith.constant 0 : i32
        %dma_start3A_829 = tpu.memref_slice %arg4[%add3A_130, %multiple_of3A_737, %dma_start3A_828] : memref<512x512x128xf32, #tpu.memory_space<hbm>> -> memref<1x16x128xf32, #tpu.memory_space<hbm>>
        %dma_start3A_830 = tpu.memref_squeeze %dma_start3A_829 : memref<1x16x128xf32, #tpu.memory_space<hbm>> -> memref<16x128xf32, #tpu.memory_space<hbm>>
        %dma_start3A_831 = arith.constant 0 : i32
        %dma_start3A_832 = tpu.memref_slice %arg11[%multiple_of3A_737, %dma_start3A_831] : memref<512x128xf32, #tpu.memory_space<vmem_shared>> -> memref<16x128xf32, #tpu.memory_space<vmem_shared>>
        tpu.enqueue_dma source(%dma_start3A_832 : memref<16x128xf32, #tpu.memory_space<vmem_shared>>) target(%dma_start3A_830 : memref<16x128xf32, #tpu.memory_space<hbm>>) target_semaphore(%arg13 : memref<!tpu.dma_semaphore, #tpu.memory_space<semaphore_mem>>)
      } else {
      }
      %multiple_of3A_741 = tpu.assume_multiple %add3A_391, 8 : i32
      %convert_element_type3A_742 = arith.extui %ne3A_433 : i1 to i32
      %cond3A_743 = arith.constant 0 : i32
      %cond3A_744 = arith.cmpi ne, %convert_element_type3A_742, %cond3A_743 : i32
      scf.if %cond3A_744 {
        %dma_start3A_828 = arith.constant 0 : i32
        %dma_start3A_829 = tpu.memref_slice %arg4[%add3A_130, %multiple_of3A_741, %dma_start3A_828] : memref<512x512x128xf32, #tpu.memory_space<hbm>> -> memref<1x8x128xf32, #tpu.memory_space<hbm>>
        %dma_start3A_830 = tpu.memref_squeeze %dma_start3A_829 : memref<1x8x128xf32, #tpu.memory_space<hbm>> -> memref<8x128xf32, #tpu.memory_space<hbm>>
        %dma_start3A_831 = arith.constant 0 : i32
        %dma_start3A_832 = tpu.memref_slice %arg11[%multiple_of3A_741, %dma_start3A_831] : memref<512x128xf32, #tpu.memory_space<vmem_shared>> -> memref<8x128xf32, #tpu.memory_space<vmem_shared>>
        tpu.enqueue_dma source(%dma_start3A_832 : memref<8x128xf32, #tpu.memory_space<vmem_shared>>) target(%dma_start3A_830 : memref<8x128xf32, #tpu.memory_space<hbm>>) target_semaphore(%arg13 : memref<!tpu.dma_semaphore, #tpu.memory_space<semaphore_mem>>)
      } else {
      }
      %multiple_of3A_745 = tpu.assume_multiple %min3A_484, 8 : i32
      %convert_element_type3A_746 = arith.extui %ne3A_482 : i1 to i32
      %cond3A_747 = arith.constant 0 : i32
      %cond3A_748 = arith.cmpi ne, %convert_element_type3A_746, %cond3A_747 : i32
      scf.if %cond3A_748 {
        %dma_start3A_828 = arith.constant 0 : i32
        %dma_start3A_829 = tpu.memref_slice %arg4[%add3A_130, %multiple_of3A_745, %dma_start3A_828] : memref<512x512x128xf32, #tpu.memory_space<hbm>> -> memref<1x256x128xf32, #tpu.memory_space<hbm>>
        %dma_start3A_830 = tpu.memref_squeeze %dma_start3A_829 : memref<1x256x128xf32, #tpu.memory_space<hbm>> -> memref<256x128xf32, #tpu.memory_space<hbm>>
        %dma_start3A_831 = arith.constant 0 : i32
        %dma_start3A_832 = tpu.memref_slice %arg12[%multiple_of3A_745, %dma_start3A_831] : memref<512x128xf32, #tpu.memory_space<vmem_shared>> -> memref<256x128xf32, #tpu.memory_space<vmem_shared>>
        tpu.enqueue_dma source(%dma_start3A_832 : memref<256x128xf32, #tpu.memory_space<vmem_shared>>) target(%dma_start3A_830 : memref<256x128xf32, #tpu.memory_space<hbm>>) target_semaphore(%arg13 : memref<!tpu.dma_semaphore, #tpu.memory_space<semaphore_mem>>)
      } else {
      }
      %multiple_of3A_749 = tpu.assume_multiple %min3A_531, 8 : i32
      %convert_element_type3A_750 = arith.extui %ne3A_529 : i1 to i32
      %cond3A_751 = arith.constant 0 : i32
      %cond3A_752 = arith.cmpi ne, %convert_element_type3A_750, %cond3A_751 : i32
      scf.if %cond3A_752 {
        %dma_start3A_828 = arith.constant 0 : i32
        %dma_start3A_829 = tpu.memref_slice %arg4[%add3A_130, %multiple_of3A_749, %dma_start3A_828] : memref<512x512x128xf32, #tpu.memory_space<hbm>> -> memref<1x128x128xf32, #tpu.memory_space<hbm>>
        %dma_start3A_830 = tpu.memref_squeeze %dma_start3A_829 : memref<1x128x128xf32, #tpu.memory_space<hbm>> -> memref<128x128xf32, #tpu.memory_space<hbm>>
        %dma_start3A_831 = arith.constant 0 : i32
        %dma_start3A_832 = tpu.memref_slice %arg12[%multiple_of3A_749, %dma_start3A_831] : memref<512x128xf32, #tpu.memory_space<vmem_shared>> -> memref<128x128xf32, #tpu.memory_space<vmem_shared>>
        tpu.enqueue_dma source(%dma_start3A_832 : memref<128x128xf32, #tpu.memory_space<vmem_shared>>) target(%dma_start3A_830 : memref<128x128xf32, #tpu.memory_space<hbm>>) target_semaphore(%arg13 : memref<!tpu.dma_semaphore, #tpu.memory_space<semaphore_mem>>)
      } else {
      }
      %multiple_of3A_753 = tpu.assume_multiple %min3A_578, 8 : i32
      %convert_element_type3A_754 = arith.extui %ne3A_576 : i1 to i32
      %cond3A_755 = arith.constant 0 : i32
      %cond3A_756 = arith.cmpi ne, %convert_element_type3A_754, %cond3A_755 : i32
      scf.if %cond3A_756 {
        %dma_start3A_828 = arith.constant 0 : i32
        %dma_start3A_829 = tpu.memref_slice %arg4[%add3A_130, %multiple_of3A_753, %dma_start3A_828] : memref<512x512x128xf32, #tpu.memory_space<hbm>> -> memref<1x64x128xf32, #tpu.memory_space<hbm>>
        %dma_start3A_830 = tpu.memref_squeeze %dma_start3A_829 : memref<1x64x128xf32, #tpu.memory_space<hbm>> -> memref<64x128xf32, #tpu.memory_space<hbm>>
        %dma_start3A_831 = arith.constant 0 : i32
        %dma_start3A_832 = tpu.memref_slice %arg12[%multiple_of3A_753, %dma_start3A_831] : memref<512x128xf32, #tpu.memory_space<vmem_shared>> -> memref<64x128xf32, #tpu.memory_space<vmem_shared>>
        tpu.enqueue_dma source(%dma_start3A_832 : memref<64x128xf32, #tpu.memory_space<vmem_shared>>) target(%dma_start3A_830 : memref<64x128xf32, #tpu.memory_space<hbm>>) target_semaphore(%arg13 : memref<!tpu.dma_semaphore, #tpu.memory_space<semaphore_mem>>)
      } else {
      }
      %multiple_of3A_757 = tpu.assume_multiple %min3A_625, 8 : i32
      %convert_element_type3A_758 = arith.extui %ne3A_623 : i1 to i32
      %cond3A_759 = arith.constant 0 : i32
      %cond3A_760 = arith.cmpi ne, %convert_element_type3A_758, %cond3A_759 : i32
      scf.if %cond3A_760 {
        %dma_start3A_828 = arith.constant 0 : i32
        %dma_start3A_829 = tpu.memref_slice %arg4[%add3A_130, %multiple_of3A_757, %dma_start3A_828] : memref<512x512x128xf32, #tpu.memory_space<hbm>> -> memref<1x32x128xf32, #tpu.memory_space<hbm>>
        %dma_start3A_830 = tpu.memref_squeeze %dma_start3A_829 : memref<1x32x128xf32, #tpu.memory_space<hbm>> -> memref<32x128xf32, #tpu.memory_space<hbm>>
        %dma_start3A_831 = arith.constant 0 : i32
        %dma_start3A_832 = tpu.memref_slice %arg12[%multiple_of3A_757, %dma_start3A_831] : memref<512x128xf32, #tpu.memory_space<vmem_shared>> -> memref<32x128xf32, #tpu.memory_space<vmem_shared>>
        tpu.enqueue_dma source(%dma_start3A_832 : memref<32x128xf32, #tpu.memory_space<vmem_shared>>) target(%dma_start3A_830 : memref<32x128xf32, #tpu.memory_space<hbm>>) target_semaphore(%arg13 : memref<!tpu.dma_semaphore, #tpu.memory_space<semaphore_mem>>)
      } else {
      }
      %multiple_of3A_761 = tpu.assume_multiple %min3A_672, 8 : i32
      %convert_element_type3A_762 = arith.extui %ne3A_670 : i1 to i32
      %cond3A_763 = arith.constant 0 : i32
      %cond3A_764 = arith.cmpi ne, %convert_element_type3A_762, %cond3A_763 : i32
      scf.if %cond3A_764 {
        %dma_start3A_828 = arith.constant 0 : i32
        %dma_start3A_829 = tpu.memref_slice %arg4[%add3A_130, %multiple_of3A_761, %dma_start3A_828] : memref<512x512x128xf32, #tpu.memory_space<hbm>> -> memref<1x16x128xf32, #tpu.memory_space<hbm>>
        %dma_start3A_830 = tpu.memref_squeeze %dma_start3A_829 : memref<1x16x128xf32, #tpu.memory_space<hbm>> -> memref<16x128xf32, #tpu.memory_space<hbm>>
        %dma_start3A_831 = arith.constant 0 : i32
        %dma_start3A_832 = tpu.memref_slice %arg12[%multiple_of3A_761, %dma_start3A_831] : memref<512x128xf32, #tpu.memory_space<vmem_shared>> -> memref<16x128xf32, #tpu.memory_space<vmem_shared>>
        tpu.enqueue_dma source(%dma_start3A_832 : memref<16x128xf32, #tpu.memory_space<vmem_shared>>) target(%dma_start3A_830 : memref<16x128xf32, #tpu.memory_space<hbm>>) target_semaphore(%arg13 : memref<!tpu.dma_semaphore, #tpu.memory_space<semaphore_mem>>)
      } else {
      }
      %multiple_of3A_765 = tpu.assume_multiple %min3A_719, 8 : i32
      %convert_element_type3A_766 = arith.extui %ne3A_717 : i1 to i32
      %cond3A_767 = arith.constant 0 : i32
      %cond3A_768 = arith.cmpi ne, %convert_element_type3A_766, %cond3A_767 : i32
      scf.if %cond3A_768 {
        %dma_start3A_828 = arith.constant 0 : i32
        %dma_start3A_829 = tpu.memref_slice %arg4[%add3A_130, %multiple_of3A_765, %dma_start3A_828] : memref<512x512x128xf32, #tpu.memory_space<hbm>> -> memref<1x8x128xf32, #tpu.memory_space<hbm>>
        %dma_start3A_830 = tpu.memref_squeeze %dma_start3A_829 : memref<1x8x128xf32, #tpu.memory_space<hbm>> -> memref<8x128xf32, #tpu.memory_space<hbm>>
        %dma_start3A_831 = arith.constant 0 : i32
        %dma_start3A_832 = tpu.memref_slice %arg12[%multiple_of3A_765, %dma_start3A_831] : memref<512x128xf32, #tpu.memory_space<vmem_shared>> -> memref<8x128xf32, #tpu.memory_space<vmem_shared>>
        tpu.enqueue_dma source(%dma_start3A_832 : memref<8x128xf32, #tpu.memory_space<vmem_shared>>) target(%dma_start3A_830 : memref<8x128xf32, #tpu.memory_space<hbm>>) target_semaphore(%arg13 : memref<!tpu.dma_semaphore, #tpu.memory_space<semaphore_mem>>)
      } else {
      }
      %ge3A = arith.constant 2 : i32
      %ge3A_769 = arith.cmpi sge, %scan3A_128, %ge3A : i32
      %convert_element_type3A_770 = arith.extui %ge3A_769 : i1 to i32
      %cond3A_771 = arith.constant 0 : i32
      %cond3A_772 = arith.cmpi ne, %convert_element_type3A_770, %cond3A_771 : i32
      scf.if %cond3A_772 {
        %sub3A_828 = arith.constant 2 : i32
        %sub3A_829 = arith.subi %scan3A_128, %sub3A_828 : i32
        %add3A_830 = arith.addi %mul3A_2, %sub3A_829 : i32
        %sub3A_831 = arith.constant 32 : i32
        %sub3A_832 = arith.subi %add3A_830, %sub3A_831 : i32
        %jit3A_833 = arith.constant 0 : i32
        %jit3A_834 = arith.constant 440 : i32
        %max3A_835 = arith.maxsi %jit3A_833, %sub3A_832 : i32
        %min3A_836 = arith.minsi %jit3A_834, %max3A_835 : i32
        %jit3A_837 = arith.constant 8 : i32
        %div3A_838 = arith.divsi %min3A_836, %jit3A_837 : i32
        %sign3A_839 = arith.constant 0 : i32
        %sign3A_840 = arith.cmpi sgt, %min3A_836, %sign3A_839 : i32
        %sign3A_841 = arith.extui %sign3A_840 : i1 to i32
        %sign3A_842 = arith.constant 0 : i32
        %sign3A_843 = arith.cmpi slt, %min3A_836, %sign3A_842 : i32
        %sign3A_844 = arith.extui %sign3A_843 : i1 to i32
        %sign3A_845 = arith.subi %sign3A_841, %sign3A_844 : i32
        %sign3A_846 = arith.constant 0 : i32
        %sign3A_847 = arith.cmpi sgt, %jit3A_837, %sign3A_846 : i32
        %sign3A_848 = arith.extui %sign3A_847 : i1 to i32
        %sign3A_849 = arith.constant 0 : i32
        %sign3A_850 = arith.cmpi slt, %jit3A_837, %sign3A_849 : i32
        %sign3A_851 = arith.extui %sign3A_850 : i1 to i32
        %sign3A_852 = arith.subi %sign3A_848, %sign3A_851 : i32
        %ne3A_853 = arith.cmpi ne, %sign3A_845, %sign3A_852 : i32
        %rem3A_854 = arith.remsi %min3A_836, %jit3A_837 : i32
        %ne3A_855 = arith.constant 0 : i32
        %ne3A_856 = arith.cmpi ne, %rem3A_854, %ne3A_855 : i32
        %and3A_857 = arith.andi %ne3A_853, %ne3A_856 : i1
        %sub3A_858 = arith.constant 1 : i32
        %sub3A_859 = arith.subi %div3A_838, %sub3A_858 : i32
        %select_n3A_860 = arith.select %and3A_857, %sub3A_859, %div3A_838 : i32
        %mul3A_861 = arith.constant 8 : i32
        %mul3A_862 = arith.muli %select_n3A_860, %mul3A_861 : i32
        %sub3A_863 = arith.constant 440 : i32
        %sub3A_864 = arith.subi %sub3A_863, %mul3A_862 : i32
        %rem3A_865 = arith.constant 2 : i32
        %rem3A_866 = arith.remsi %sub3A_829, %rem3A_865 : i32
        %eq3A_867 = arith.constant 0 : i32
        %eq3A_868 = arith.cmpi eq, %rem3A_866, %eq3A_867 : i32
        %convert_element_type3A_869 = arith.extui %eq3A_868 : i1 to i32
        %cond3A_870 = arith.constant 0 : i32
        %cond3A_871 = arith.cmpi ne, %convert_element_type3A_869, %cond3A_870 : i32
        scf.if %cond3A_871 {
          %dma_wait3A_877 = arith.constant 0 : i32
          %dma_wait3A_878 = arith.constant 0 : i32
          %dma_wait3A_879 = arith.constant 0 : i32
          %dma_wait3A_880 = tpu.memref_slice %arg10[%dma_wait3A_877, %dma_wait3A_878, %dma_wait3A_879] : memref<2x72x128xf32, #tpu.memory_space<vmem>> -> memref<1x72x128xf32, #tpu.memory_space<vmem>>
          %dma_wait3A_881 = tpu.memref_squeeze %dma_wait3A_880 : memref<1x72x128xf32, #tpu.memory_space<vmem>> -> memref<72x128xf32, #tpu.memory_space<vmem>>
          %dma_wait3A_882 = arith.constant 0 : i32
          %dma_wait3A_883 = tpu.memref_slice %arg4[%add3A_830, %mul3A_862, %dma_wait3A_882] : memref<512x512x128xf32, #tpu.memory_space<hbm>> -> memref<1x72x128xf32, #tpu.memory_space<hbm>>
          %dma_wait3A_884 = tpu.memref_squeeze %dma_wait3A_883 : memref<1x72x128xf32, #tpu.memory_space<hbm>> -> memref<72x128xf32, #tpu.memory_space<hbm>>
          %dma_wait3A_885 = arith.constant 0 : i32
          %dma_wait3A_886 = tpu.memref_slice %arg4[%add3A_830, %mul3A_862, %dma_wait3A_885] : memref<512x512x128xf32, #tpu.memory_space<hbm>> -> memref<1x72x128xf32, #tpu.memory_space<hbm>>
          %dma_wait3A_887 = tpu.memref_squeeze %dma_wait3A_886 : memref<1x72x128xf32, #tpu.memory_space<hbm>> -> memref<72x128xf32, #tpu.memory_space<hbm>>
          %dma_wait3A_888 = arith.constant 0 : i32
          %dma_wait3A_889 = arith.constant 0 : i32
          %dma_wait3A_890 = tpu.memref_slice %arg10[%dma_wait3A_877, %dma_wait3A_888, %dma_wait3A_889] : memref<2x72x128xf32, #tpu.memory_space<vmem>> -> memref<1x72x128xf32, #tpu.memory_space<vmem>>
          %dma_wait3A_891 = tpu.memref_squeeze %dma_wait3A_890 : memref<1x72x128xf32, #tpu.memory_space<vmem>> -> memref<72x128xf32, #tpu.memory_space<vmem>>
          tpu.wait_dma2 semaphore(%arg15 : memref<!tpu.dma_semaphore, #tpu.memory_space<semaphore_mem>>) src(%dma_wait3A_891 : memref<72x128xf32, #tpu.memory_space<vmem>>) dst(%dma_wait3A_887 : memref<72x128xf32, #tpu.memory_space<hbm>>)
        } else {
        }
        %eq3A_872 = arith.constant 1 : i32
        %eq3A_873 = arith.cmpi eq, %rem3A_866, %eq3A_872 : i32
        %convert_element_type3A_874 = arith.extui %eq3A_873 : i1 to i32
        %cond3A_875 = arith.constant 0 : i32
        %cond3A_876 = arith.cmpi ne, %convert_element_type3A_874, %cond3A_875 : i32
        scf.if %cond3A_876 {
          %dma_wait3A_877 = arith.constant 1 : i32
          %dma_wait3A_878 = arith.constant 0 : i32
          %dma_wait3A_879 = arith.constant 0 : i32
          %dma_wait3A_880 = tpu.memref_slice %arg10[%dma_wait3A_877, %dma_wait3A_878, %dma_wait3A_879] : memref<2x72x128xf32, #tpu.memory_space<vmem>> -> memref<1x72x128xf32, #tpu.memory_space<vmem>>
          %dma_wait3A_881 = tpu.memref_squeeze %dma_wait3A_880 : memref<1x72x128xf32, #tpu.memory_space<vmem>> -> memref<72x128xf32, #tpu.memory_space<vmem>>
          %dma_wait3A_882 = arith.constant 0 : i32
          %dma_wait3A_883 = tpu.memref_slice %arg4[%add3A_830, %mul3A_862, %dma_wait3A_882] : memref<512x512x128xf32, #tpu.memory_space<hbm>> -> memref<1x72x128xf32, #tpu.memory_space<hbm>>
          %dma_wait3A_884 = tpu.memref_squeeze %dma_wait3A_883 : memref<1x72x128xf32, #tpu.memory_space<hbm>> -> memref<72x128xf32, #tpu.memory_space<hbm>>
          %dma_wait3A_885 = arith.constant 0 : i32
          %dma_wait3A_886 = tpu.memref_slice %arg4[%add3A_830, %mul3A_862, %dma_wait3A_885] : memref<512x512x128xf32, #tpu.memory_space<hbm>> -> memref<1x72x128xf32, #tpu.memory_space<hbm>>
          %dma_wait3A_887 = tpu.memref_squeeze %dma_wait3A_886 : memref<1x72x128xf32, #tpu.memory_space<hbm>> -> memref<72x128xf32, #tpu.memory_space<hbm>>
          %dma_wait3A_888 = arith.constant 0 : i32
          %dma_wait3A_889 = arith.constant 0 : i32
          %dma_wait3A_890 = tpu.memref_slice %arg10[%dma_wait3A_877, %dma_wait3A_888, %dma_wait3A_889] : memref<2x72x128xf32, #tpu.memory_space<vmem>> -> memref<1x72x128xf32, #tpu.memory_space<vmem>>
          %dma_wait3A_891 = tpu.memref_squeeze %dma_wait3A_890 : memref<1x72x128xf32, #tpu.memory_space<vmem>> -> memref<72x128xf32, #tpu.memory_space<vmem>>
          tpu.wait_dma2 semaphore(%arg16 : memref<!tpu.dma_semaphore, #tpu.memory_space<semaphore_mem>>) src(%dma_wait3A_891 : memref<72x128xf32, #tpu.memory_space<vmem>>) dst(%dma_wait3A_887 : memref<72x128xf32, #tpu.memory_space<hbm>>)
        } else {
        }
      } else {
      }
      %scan3A_773 = arith.constant 0 : i32
      %scan3A_774 = arith.constant 0 : i32
      %scan3A_775 = arith.constant 72 : i32
      %scan3A_776 = arith.addi %scan3A_774, %scan3A_775 : i32
      %scan3A_777 = arith.constant 1 : i32
      %scan3A_778 = scf.for %scan3A_828 = %scan3A_774 to %scan3A_776 step %scan3A_777 iter_args(%scan3A_829 = %scan3A_773) -> (i32)  : i32 {
        %add3A_830 = arith.addi %mul3A_162, %scan3A_828 : i32
        %sub3A_831 = arith.subi %add3A_130, %add3A_830 : i32
        %jit3A_832 = arith.constant -32 : i32
        %jit3A_833 = arith.constant 32 : i32
        %max3A_834 = arith.maxsi %jit3A_832, %sub3A_831 : i32
        %min3A_835 = arith.minsi %jit3A_833, %max3A_834 : i32
        %add3A_836 = arith.constant 32 : i32
        %add3A_837 = arith.addi %min3A_835, %add3A_836 : i32
        %sub3A_838 = arith.subi %add3A_830, %multiple_of3A : i32
        %get3A = arith.index_cast %sub3A_838 : i32 to index
        %get3A_839 = arith.constant 0 : index
        %get3A_840 = tpu.vector_load %arg5[%get3A, %get3A_839] {strides = array<i32>} : memref<96x128xf32, #tpu.memory_space<vmem>>, vector<1x16xf32>,
        %get3A_841 = vector.shape_cast %get3A_840 : vector<1x16xf32> to vector<16xf32>
        %get3A_842 = arith.index_cast %add3A_837 : i32 to index
        %get3A_843 = arith.constant 0 : index
        %get3A_844 = tpu.vector_load %arg7[%get3A_842, %get3A_843] {strides = array<i32>} : memref<65x128xf32, #tpu.memory_space<vmem>>, vector<1x16xf32>,
        %get3A_845 = vector.shape_cast %get3A_844 : vector<1x16xf32> to vector<16xf32>
        %add3A_846 = arith.addf %get3A_841, %get3A_845 : vector<16xf32>
        %swap3A = arith.index_cast %rem3A_166 : i32 to index
        %swap3A_847 = arith.index_cast %scan3A_828 : i32 to index
        %swap3A_848 = arith.constant 0 : index
        %swap3A_849 = tpu.vector_load %arg10[%swap3A, %swap3A_847, %swap3A_848] {strides = array<i32>} : memref<2x72x128xf32, #tpu.memory_space<vmem>>, vector<1x1x16xf32>,
        %swap3A_850 = vector.shape_cast %swap3A_849 : vector<1x1x16xf32> to vector<16xf32>
        %swap3A_851 = vector.shape_cast %add3A_846 : vector<16xf32> to vector<1x1x16xf32>
        tpu.vector_store %arg10[%swap3A, %swap3A_847, %swap3A_848], %swap3A_851 {strides = array<i32>} : memref<2x72x128xf32, #tpu.memory_space<vmem>>, vector<1x1x16xf32>,
        %sub3A_852 = arith.subi %add3A_830, %multiple_of3A : i32
        %get3A_853 = arith.index_cast %sub3A_852 : i32 to index
        %get3A_854 = arith.constant 16 : index
        %get3A_855 = tpu.vector_load %arg5[%get3A_853, %get3A_854] {strides = array<i32>} : memref<96x128xf32, #tpu.memory_space<vmem>>, vector<1x16xf32>,
        %get3A_856 = vector.shape_cast %get3A_855 : vector<1x16xf32> to vector<16xf32>
        %get3A_857 = arith.index_cast %add3A_837 : i32 to index
        %get3A_858 = arith.constant 16 : index
        %get3A_859 = tpu.vector_load %arg7[%get3A_857, %get3A_858] {strides = array<i32>} : memref<65x128xf32, #tpu.memory_space<vmem>>, vector<1x16xf32>,
        %get3A_860 = vector.shape_cast %get3A_859 : vector<1x16xf32> to vector<16xf32>
        %add3A_861 = arith.addf %get3A_856, %get3A_860 : vector<16xf32>
        %swap3A_862 = arith.index_cast %rem3A_166 : i32 to index
        %swap3A_863 = arith.index_cast %scan3A_828 : i32 to index
        %swap3A_864 = arith.constant 16 : index
        %swap3A_865 = tpu.vector_load %arg10[%swap3A_862, %swap3A_863, %swap3A_864] {strides = array<i32>} : memref<2x72x128xf32, #tpu.memory_space<vmem>>, vector<1x1x16xf32>,
        %swap3A_866 = vector.shape_cast %swap3A_865 : vector<1x1x16xf32> to vector<16xf32>
        %swap3A_867 = vector.shape_cast %add3A_861 : vector<16xf32> to vector<1x1x16xf32>
        tpu.vector_store %arg10[%swap3A_862, %swap3A_863, %swap3A_864], %swap3A_867 {strides = array<i32>} : memref<2x72x128xf32, #tpu.memory_space<vmem>>, vector<1x1x16xf32>,
        %sub3A_868 = arith.subi %add3A_830, %multiple_of3A : i32
        %get3A_869 = arith.index_cast %sub3A_868 : i32 to index
        %get3A_870 = arith.constant 32 : index
        %get3A_871 = tpu.vector_load %arg5[%get3A_869, %get3A_870] {strides = array<i32>} : memref<96x128xf32, #tpu.memory_space<vmem>>, vector<1x16xf32>,
        %get3A_872 = vector.shape_cast %get3A_871 : vector<1x16xf32> to vector<16xf32>
        %get3A_873 = arith.index_cast %add3A_837 : i32 to index
        %get3A_874 = arith.constant 32 : index
        %get3A_875 = tpu.vector_load %arg7[%get3A_873, %get3A_874] {strides = array<i32>} : memref<65x128xf32, #tpu.memory_space<vmem>>, vector<1x16xf32>,
        %get3A_876 = vector.shape_cast %get3A_875 : vector<1x16xf32> to vector<16xf32>
        %add3A_877 = arith.addf %get3A_872, %get3A_876 : vector<16xf32>
        %swap3A_878 = arith.index_cast %rem3A_166 : i32 to index
        %swap3A_879 = arith.index_cast %scan3A_828 : i32 to index
        %swap3A_880 = arith.constant 32 : index
        %swap3A_881 = tpu.vector_load %arg10[%swap3A_878, %swap3A_879, %swap3A_880] {strides = array<i32>} : memref<2x72x128xf32, #tpu.memory_space<vmem>>, vector<1x1x16xf32>,
        %swap3A_882 = vector.shape_cast %swap3A_881 : vector<1x1x16xf32> to vector<16xf32>
        %swap3A_883 = vector.shape_cast %add3A_877 : vector<16xf32> to vector<1x1x16xf32>
        tpu.vector_store %arg10[%swap3A_878, %swap3A_879, %swap3A_880], %swap3A_883 {strides = array<i32>} : memref<2x72x128xf32, #tpu.memory_space<vmem>>, vector<1x1x16xf32>,
        %sub3A_884 = arith.subi %add3A_830, %multiple_of3A : i32
        %get3A_885 = arith.index_cast %sub3A_884 : i32 to index
        %get3A_886 = arith.constant 48 : index
        %get3A_887 = tpu.vector_load %arg5[%get3A_885, %get3A_886] {strides = array<i32>} : memref<96x128xf32, #tpu.memory_space<vmem>>, vector<1x16xf32>,
        %get3A_888 = vector.shape_cast %get3A_887 : vector<1x16xf32> to vector<16xf32>
        %get3A_889 = arith.index_cast %add3A_837 : i32 to index
        %get3A_890 = arith.constant 48 : index
        %get3A_891 = tpu.vector_load %arg7[%get3A_889, %get3A_890] {strides = array<i32>} : memref<65x128xf32, #tpu.memory_space<vmem>>, vector<1x16xf32>,
        %get3A_892 = vector.shape_cast %get3A_891 : vector<1x16xf32> to vector<16xf32>
        %add3A_893 = arith.addf %get3A_888, %get3A_892 : vector<16xf32>
        %swap3A_894 = arith.index_cast %rem3A_166 : i32 to index
        %swap3A_895 = arith.index_cast %scan3A_828 : i32 to index
        %swap3A_896 = arith.constant 48 : index
        %swap3A_897 = tpu.vector_load %arg10[%swap3A_894, %swap3A_895, %swap3A_896] {strides = array<i32>} : memref<2x72x128xf32, #tpu.memory_space<vmem>>, vector<1x1x16xf32>,
        %swap3A_898 = vector.shape_cast %swap3A_897 : vector<1x1x16xf32> to vector<16xf32>
        %swap3A_899 = vector.shape_cast %add3A_893 : vector<16xf32> to vector<1x1x16xf32>
        tpu.vector_store %arg10[%swap3A_894, %swap3A_895, %swap3A_896], %swap3A_899 {strides = array<i32>} : memref<2x72x128xf32, #tpu.memory_space<vmem>>, vector<1x1x16xf32>,
        %sub3A_900 = arith.subi %add3A_830, %multiple_of3A : i32
        %get3A_901 = arith.index_cast %sub3A_900 : i32 to index
        %get3A_902 = arith.constant 64 : index
        %get3A_903 = tpu.vector_load %arg5[%get3A_901, %get3A_902] {strides = array<i32>} : memref<96x128xf32, #tpu.memory_space<vmem>>, vector<1x16xf32>,
        %get3A_904 = vector.shape_cast %get3A_903 : vector<1x16xf32> to vector<16xf32>
        %get3A_905 = arith.index_cast %add3A_837 : i32 to index
        %get3A_906 = arith.constant 64 : index
        %get3A_907 = tpu.vector_load %arg7[%get3A_905, %get3A_906] {strides = array<i32>} : memref<65x128xf32, #tpu.memory_space<vmem>>, vector<1x16xf32>,
        %get3A_908 = vector.shape_cast %get3A_907 : vector<1x16xf32> to vector<16xf32>
        %add3A_909 = arith.addf %get3A_904, %get3A_908 : vector<16xf32>
        %swap3A_910 = arith.index_cast %rem3A_166 : i32 to index
        %swap3A_911 = arith.index_cast %scan3A_828 : i32 to index
        %swap3A_912 = arith.constant 64 : index
        %swap3A_913 = tpu.vector_load %arg10[%swap3A_910, %swap3A_911, %swap3A_912] {strides = array<i32>} : memref<2x72x128xf32, #tpu.memory_space<vmem>>, vector<1x1x16xf32>,
        %swap3A_914 = vector.shape_cast %swap3A_913 : vector<1x1x16xf32> to vector<16xf32>
        %swap3A_915 = vector.shape_cast %add3A_909 : vector<16xf32> to vector<1x1x16xf32>
        tpu.vector_store %arg10[%swap3A_910, %swap3A_911, %swap3A_912], %swap3A_915 {strides = array<i32>} : memref<2x72x128xf32, #tpu.memory_space<vmem>>, vector<1x1x16xf32>,
        %sub3A_916 = arith.subi %add3A_830, %multiple_of3A : i32
        %get3A_917 = arith.index_cast %sub3A_916 : i32 to index
        %get3A_918 = arith.constant 80 : index
        %get3A_919 = tpu.vector_load %arg5[%get3A_917, %get3A_918] {strides = array<i32>} : memref<96x128xf32, #tpu.memory_space<vmem>>, vector<1x16xf32>,
        %get3A_920 = vector.shape_cast %get3A_919 : vector<1x16xf32> to vector<16xf32>
        %get3A_921 = arith.index_cast %add3A_837 : i32 to index
        %get3A_922 = arith.constant 80 : index
        %get3A_923 = tpu.vector_load %arg7[%get3A_921, %get3A_922] {strides = array<i32>} : memref<65x128xf32, #tpu.memory_space<vmem>>, vector<1x16xf32>,
        %get3A_924 = vector.shape_cast %get3A_923 : vector<1x16xf32> to vector<16xf32>
        %add3A_925 = arith.addf %get3A_920, %get3A_924 : vector<16xf32>
        %swap3A_926 = arith.index_cast %rem3A_166 : i32 to index
        %swap3A_927 = arith.index_cast %scan3A_828 : i32 to index
        %swap3A_928 = arith.constant 80 : index
        %swap3A_929 = tpu.vector_load %arg10[%swap3A_926, %swap3A_927, %swap3A_928] {strides = array<i32>} : memref<2x72x128xf32, #tpu.memory_space<vmem>>, vector<1x1x16xf32>,
        %swap3A_930 = vector.shape_cast %swap3A_929 : vector<1x1x16xf32> to vector<16xf32>
        %swap3A_931 = vector.shape_cast %add3A_925 : vector<16xf32> to vector<1x1x16xf32>
        tpu.vector_store %arg10[%swap3A_926, %swap3A_927, %swap3A_928], %swap3A_931 {strides = array<i32>} : memref<2x72x128xf32, #tpu.memory_space<vmem>>, vector<1x1x16xf32>,
        %sub3A_932 = arith.subi %add3A_830, %multiple_of3A : i32
        %get3A_933 = arith.index_cast %sub3A_932 : i32 to index
        %get3A_934 = arith.constant 96 : index
        %get3A_935 = tpu.vector_load %arg5[%get3A_933, %get3A_934] {strides = array<i32>} : memref<96x128xf32, #tpu.memory_space<vmem>>, vector<1x16xf32>,
        %get3A_936 = vector.shape_cast %get3A_935 : vector<1x16xf32> to vector<16xf32>
        %get3A_937 = arith.index_cast %add3A_837 : i32 to index
        %get3A_938 = arith.constant 96 : index
        %get3A_939 = tpu.vector_load %arg7[%get3A_937, %get3A_938] {strides = array<i32>} : memref<65x128xf32, #tpu.memory_space<vmem>>, vector<1x16xf32>,
        %get3A_940 = vector.shape_cast %get3A_939 : vector<1x16xf32> to vector<16xf32>
        %add3A_941 = arith.addf %get3A_936, %get3A_940 : vector<16xf32>
        %swap3A_942 = arith.index_cast %rem3A_166 : i32 to index
        %swap3A_943 = arith.index_cast %scan3A_828 : i32 to index
        %swap3A_944 = arith.constant 96 : index
        %swap3A_945 = tpu.vector_load %arg10[%swap3A_942, %swap3A_943, %swap3A_944] {strides = array<i32>} : memref<2x72x128xf32, #tpu.memory_space<vmem>>, vector<1x1x16xf32>,
        %swap3A_946 = vector.shape_cast %swap3A_945 : vector<1x1x16xf32> to vector<16xf32>
        %swap3A_947 = vector.shape_cast %add3A_941 : vector<16xf32> to vector<1x1x16xf32>
        tpu.vector_store %arg10[%swap3A_942, %swap3A_943, %swap3A_944], %swap3A_947 {strides = array<i32>} : memref<2x72x128xf32, #tpu.memory_space<vmem>>, vector<1x1x16xf32>,
        %sub3A_948 = arith.subi %add3A_830, %multiple_of3A : i32
        %get3A_949 = arith.index_cast %sub3A_948 : i32 to index
        %get3A_950 = arith.constant 112 : index
        %get3A_951 = tpu.vector_load %arg5[%get3A_949, %get3A_950] {strides = array<i32>} : memref<96x128xf32, #tpu.memory_space<vmem>>, vector<1x16xf32>,
        %get3A_952 = vector.shape_cast %get3A_951 : vector<1x16xf32> to vector<16xf32>
        %get3A_953 = arith.index_cast %add3A_837 : i32 to index
        %get3A_954 = arith.constant 112 : index
        %get3A_955 = tpu.vector_load %arg7[%get3A_953, %get3A_954] {strides = array<i32>} : memref<65x128xf32, #tpu.memory_space<vmem>>, vector<1x16xf32>,
        %get3A_956 = vector.shape_cast %get3A_955 : vector<1x16xf32> to vector<16xf32>
        %add3A_957 = arith.addf %get3A_952, %get3A_956 : vector<16xf32>
        %swap3A_958 = arith.index_cast %rem3A_166 : i32 to index
        %swap3A_959 = arith.index_cast %scan3A_828 : i32 to index
        %swap3A_960 = arith.constant 112 : index
        %swap3A_961 = tpu.vector_load %arg10[%swap3A_958, %swap3A_959, %swap3A_960] {strides = array<i32>} : memref<2x72x128xf32, #tpu.memory_space<vmem>>, vector<1x1x16xf32>,
        %swap3A_962 = vector.shape_cast %swap3A_961 : vector<1x1x16xf32> to vector<16xf32>
        %swap3A_963 = vector.shape_cast %add3A_957 : vector<16xf32> to vector<1x1x16xf32>
        tpu.vector_store %arg10[%swap3A_958, %swap3A_959, %swap3A_960], %swap3A_963 {strides = array<i32>} : memref<2x72x128xf32, #tpu.memory_space<vmem>>, vector<1x1x16xf32>,
        %scan3A_964 = arith.constant 0 : i32
        scf.yield %scan3A_964 : i32
      }
      %scan3A_779 = arith.constant 72 : i32
      %add3A_780 = arith.addi %mul3A_2, %scan3A_128 : i32
      %sub3A_781 = arith.constant 32 : i32
      %sub3A_782 = arith.subi %add3A_780, %sub3A_781 : i32
      %jit3A_783 = arith.constant 0 : i32
      %jit3A_784 = arith.constant 440 : i32
      %max3A_785 = arith.maxsi %jit3A_783, %sub3A_782 : i32
      %min3A_786 = arith.minsi %jit3A_784, %max3A_785 : i32
      %jit3A_787 = arith.constant 8 : i32
      %div3A_788 = arith.divsi %min3A_786, %jit3A_787 : i32
      %sign3A_789 = arith.constant 0 : i32
      %sign3A_790 = arith.cmpi sgt, %min3A_786, %sign3A_789 : i32
      %sign3A_791 = arith.extui %sign3A_790 : i1 to i32
      %sign3A_792 = arith.constant 0 : i32
      %sign3A_793 = arith.cmpi slt, %min3A_786, %sign3A_792 : i32
      %sign3A_794 = arith.extui %sign3A_793 : i1 to i32
      %sign3A_795 = arith.subi %sign3A_791, %sign3A_794 : i32
      %sign3A_796 = arith.constant 0 : i32
      %sign3A_797 = arith.cmpi sgt, %jit3A_787, %sign3A_796 : i32
      %sign3A_798 = arith.extui %sign3A_797 : i1 to i32
      %sign3A_799 = arith.constant 0 : i32
      %sign3A_800 = arith.cmpi slt, %jit3A_787, %sign3A_799 : i32
      %sign3A_801 = arith.extui %sign3A_800 : i1 to i32
      %sign3A_802 = arith.subi %sign3A_798, %sign3A_801 : i32
      %ne3A_803 = arith.cmpi ne, %sign3A_795, %sign3A_802 : i32
      %rem3A_804 = arith.remsi %min3A_786, %jit3A_787 : i32
      %ne3A_805 = arith.constant 0 : i32
      %ne3A_806 = arith.cmpi ne, %rem3A_804, %ne3A_805 : i32
      %and3A_807 = arith.andi %ne3A_803, %ne3A_806 : i1
      %sub3A_808 = arith.constant 1 : i32
      %sub3A_809 = arith.subi %div3A_788, %sub3A_808 : i32
      %select_n3A_810 = arith.select %and3A_807, %sub3A_809, %div3A_788 : i32
      %mul3A_811 = arith.constant 8 : i32
      %mul3A_812 = arith.muli %select_n3A_810, %mul3A_811 : i32
      %sub3A_813 = arith.constant 440 : i32
      %sub3A_814 = arith.subi %sub3A_813, %mul3A_812 : i32
      %rem3A_815 = arith.constant 2 : i32
      %rem3A_816 = arith.remsi %scan3A_128, %rem3A_815 : i32
      %eq3A_817 = arith.constant 0 : i32
      %eq3A_818 = arith.cmpi eq, %rem3A_816, %eq3A_817 : i32
      %convert_element_type3A_819 = arith.extui %eq3A_818 : i1 to i32
      %cond3A_820 = arith.constant 0 : i32
      %cond3A_821 = arith.cmpi ne, %convert_element_type3A_819, %cond3A_820 : i32
      scf.if %cond3A_821 {
        %dma_start3A_828 = arith.constant 0 : i32
        %dma_start3A_829 = arith.constant 0 : i32
        %dma_start3A_830 = arith.constant 0 : i32
        %dma_start3A_831 = tpu.memref_slice %arg10[%dma_start3A_828, %dma_start3A_829, %dma_start3A_830] : memref<2x72x128xf32, #tpu.memory_space<vmem>> -> memref<1x72x128xf32, #tpu.memory_space<vmem>>
        %dma_start3A_832 = tpu.memref_squeeze %dma_start3A_831 : memref<1x72x128xf32, #tpu.memory_space<vmem>> -> memref<72x128xf32, #tpu.memory_space<vmem>>
        %dma_start3A_833 = arith.constant 0 : i32
        %dma_start3A_834 = tpu.memref_slice %arg4[%add3A_780, %mul3A_812, %dma_start3A_833] : memref<512x512x128xf32, #tpu.memory_space<hbm>> -> memref<1x72x128xf32, #tpu.memory_space<hbm>>
        %dma_start3A_835 = tpu.memref_squeeze %dma_start3A_834 : memref<1x72x128xf32, #tpu.memory_space<hbm>> -> memref<72x128xf32, #tpu.memory_space<hbm>>
        %dma_start3A_836 = arith.constant 0 : i32
        %dma_start3A_837 = tpu.memref_slice %arg4[%add3A_780, %mul3A_812, %dma_start3A_836] : memref<512x512x128xf32, #tpu.memory_space<hbm>> -> memref<1x72x128xf32, #tpu.memory_space<hbm>>
        %dma_start3A_838 = tpu.memref_squeeze %dma_start3A_837 : memref<1x72x128xf32, #tpu.memory_space<hbm>> -> memref<72x128xf32, #tpu.memory_space<hbm>>
        %dma_start3A_839 = arith.constant 0 : i32
        %dma_start3A_840 = arith.constant 0 : i32
        %dma_start3A_841 = tpu.memref_slice %arg10[%dma_start3A_828, %dma_start3A_839, %dma_start3A_840] : memref<2x72x128xf32, #tpu.memory_space<vmem>> -> memref<1x72x128xf32, #tpu.memory_space<vmem>>
        %dma_start3A_842 = tpu.memref_squeeze %dma_start3A_841 : memref<1x72x128xf32, #tpu.memory_space<vmem>> -> memref<72x128xf32, #tpu.memory_space<vmem>>
        tpu.enqueue_dma source(%dma_start3A_842 : memref<72x128xf32, #tpu.memory_space<vmem>>) target(%dma_start3A_838 : memref<72x128xf32, #tpu.memory_space<hbm>>) target_semaphore(%arg15 : memref<!tpu.dma_semaphore, #tpu.memory_space<semaphore_mem>>)
      } else {
      }
      %eq3A_822 = arith.constant 1 : i32
      %eq3A_823 = arith.cmpi eq, %rem3A_816, %eq3A_822 : i32
      %convert_element_type3A_824 = arith.extui %eq3A_823 : i1 to i32
      %cond3A_825 = arith.constant 0 : i32
      %cond3A_826 = arith.cmpi ne, %convert_element_type3A_824, %cond3A_825 : i32
      scf.if %cond3A_826 {
        %dma_start3A_828 = arith.constant 1 : i32
        %dma_start3A_829 = arith.constant 0 : i32
        %dma_start3A_830 = arith.constant 0 : i32
        %dma_start3A_831 = tpu.memref_slice %arg10[%dma_start3A_828, %dma_start3A_829, %dma_start3A_830] : memref<2x72x128xf32, #tpu.memory_space<vmem>> -> memref<1x72x128xf32, #tpu.memory_space<vmem>>
        %dma_start3A_832 = tpu.memref_squeeze %dma_start3A_831 : memref<1x72x128xf32, #tpu.memory_space<vmem>> -> memref<72x128xf32, #tpu.memory_space<vmem>>
        %dma_start3A_833 = arith.constant 0 : i32
        %dma_start3A_834 = tpu.memref_slice %arg4[%add3A_780, %mul3A_812, %dma_start3A_833] : memref<512x512x128xf32, #tpu.memory_space<hbm>> -> memref<1x72x128xf32, #tpu.memory_space<hbm>>
        %dma_start3A_835 = tpu.memref_squeeze %dma_start3A_834 : memref<1x72x128xf32, #tpu.memory_space<hbm>> -> memref<72x128xf32, #tpu.memory_space<hbm>>
        %dma_start3A_836 = arith.constant 0 : i32
        %dma_start3A_837 = tpu.memref_slice %arg4[%add3A_780, %mul3A_812, %dma_start3A_836] : memref<512x512x128xf32, #tpu.memory_space<hbm>> -> memref<1x72x128xf32, #tpu.memory_space<hbm>>
        %dma_start3A_838 = tpu.memref_squeeze %dma_start3A_837 : memref<1x72x128xf32, #tpu.memory_space<hbm>> -> memref<72x128xf32, #tpu.memory_space<hbm>>
        %dma_start3A_839 = arith.constant 0 : i32
        %dma_start3A_840 = arith.constant 0 : i32
        %dma_start3A_841 = tpu.memref_slice %arg10[%dma_start3A_828, %dma_start3A_839, %dma_start3A_840] : memref<2x72x128xf32, #tpu.memory_space<vmem>> -> memref<1x72x128xf32, #tpu.memory_space<vmem>>
        %dma_start3A_842 = tpu.memref_squeeze %dma_start3A_841 : memref<1x72x128xf32, #tpu.memory_space<vmem>> -> memref<72x128xf32, #tpu.memory_space<vmem>>
        tpu.enqueue_dma source(%dma_start3A_842 : memref<72x128xf32, #tpu.memory_space<vmem>>) target(%dma_start3A_838 : memref<72x128xf32, #tpu.memory_space<hbm>>) target_semaphore(%arg16 : memref<!tpu.dma_semaphore, #tpu.memory_space<semaphore_mem>>)
      } else {
      }
      %scan3A_827 = arith.constant 0 : i32
      scf.yield %scan3A_827 : i32
    }
    %scan3A_31 = arith.constant 16 : i32
    %add3A_32 = arith.constant 14 : i32
    %add3A_33 = arith.addi %mul3A_2, %add3A_32 : i32
    %sub3A_34 = arith.constant 32 : i32
    %sub3A_35 = arith.subi %add3A_33, %sub3A_34 : i32
    %jit3A_36 = arith.constant 0 : i32
    %jit3A_37 = arith.constant 440 : i32
    %max3A_38 = arith.maxsi %jit3A_36, %sub3A_35 : i32
    %min3A_39 = arith.minsi %jit3A_37, %max3A_38 : i32
    %jit3A_40 = arith.constant 8 : i32
    %div3A = arith.divsi %min3A_39, %jit3A_40 : i32
    %sign3A = arith.constant 0 : i32
    %sign3A_41 = arith.cmpi sgt, %min3A_39, %sign3A : i32
    %sign3A_42 = arith.extui %sign3A_41 : i1 to i32
    %sign3A_43 = arith.constant 0 : i32
    %sign3A_44 = arith.cmpi slt, %min3A_39, %sign3A_43 : i32
    %sign3A_45 = arith.extui %sign3A_44 : i1 to i32
    %sign3A_46 = arith.subi %sign3A_42, %sign3A_45 : i32
    %sign3A_47 = arith.constant 0 : i32
    %sign3A_48 = arith.cmpi sgt, %jit3A_40, %sign3A_47 : i32
    %sign3A_49 = arith.extui %sign3A_48 : i1 to i32
    %sign3A_50 = arith.constant 0 : i32
    %sign3A_51 = arith.cmpi slt, %jit3A_40, %sign3A_50 : i32
    %sign3A_52 = arith.extui %sign3A_51 : i1 to i32
    %sign3A_53 = arith.subi %sign3A_49, %sign3A_52 : i32
    %ne3A = arith.cmpi ne, %sign3A_46, %sign3A_53 : i32
    %rem3A = arith.remsi %min3A_39, %jit3A_40 : i32
    %ne3A_54 = arith.constant 0 : i32
    %ne3A_55 = arith.cmpi ne, %rem3A, %ne3A_54 : i32
    %and3A = arith.andi %ne3A, %ne3A_55 : i1
    %sub3A_56 = arith.constant 1 : i32
    %sub3A_57 = arith.subi %div3A, %sub3A_56 : i32
    %select_n3A = arith.select %and3A, %sub3A_57, %div3A : i32
    %mul3A_58 = arith.constant 8 : i32
    %mul3A_59 = arith.muli %select_n3A, %mul3A_58 : i32
    %sub3A_60 = arith.constant 440 : i32
    %sub3A_61 = arith.subi %sub3A_60, %mul3A_59 : i32
    %rem3A_62 = arith.constant 14 : i32
    %rem3A_63 = arith.constant 2 : i32
    %rem3A_64 = arith.remsi %rem3A_62, %rem3A_63 : i32
    %eq3A = arith.constant 0 : i32
    %eq3A_65 = arith.cmpi eq, %rem3A_64, %eq3A : i32
    %convert_element_type3A = arith.extui %eq3A_65 : i1 to i32
    %cond3A = arith.constant 0 : i32
    %cond3A_66 = arith.cmpi ne, %convert_element_type3A, %cond3A : i32
    scf.if %cond3A_66 {
      %dma_wait3A_128 = arith.constant 0 : i32
      %dma_wait3A_129 = arith.constant 0 : i32
      %dma_wait3A_130 = arith.constant 0 : i32
      %dma_wait3A_131 = tpu.memref_slice %arg10[%dma_wait3A_128, %dma_wait3A_129, %dma_wait3A_130] : memref<2x72x128xf32, #tpu.memory_space<vmem>> -> memref<1x72x128xf32, #tpu.memory_space<vmem>>
      %dma_wait3A_132 = tpu.memref_squeeze %dma_wait3A_131 : memref<1x72x128xf32, #tpu.memory_space<vmem>> -> memref<72x128xf32, #tpu.memory_space<vmem>>
      %dma_wait3A_133 = arith.constant 0 : i32
      %dma_wait3A_134 = tpu.memref_slice %arg4[%add3A_33, %mul3A_59, %dma_wait3A_133] : memref<512x512x128xf32, #tpu.memory_space<hbm>> -> memref<1x72x128xf32, #tpu.memory_space<hbm>>
      %dma_wait3A_135 = tpu.memref_squeeze %dma_wait3A_134 : memref<1x72x128xf32, #tpu.memory_space<hbm>> -> memref<72x128xf32, #tpu.memory_space<hbm>>
      %dma_wait3A_136 = arith.constant 0 : i32
      %dma_wait3A_137 = tpu.memref_slice %arg4[%add3A_33, %mul3A_59, %dma_wait3A_136] : memref<512x512x128xf32, #tpu.memory_space<hbm>> -> memref<1x72x128xf32, #tpu.memory_space<hbm>>
      %dma_wait3A_138 = tpu.memref_squeeze %dma_wait3A_137 : memref<1x72x128xf32, #tpu.memory_space<hbm>> -> memref<72x128xf32, #tpu.memory_space<hbm>>
      %dma_wait3A_139 = arith.constant 0 : i32
      %dma_wait3A_140 = arith.constant 0 : i32
      %dma_wait3A_141 = tpu.memref_slice %arg10[%dma_wait3A_128, %dma_wait3A_139, %dma_wait3A_140] : memref<2x72x128xf32, #tpu.memory_space<vmem>> -> memref<1x72x128xf32, #tpu.memory_space<vmem>>
      %dma_wait3A_142 = tpu.memref_squeeze %dma_wait3A_141 : memref<1x72x128xf32, #tpu.memory_space<vmem>> -> memref<72x128xf32, #tpu.memory_space<vmem>>
      tpu.wait_dma2 semaphore(%arg15 : memref<!tpu.dma_semaphore, #tpu.memory_space<semaphore_mem>>) src(%dma_wait3A_142 : memref<72x128xf32, #tpu.memory_space<vmem>>) dst(%dma_wait3A_138 : memref<72x128xf32, #tpu.memory_space<hbm>>)
    } else {
    }
    %eq3A_67 = arith.constant 1 : i32
    %eq3A_68 = arith.cmpi eq, %rem3A_64, %eq3A_67 : i32
    %convert_element_type3A_69 = arith.extui %eq3A_68 : i1 to i32
    %cond3A_70 = arith.constant 0 : i32
    %cond3A_71 = arith.cmpi ne, %convert_element_type3A_69, %cond3A_70 : i32
    scf.if %cond3A_71 {
      %dma_wait3A_128 = arith.constant 1 : i32
      %dma_wait3A_129 = arith.constant 0 : i32
      %dma_wait3A_130 = arith.constant 0 : i32
      %dma_wait3A_131 = tpu.memref_slice %arg10[%dma_wait3A_128, %dma_wait3A_129, %dma_wait3A_130] : memref<2x72x128xf32, #tpu.memory_space<vmem>> -> memref<1x72x128xf32, #tpu.memory_space<vmem>>
      %dma_wait3A_132 = tpu.memref_squeeze %dma_wait3A_131 : memref<1x72x128xf32, #tpu.memory_space<vmem>> -> memref<72x128xf32, #tpu.memory_space<vmem>>
      %dma_wait3A_133 = arith.constant 0 : i32
      %dma_wait3A_134 = tpu.memref_slice %arg4[%add3A_33, %mul3A_59, %dma_wait3A_133] : memref<512x512x128xf32, #tpu.memory_space<hbm>> -> memref<1x72x128xf32, #tpu.memory_space<hbm>>
      %dma_wait3A_135 = tpu.memref_squeeze %dma_wait3A_134 : memref<1x72x128xf32, #tpu.memory_space<hbm>> -> memref<72x128xf32, #tpu.memory_space<hbm>>
      %dma_wait3A_136 = arith.constant 0 : i32
      %dma_wait3A_137 = tpu.memref_slice %arg4[%add3A_33, %mul3A_59, %dma_wait3A_136] : memref<512x512x128xf32, #tpu.memory_space<hbm>> -> memref<1x72x128xf32, #tpu.memory_space<hbm>>
      %dma_wait3A_138 = tpu.memref_squeeze %dma_wait3A_137 : memref<1x72x128xf32, #tpu.memory_space<hbm>> -> memref<72x128xf32, #tpu.memory_space<hbm>>
      %dma_wait3A_139 = arith.constant 0 : i32
      %dma_wait3A_140 = arith.constant 0 : i32
      %dma_wait3A_141 = tpu.memref_slice %arg10[%dma_wait3A_128, %dma_wait3A_139, %dma_wait3A_140] : memref<2x72x128xf32, #tpu.memory_space<vmem>> -> memref<1x72x128xf32, #tpu.memory_space<vmem>>
      %dma_wait3A_142 = tpu.memref_squeeze %dma_wait3A_141 : memref<1x72x128xf32, #tpu.memory_space<vmem>> -> memref<72x128xf32, #tpu.memory_space<vmem>>
      tpu.wait_dma2 semaphore(%arg16 : memref<!tpu.dma_semaphore, #tpu.memory_space<semaphore_mem>>) src(%dma_wait3A_142 : memref<72x128xf32, #tpu.memory_space<vmem>>) dst(%dma_wait3A_138 : memref<72x128xf32, #tpu.memory_space<hbm>>)
    } else {
    }
    %add3A_72 = arith.constant 15 : i32
    %add3A_73 = arith.addi %mul3A_2, %add3A_72 : i32
    %sub3A_74 = arith.constant 32 : i32
    %sub3A_75 = arith.subi %add3A_73, %sub3A_74 : i32
    %jit3A_76 = arith.constant 0 : i32
    %jit3A_77 = arith.constant 440 : i32
    %max3A_78 = arith.maxsi %jit3A_76, %sub3A_75 : i32
    %min3A_79 = arith.minsi %jit3A_77, %max3A_78 : i32
    %jit3A_80 = arith.constant 8 : i32
    %div3A_81 = arith.divsi %min3A_79, %jit3A_80 : i32
    %sign3A_82 = arith.constant 0 : i32
    %sign3A_83 = arith.cmpi sgt, %min3A_79, %sign3A_82 : i32
    %sign3A_84 = arith.extui %sign3A_83 : i1 to i32
    %sign3A_85 = arith.constant 0 : i32
    %sign3A_86 = arith.cmpi slt, %min3A_79, %sign3A_85 : i32
    %sign3A_87 = arith.extui %sign3A_86 : i1 to i32
    %sign3A_88 = arith.subi %sign3A_84, %sign3A_87 : i32
    %sign3A_89 = arith.constant 0 : i32
    %sign3A_90 = arith.cmpi sgt, %jit3A_80, %sign3A_89 : i32
    %sign3A_91 = arith.extui %sign3A_90 : i1 to i32
    %sign3A_92 = arith.constant 0 : i32
    %sign3A_93 = arith.cmpi slt, %jit3A_80, %sign3A_92 : i32
    %sign3A_94 = arith.extui %sign3A_93 : i1 to i32
    %sign3A_95 = arith.subi %sign3A_91, %sign3A_94 : i32
    %ne3A_96 = arith.cmpi ne, %sign3A_88, %sign3A_95 : i32
    %rem3A_97 = arith.remsi %min3A_79, %jit3A_80 : i32
    %ne3A_98 = arith.constant 0 : i32
    %ne3A_99 = arith.cmpi ne, %rem3A_97, %ne3A_98 : i32
    %and3A_100 = arith.andi %ne3A_96, %ne3A_99 : i1
    %sub3A_101 = arith.constant 1 : i32
    %sub3A_102 = arith.subi %div3A_81, %sub3A_101 : i32
    %select_n3A_103 = arith.select %and3A_100, %sub3A_102, %div3A_81 : i32
    %mul3A_104 = arith.constant 8 : i32
    %mul3A_105 = arith.muli %select_n3A_103, %mul3A_104 : i32
    %sub3A_106 = arith.constant 440 : i32
    %sub3A_107 = arith.subi %sub3A_106, %mul3A_105 : i32
    %rem3A_108 = arith.constant 15 : i32
    %rem3A_109 = arith.constant 2 : i32
    %rem3A_110 = arith.remsi %rem3A_108, %rem3A_109 : i32
    %eq3A_111 = arith.constant 0 : i32
    %eq3A_112 = arith.cmpi eq, %rem3A_110, %eq3A_111 : i32
    %convert_element_type3A_113 = arith.extui %eq3A_112 : i1 to i32
    %cond3A_114 = arith.constant 0 : i32
    %cond3A_115 = arith.cmpi ne, %convert_element_type3A_113, %cond3A_114 : i32
    scf.if %cond3A_115 {
      %dma_wait3A_128 = arith.constant 0 : i32
      %dma_wait3A_129 = arith.constant 0 : i32
      %dma_wait3A_130 = arith.constant 0 : i32
      %dma_wait3A_131 = tpu.memref_slice %arg10[%dma_wait3A_128, %dma_wait3A_129, %dma_wait3A_130] : memref<2x72x128xf32, #tpu.memory_space<vmem>> -> memref<1x72x128xf32, #tpu.memory_space<vmem>>
      %dma_wait3A_132 = tpu.memref_squeeze %dma_wait3A_131 : memref<1x72x128xf32, #tpu.memory_space<vmem>> -> memref<72x128xf32, #tpu.memory_space<vmem>>
      %dma_wait3A_133 = arith.constant 0 : i32
      %dma_wait3A_134 = tpu.memref_slice %arg4[%add3A_73, %mul3A_105, %dma_wait3A_133] : memref<512x512x128xf32, #tpu.memory_space<hbm>> -> memref<1x72x128xf32, #tpu.memory_space<hbm>>
      %dma_wait3A_135 = tpu.memref_squeeze %dma_wait3A_134 : memref<1x72x128xf32, #tpu.memory_space<hbm>> -> memref<72x128xf32, #tpu.memory_space<hbm>>
      %dma_wait3A_136 = arith.constant 0 : i32
      %dma_wait3A_137 = tpu.memref_slice %arg4[%add3A_73, %mul3A_105, %dma_wait3A_136] : memref<512x512x128xf32, #tpu.memory_space<hbm>> -> memref<1x72x128xf32, #tpu.memory_space<hbm>>
      %dma_wait3A_138 = tpu.memref_squeeze %dma_wait3A_137 : memref<1x72x128xf32, #tpu.memory_space<hbm>> -> memref<72x128xf32, #tpu.memory_space<hbm>>
      %dma_wait3A_139 = arith.constant 0 : i32
      %dma_wait3A_140 = arith.constant 0 : i32
      %dma_wait3A_141 = tpu.memref_slice %arg10[%dma_wait3A_128, %dma_wait3A_139, %dma_wait3A_140] : memref<2x72x128xf32, #tpu.memory_space<vmem>> -> memref<1x72x128xf32, #tpu.memory_space<vmem>>
      %dma_wait3A_142 = tpu.memref_squeeze %dma_wait3A_141 : memref<1x72x128xf32, #tpu.memory_space<vmem>> -> memref<72x128xf32, #tpu.memory_space<vmem>>
      tpu.wait_dma2 semaphore(%arg15 : memref<!tpu.dma_semaphore, #tpu.memory_space<semaphore_mem>>) src(%dma_wait3A_142 : memref<72x128xf32, #tpu.memory_space<vmem>>) dst(%dma_wait3A_138 : memref<72x128xf32, #tpu.memory_space<hbm>>)
    } else {
    }
    %eq3A_116 = arith.constant 1 : i32
    %eq3A_117 = arith.cmpi eq, %rem3A_110, %eq3A_116 : i32
    %convert_element_type3A_118 = arith.extui %eq3A_117 : i1 to i32
    %cond3A_119 = arith.constant 0 : i32
    %cond3A_120 = arith.cmpi ne, %convert_element_type3A_118, %cond3A_119 : i32
    scf.if %cond3A_120 {
      %dma_wait3A_128 = arith.constant 1 : i32
      %dma_wait3A_129 = arith.constant 0 : i32
      %dma_wait3A_130 = arith.constant 0 : i32
      %dma_wait3A_131 = tpu.memref_slice %arg10[%dma_wait3A_128, %dma_wait3A_129, %dma_wait3A_130] : memref<2x72x128xf32, #tpu.memory_space<vmem>> -> memref<1x72x128xf32, #tpu.memory_space<vmem>>
      %dma_wait3A_132 = tpu.memref_squeeze %dma_wait3A_131 : memref<1x72x128xf32, #tpu.memory_space<vmem>> -> memref<72x128xf32, #tpu.memory_space<vmem>>
      %dma_wait3A_133 = arith.constant 0 : i32
      %dma_wait3A_134 = tpu.memref_slice %arg4[%add3A_73, %mul3A_105, %dma_wait3A_133] : memref<512x512x128xf32, #tpu.memory_space<hbm>> -> memref<1x72x128xf32, #tpu.memory_space<hbm>>
      %dma_wait3A_135 = tpu.memref_squeeze %dma_wait3A_134 : memref<1x72x128xf32, #tpu.memory_space<hbm>> -> memref<72x128xf32, #tpu.memory_space<hbm>>
      %dma_wait3A_136 = arith.constant 0 : i32
      %dma_wait3A_137 = tpu.memref_slice %arg4[%add3A_73, %mul3A_105, %dma_wait3A_136] : memref<512x512x128xf32, #tpu.memory_space<hbm>> -> memref<1x72x128xf32, #tpu.memory_space<hbm>>
      %dma_wait3A_138 = tpu.memref_squeeze %dma_wait3A_137 : memref<1x72x128xf32, #tpu.memory_space<hbm>> -> memref<72x128xf32, #tpu.memory_space<hbm>>
      %dma_wait3A_139 = arith.constant 0 : i32
      %dma_wait3A_140 = arith.constant 0 : i32
      %dma_wait3A_141 = tpu.memref_slice %arg10[%dma_wait3A_128, %dma_wait3A_139, %dma_wait3A_140] : memref<2x72x128xf32, #tpu.memory_space<vmem>> -> memref<1x72x128xf32, #tpu.memory_space<vmem>>
      %dma_wait3A_142 = tpu.memref_squeeze %dma_wait3A_141 : memref<1x72x128xf32, #tpu.memory_space<vmem>> -> memref<72x128xf32, #tpu.memory_space<vmem>>
      tpu.wait_dma2 semaphore(%arg16 : memref<!tpu.dma_semaphore, #tpu.memory_space<semaphore_mem>>) src(%dma_wait3A_142 : memref<72x128xf32, #tpu.memory_space<vmem>>) dst(%dma_wait3A_138 : memref<72x128xf32, #tpu.memory_space<hbm>>)
    } else {
    }
    %scan3A_121 = arith.constant 0 : i32
    %scan3A_122 = arith.constant 0 : i32
    %scan3A_123 = arith.constant 16 : i32
    %scan3A_124 = arith.addi %scan3A_122, %scan3A_123 : i32
    %scan3A_125 = arith.constant 1 : i32
    %scan3A_126 = scf.for %scan3A_128 = %scan3A_122 to %scan3A_124 step %scan3A_125 iter_args(%scan3A_129 = %scan3A_121) -> (i32)  : i32 {
      %add3A_130 = arith.addi %mul3A_2, %scan3A_128 : i32
      %sub3A_131 = arith.constant 32 : i32
      %sub3A_132 = arith.subi %add3A_130, %sub3A_131 : i32
      %jit3A_133 = arith.constant 0 : i32
      %jit3A_134 = arith.constant 440 : i32
      %max3A_135 = arith.maxsi %jit3A_133, %sub3A_132 : i32
      %min3A_136 = arith.minsi %jit3A_134, %max3A_135 : i32
      %jit3A_137 = arith.constant 8 : i32
      %div3A_138 = arith.divsi %min3A_136, %jit3A_137 : i32
      %sign3A_139 = arith.constant 0 : i32
      %sign3A_140 = arith.cmpi sgt, %min3A_136, %sign3A_139 : i32
      %sign3A_141 = arith.extui %sign3A_140 : i1 to i32
      %sign3A_142 = arith.constant 0 : i32
      %sign3A_143 = arith.cmpi slt, %min3A_136, %sign3A_142 : i32
      %sign3A_144 = arith.extui %sign3A_143 : i1 to i32
      %sign3A_145 = arith.subi %sign3A_141, %sign3A_144 : i32
      %sign3A_146 = arith.constant 0 : i32
      %sign3A_147 = arith.cmpi sgt, %jit3A_137, %sign3A_146 : i32
      %sign3A_148 = arith.extui %sign3A_147 : i1 to i32
      %sign3A_149 = arith.constant 0 : i32
      %sign3A_150 = arith.cmpi slt, %jit3A_137, %sign3A_149 : i32
      %sign3A_151 = arith.extui %sign3A_150 : i1 to i32
      %sign3A_152 = arith.subi %sign3A_148, %sign3A_151 : i32
      %ne3A_153 = arith.cmpi ne, %sign3A_145, %sign3A_152 : i32
      %rem3A_154 = arith.remsi %min3A_136, %jit3A_137 : i32
      %ne3A_155 = arith.constant 0 : i32
      %ne3A_156 = arith.cmpi ne, %rem3A_154, %ne3A_155 : i32
      %and3A_157 = arith.andi %ne3A_153, %ne3A_156 : i1
      %sub3A_158 = arith.constant 1 : i32
      %sub3A_159 = arith.subi %div3A_138, %sub3A_158 : i32
      %select_n3A_160 = arith.select %and3A_157, %sub3A_159, %div3A_138 : i32
      %mul3A_161 = arith.constant 8 : i32
      %mul3A_162 = arith.muli %select_n3A_160, %mul3A_161 : i32
      %sub3A_163 = arith.constant 440 : i32
      %sub3A_164 = arith.subi %sub3A_163, %mul3A_162 : i32
      %jit3A_165 = arith.constant 256 : i32
      %div3A_166 = arith.divsi %mul3A_162, %jit3A_165 : i32
      %sign3A_167 = arith.constant 0 : i32
      %sign3A_168 = arith.cmpi sgt, %mul3A_162, %sign3A_167 : i32
      %sign3A_169 = arith.extui %sign3A_168 : i1 to i32
      %sign3A_170 = arith.constant 0 : i32
      %sign3A_171 = arith.cmpi slt, %mul3A_162, %sign3A_170 : i32
      %sign3A_172 = arith.extui %sign3A_171 : i1 to i32
      %sign3A_173 = arith.subi %sign3A_169, %sign3A_172 : i32
      %sign3A_174 = arith.constant 0 : i32
      %sign3A_175 = arith.cmpi sgt, %jit3A_165, %sign3A_174 : i32
      %sign3A_176 = arith.extui %sign3A_175 : i1 to i32
      %sign3A_177 = arith.constant 0 : i32
      %sign3A_178 = arith.cmpi slt, %jit3A_165, %sign3A_177 : i32
      %sign3A_179 = arith.extui %sign3A_178 : i1 to i32
      %sign3A_180 = arith.subi %sign3A_176, %sign3A_179 : i32
      %ne3A_181 = arith.cmpi ne, %sign3A_173, %sign3A_180 : i32
      %rem3A_182 = arith.remsi %mul3A_162, %jit3A_165 : i32
      %ne3A_183 = arith.constant 0 : i32
      %ne3A_184 = arith.cmpi ne, %rem3A_182, %ne3A_183 : i32
      %and3A_185 = arith.andi %ne3A_181, %ne3A_184 : i1
      %sub3A_186 = arith.constant 1 : i32
      %sub3A_187 = arith.subi %div3A_166, %sub3A_186 : i32
      %select_n3A_188 = arith.select %and3A_185, %sub3A_187, %div3A_166 : i32
      %jit3A_189 = arith.constant 2 : i32
      %eq3A_190 = arith.constant 0 : i32
      %eq3A_191 = arith.cmpi eq, %jit3A_189, %eq3A_190 : i32
      %jit3A_192 = arith.constant 1 : i32
      %select_n3A_193 = arith.select %eq3A_191, %jit3A_192, %jit3A_189 : i32
      %rem3A_194 = arith.remsi %select_n3A_188, %select_n3A_193 : i32
      %ne3A_195 = arith.constant 0 : i32
      %ne3A_196 = arith.cmpi ne, %rem3A_194, %ne3A_195 : i32
      %lt3A = arith.constant 0 : i32
      %lt3A_197 = arith.cmpi slt, %rem3A_194, %lt3A : i32
      %lt3A_198 = arith.constant 0 : i32
      %lt3A_199 = arith.cmpi slt, %select_n3A_193, %lt3A_198 : i32
      %ne3A_200 = arith.xori %lt3A_197, %lt3A_199 : i1
      %and3A_201 = arith.andi %ne3A_200, %ne3A_196 : i1
      %add3A_202 = arith.addi %rem3A_194, %select_n3A_193 : i32
      %select_n3A_203 = arith.select %and3A_201, %add3A_202, %rem3A_194 : i32
      %ne3A_204 = arith.constant 0 : i32
      %ne3A_205 = arith.cmpi ne, %select_n3A_203, %ne3A_204 : i32
      %mul3A_206 = arith.constant 256 : i32
      %mul3A_207 = arith.muli %select_n3A_203, %mul3A_206 : i32
      %add3A_208 = arith.constant 0 : i32
      %add3A_209 = arith.addi %add3A_208, %mul3A_207 : i32
      %jit3A_210 = arith.constant 128 : i32
      %div3A_211 = arith.divsi %mul3A_162, %jit3A_210 : i32
      %sign3A_212 = arith.constant 0 : i32
      %sign3A_213 = arith.cmpi sgt, %mul3A_162, %sign3A_212 : i32
      %sign3A_214 = arith.extui %sign3A_213 : i1 to i32
      %sign3A_215 = arith.constant 0 : i32
      %sign3A_216 = arith.cmpi slt, %mul3A_162, %sign3A_215 : i32
      %sign3A_217 = arith.extui %sign3A_216 : i1 to i32
      %sign3A_218 = arith.subi %sign3A_214, %sign3A_217 : i32
      %sign3A_219 = arith.constant 0 : i32
      %sign3A_220 = arith.cmpi sgt, %jit3A_210, %sign3A_219 : i32
      %sign3A_221 = arith.extui %sign3A_220 : i1 to i32
      %sign3A_222 = arith.constant 0 : i32
      %sign3A_223 = arith.cmpi slt, %jit3A_210, %sign3A_222 : i32
      %sign3A_224 = arith.extui %sign3A_223 : i1 to i32
      %sign3A_225 = arith.subi %sign3A_221, %sign3A_224 : i32
      %ne3A_226 = arith.cmpi ne, %sign3A_218, %sign3A_225 : i32
      %rem3A_227 = arith.remsi %mul3A_162, %jit3A_210 : i32
      %ne3A_228 = arith.constant 0 : i32
      %ne3A_229 = arith.cmpi ne, %rem3A_227, %ne3A_228 : i32
      %and3A_230 = arith.andi %ne3A_226, %ne3A_229 : i1
      %sub3A_231 = arith.constant 1 : i32
      %sub3A_232 = arith.subi %div3A_211, %sub3A_231 : i32
      %select_n3A_233 = arith.select %and3A_230, %sub3A_232, %div3A_211 : i32
      %jit3A_234 = arith.constant 2 : i32
      %eq3A_235 = arith.constant 0 : i32
      %eq3A_236 = arith.cmpi eq, %jit3A_234, %eq3A_235 : i32
      %jit3A_237 = arith.constant 1 : i32
      %select_n3A_238 = arith.select %eq3A_236, %jit3A_237, %jit3A_234 : i32
      %rem3A_239 = arith.remsi %select_n3A_233, %select_n3A_238 : i32
      %ne3A_240 = arith.constant 0 : i32
      %ne3A_241 = arith.cmpi ne, %rem3A_239, %ne3A_240 : i32
      %lt3A_242 = arith.constant 0 : i32
      %lt3A_243 = arith.cmpi slt, %rem3A_239, %lt3A_242 : i32
      %lt3A_244 = arith.constant 0 : i32
      %lt3A_245 = arith.cmpi slt, %select_n3A_238, %lt3A_244 : i32
      %ne3A_246 = arith.xori %lt3A_243, %lt3A_245 : i1
      %and3A_247 = arith.andi %ne3A_246, %ne3A_241 : i1
      %add3A_248 = arith.addi %rem3A_239, %select_n3A_238 : i32
      %select_n3A_249 = arith.select %and3A_247, %add3A_248, %rem3A_239 : i32
      %ne3A_250 = arith.constant 0 : i32
      %ne3A_251 = arith.cmpi ne, %select_n3A_249, %ne3A_250 : i32
      %mul3A_252 = arith.constant 128 : i32
      %mul3A_253 = arith.muli %select_n3A_249, %mul3A_252 : i32
      %add3A_254 = arith.addi %add3A_209, %mul3A_253 : i32
      %jit3A_255 = arith.constant 64 : i32
      %div3A_256 = arith.divsi %mul3A_162, %jit3A_255 : i32
      %sign3A_257 = arith.constant 0 : i32
      %sign3A_258 = arith.cmpi sgt, %mul3A_162, %sign3A_257 : i32
      %sign3A_259 = arith.extui %sign3A_258 : i1 to i32
      %sign3A_260 = arith.constant 0 : i32
      %sign3A_261 = arith.cmpi slt, %mul3A_162, %sign3A_260 : i32
      %sign3A_262 = arith.extui %sign3A_261 : i1 to i32
      %sign3A_263 = arith.subi %sign3A_259, %sign3A_262 : i32
      %sign3A_264 = arith.constant 0 : i32
      %sign3A_265 = arith.cmpi sgt, %jit3A_255, %sign3A_264 : i32
      %sign3A_266 = arith.extui %sign3A_265 : i1 to i32
      %sign3A_267 = arith.constant 0 : i32
      %sign3A_268 = arith.cmpi slt, %jit3A_255, %sign3A_267 : i32
      %sign3A_269 = arith.extui %sign3A_268 : i1 to i32
      %sign3A_270 = arith.subi %sign3A_266, %sign3A_269 : i32
      %ne3A_271 = arith.cmpi ne, %sign3A_263, %sign3A_270 : i32
      %rem3A_272 = arith.remsi %mul3A_162, %jit3A_255 : i32
      %ne3A_273 = arith.constant 0 : i32
      %ne3A_274 = arith.cmpi ne, %rem3A_272, %ne3A_273 : i32
      %and3A_275 = arith.andi %ne3A_271, %ne3A_274 : i1
      %sub3A_276 = arith.constant 1 : i32
      %sub3A_277 = arith.subi %div3A_256, %sub3A_276 : i32
      %select_n3A_278 = arith.select %and3A_275, %sub3A_277, %div3A_256 : i32
      %jit3A_279 = arith.constant 2 : i32
      %eq3A_280 = arith.constant 0 : i32
      %eq3A_281 = arith.cmpi eq, %jit3A_279, %eq3A_280 : i32
      %jit3A_282 = arith.constant 1 : i32
      %select_n3A_283 = arith.select %eq3A_281, %jit3A_282, %jit3A_279 : i32
      %rem3A_284 = arith.remsi %select_n3A_278, %select_n3A_283 : i32
      %ne3A_285 = arith.constant 0 : i32
      %ne3A_286 = arith.cmpi ne, %rem3A_284, %ne3A_285 : i32
      %lt3A_287 = arith.constant 0 : i32
      %lt3A_288 = arith.cmpi slt, %rem3A_284, %lt3A_287 : i32
      %lt3A_289 = arith.constant 0 : i32
      %lt3A_290 = arith.cmpi slt, %select_n3A_283, %lt3A_289 : i32
      %ne3A_291 = arith.xori %lt3A_288, %lt3A_290 : i1
      %and3A_292 = arith.andi %ne3A_291, %ne3A_286 : i1
      %add3A_293 = arith.addi %rem3A_284, %select_n3A_283 : i32
      %select_n3A_294 = arith.select %and3A_292, %add3A_293, %rem3A_284 : i32
      %ne3A_295 = arith.constant 0 : i32
      %ne3A_296 = arith.cmpi ne, %select_n3A_294, %ne3A_295 : i32
      %mul3A_297 = arith.constant 64 : i32
      %mul3A_298 = arith.muli %select_n3A_294, %mul3A_297 : i32
      %add3A_299 = arith.addi %add3A_254, %mul3A_298 : i32
      %jit3A_300 = arith.constant 32 : i32
      %div3A_301 = arith.divsi %mul3A_162, %jit3A_300 : i32
      %sign3A_302 = arith.constant 0 : i32
      %sign3A_303 = arith.cmpi sgt, %mul3A_162, %sign3A_302 : i32
      %sign3A_304 = arith.extui %sign3A_303 : i1 to i32
      %sign3A_305 = arith.constant 0 : i32
      %sign3A_306 = arith.cmpi slt, %mul3A_162, %sign3A_305 : i32
      %sign3A_307 = arith.extui %sign3A_306 : i1 to i32
      %sign3A_308 = arith.subi %sign3A_304, %sign3A_307 : i32
      %sign3A_309 = arith.constant 0 : i32
      %sign3A_310 = arith.cmpi sgt, %jit3A_300, %sign3A_309 : i32
      %sign3A_311 = arith.extui %sign3A_310 : i1 to i32
      %sign3A_312 = arith.constant 0 : i32
      %sign3A_313 = arith.cmpi slt, %jit3A_300, %sign3A_312 : i32
      %sign3A_314 = arith.extui %sign3A_313 : i1 to i32
      %sign3A_315 = arith.subi %sign3A_311, %sign3A_314 : i32
      %ne3A_316 = arith.cmpi ne, %sign3A_308, %sign3A_315 : i32
      %rem3A_317 = arith.remsi %mul3A_162, %jit3A_300 : i32
      %ne3A_318 = arith.constant 0 : i32
      %ne3A_319 = arith.cmpi ne, %rem3A_317, %ne3A_318 : i32
      %and3A_320 = arith.andi %ne3A_316, %ne3A_319 : i1
      %sub3A_321 = arith.constant 1 : i32
      %sub3A_322 = arith.subi %div3A_301, %sub3A_321 : i32
      %select_n3A_323 = arith.select %and3A_320, %sub3A_322, %div3A_301 : i32
      %jit3A_324 = arith.constant 2 : i32
      %eq3A_325 = arith.constant 0 : i32
      %eq3A_326 = arith.cmpi eq, %jit3A_324, %eq3A_325 : i32
      %jit3A_327 = arith.constant 1 : i32
      %select_n3A_328 = arith.select %eq3A_326, %jit3A_327, %jit3A_324 : i32
      %rem3A_329 = arith.remsi %select_n3A_323, %select_n3A_328 : i32
      %ne3A_330 = arith.constant 0 : i32
      %ne3A_331 = arith.cmpi ne, %rem3A_329, %ne3A_330 : i32
      %lt3A_332 = arith.constant 0 : i32
      %lt3A_333 = arith.cmpi slt, %rem3A_329, %lt3A_332 : i32
      %lt3A_334 = arith.constant 0 : i32
      %lt3A_335 = arith.cmpi slt, %select_n3A_328, %lt3A_334 : i32
      %ne3A_336 = arith.xori %lt3A_333, %lt3A_335 : i1
      %and3A_337 = arith.andi %ne3A_336, %ne3A_331 : i1
      %add3A_338 = arith.addi %rem3A_329, %select_n3A_328 : i32
      %select_n3A_339 = arith.select %and3A_337, %add3A_338, %rem3A_329 : i32
      %ne3A_340 = arith.constant 0 : i32
      %ne3A_341 = arith.cmpi ne, %select_n3A_339, %ne3A_340 : i32
      %mul3A_342 = arith.constant 32 : i32
      %mul3A_343 = arith.muli %select_n3A_339, %mul3A_342 : i32
      %add3A_344 = arith.addi %add3A_299, %mul3A_343 : i32
      %jit3A_345 = arith.constant 16 : i32
      %div3A_346 = arith.divsi %mul3A_162, %jit3A_345 : i32
      %sign3A_347 = arith.constant 0 : i32
      %sign3A_348 = arith.cmpi sgt, %mul3A_162, %sign3A_347 : i32
      %sign3A_349 = arith.extui %sign3A_348 : i1 to i32
      %sign3A_350 = arith.constant 0 : i32
      %sign3A_351 = arith.cmpi slt, %mul3A_162, %sign3A_350 : i32
      %sign3A_352 = arith.extui %sign3A_351 : i1 to i32
      %sign3A_353 = arith.subi %sign3A_349, %sign3A_352 : i32
      %sign3A_354 = arith.constant 0 : i32
      %sign3A_355 = arith.cmpi sgt, %jit3A_345, %sign3A_354 : i32
      %sign3A_356 = arith.extui %sign3A_355 : i1 to i32
      %sign3A_357 = arith.constant 0 : i32
      %sign3A_358 = arith.cmpi slt, %jit3A_345, %sign3A_357 : i32
      %sign3A_359 = arith.extui %sign3A_358 : i1 to i32
      %sign3A_360 = arith.subi %sign3A_356, %sign3A_359 : i32
      %ne3A_361 = arith.cmpi ne, %sign3A_353, %sign3A_360 : i32
      %rem3A_362 = arith.remsi %mul3A_162, %jit3A_345 : i32
      %ne3A_363 = arith.constant 0 : i32
      %ne3A_364 = arith.cmpi ne, %rem3A_362, %ne3A_363 : i32
      %and3A_365 = arith.andi %ne3A_361, %ne3A_364 : i1
      %sub3A_366 = arith.constant 1 : i32
      %sub3A_367 = arith.subi %div3A_346, %sub3A_366 : i32
      %select_n3A_368 = arith.select %and3A_365, %sub3A_367, %div3A_346 : i32
      %jit3A_369 = arith.constant 2 : i32
      %eq3A_370 = arith.constant 0 : i32
      %eq3A_371 = arith.cmpi eq, %jit3A_369, %eq3A_370 : i32
      %jit3A_372 = arith.constant 1 : i32
      %select_n3A_373 = arith.select %eq3A_371, %jit3A_372, %jit3A_369 : i32
      %rem3A_374 = arith.remsi %select_n3A_368, %select_n3A_373 : i32
      %ne3A_375 = arith.constant 0 : i32
      %ne3A_376 = arith.cmpi ne, %rem3A_374, %ne3A_375 : i32
      %lt3A_377 = arith.constant 0 : i32
      %lt3A_378 = arith.cmpi slt, %rem3A_374, %lt3A_377 : i32
      %lt3A_379 = arith.constant 0 : i32
      %lt3A_380 = arith.cmpi slt, %select_n3A_373, %lt3A_379 : i32
      %ne3A_381 = arith.xori %lt3A_378, %lt3A_380 : i1
      %and3A_382 = arith.andi %ne3A_381, %ne3A_376 : i1
      %add3A_383 = arith.addi %rem3A_374, %select_n3A_373 : i32
      %select_n3A_384 = arith.select %and3A_382, %add3A_383, %rem3A_374 : i32
      %ne3A_385 = arith.constant 0 : i32
      %ne3A_386 = arith.cmpi ne, %select_n3A_384, %ne3A_385 : i32
      %mul3A_387 = arith.constant 16 : i32
      %mul3A_388 = arith.muli %select_n3A_384, %mul3A_387 : i32
      %add3A_389 = arith.addi %add3A_344, %mul3A_388 : i32
      %jit3A_390 = arith.constant 8 : i32
      %div3A_391 = arith.divsi %mul3A_162, %jit3A_390 : i32
      %sign3A_392 = arith.constant 0 : i32
      %sign3A_393 = arith.cmpi sgt, %mul3A_162, %sign3A_392 : i32
      %sign3A_394 = arith.extui %sign3A_393 : i1 to i32
      %sign3A_395 = arith.constant 0 : i32
      %sign3A_396 = arith.cmpi slt, %mul3A_162, %sign3A_395 : i32
      %sign3A_397 = arith.extui %sign3A_396 : i1 to i32
      %sign3A_398 = arith.subi %sign3A_394, %sign3A_397 : i32
      %sign3A_399 = arith.constant 0 : i32
      %sign3A_400 = arith.cmpi sgt, %jit3A_390, %sign3A_399 : i32
      %sign3A_401 = arith.extui %sign3A_400 : i1 to i32
      %sign3A_402 = arith.constant 0 : i32
      %sign3A_403 = arith.cmpi slt, %jit3A_390, %sign3A_402 : i32
      %sign3A_404 = arith.extui %sign3A_403 : i1 to i32
      %sign3A_405 = arith.subi %sign3A_401, %sign3A_404 : i32
      %ne3A_406 = arith.cmpi ne, %sign3A_398, %sign3A_405 : i32
      %rem3A_407 = arith.remsi %mul3A_162, %jit3A_390 : i32
      %ne3A_408 = arith.constant 0 : i32
      %ne3A_409 = arith.cmpi ne, %rem3A_407, %ne3A_408 : i32
      %and3A_410 = arith.andi %ne3A_406, %ne3A_409 : i1
      %sub3A_411 = arith.constant 1 : i32
      %sub3A_412 = arith.subi %div3A_391, %sub3A_411 : i32
      %select_n3A_413 = arith.select %and3A_410, %sub3A_412, %div3A_391 : i32
      %jit3A_414 = arith.constant 2 : i32
      %eq3A_415 = arith.constant 0 : i32
      %eq3A_416 = arith.cmpi eq, %jit3A_414, %eq3A_415 : i32
      %jit3A_417 = arith.constant 1 : i32
      %select_n3A_418 = arith.select %eq3A_416, %jit3A_417, %jit3A_414 : i32
      %rem3A_419 = arith.remsi %select_n3A_413, %select_n3A_418 : i32
      %ne3A_420 = arith.constant 0 : i32
      %ne3A_421 = arith.cmpi ne, %rem3A_419, %ne3A_420 : i32
      %lt3A_422 = arith.constant 0 : i32
      %lt3A_423 = arith.cmpi slt, %rem3A_419, %lt3A_422 : i32
      %lt3A_424 = arith.constant 0 : i32
      %lt3A_425 = arith.cmpi slt, %select_n3A_418, %lt3A_424 : i32
      %ne3A_426 = arith.xori %lt3A_423, %lt3A_425 : i1
      %and3A_427 = arith.andi %ne3A_426, %ne3A_421 : i1
      %add3A_428 = arith.addi %rem3A_419, %select_n3A_418 : i32
      %select_n3A_429 = arith.select %and3A_427, %add3A_428, %rem3A_419 : i32
      %ne3A_430 = arith.constant 0 : i32
      %ne3A_431 = arith.cmpi ne, %select_n3A_429, %ne3A_430 : i32
      %mul3A_432 = arith.constant 8 : i32
      %mul3A_433 = arith.muli %select_n3A_429, %mul3A_432 : i32
      %add3A_434 = arith.addi %add3A_389, %mul3A_433 : i32
      %jit3A_435 = arith.constant 256 : i32
      %div3A_436 = arith.divsi %sub3A_164, %jit3A_435 : i32
      %sign3A_437 = arith.constant 0 : i32
      %sign3A_438 = arith.cmpi sgt, %sub3A_164, %sign3A_437 : i32
      %sign3A_439 = arith.extui %sign3A_438 : i1 to i32
      %sign3A_440 = arith.constant 0 : i32
      %sign3A_441 = arith.cmpi slt, %sub3A_164, %sign3A_440 : i32
      %sign3A_442 = arith.extui %sign3A_441 : i1 to i32
      %sign3A_443 = arith.subi %sign3A_439, %sign3A_442 : i32
      %sign3A_444 = arith.constant 0 : i32
      %sign3A_445 = arith.cmpi sgt, %jit3A_435, %sign3A_444 : i32
      %sign3A_446 = arith.extui %sign3A_445 : i1 to i32
      %sign3A_447 = arith.constant 0 : i32
      %sign3A_448 = arith.cmpi slt, %jit3A_435, %sign3A_447 : i32
      %sign3A_449 = arith.extui %sign3A_448 : i1 to i32
      %sign3A_450 = arith.subi %sign3A_446, %sign3A_449 : i32
      %ne3A_451 = arith.cmpi ne, %sign3A_443, %sign3A_450 : i32
      %rem3A_452 = arith.remsi %sub3A_164, %jit3A_435 : i32
      %ne3A_453 = arith.constant 0 : i32
      %ne3A_454 = arith.cmpi ne, %rem3A_452, %ne3A_453 : i32
      %and3A_455 = arith.andi %ne3A_451, %ne3A_454 : i1
      %sub3A_456 = arith.constant 1 : i32
      %sub3A_457 = arith.subi %div3A_436, %sub3A_456 : i32
      %select_n3A_458 = arith.select %and3A_455, %sub3A_457, %div3A_436 : i32
      %jit3A_459 = arith.constant 2 : i32
      %eq3A_460 = arith.constant 0 : i32
      %eq3A_461 = arith.cmpi eq, %jit3A_459, %eq3A_460 : i32
      %jit3A_462 = arith.constant 1 : i32
      %select_n3A_463 = arith.select %eq3A_461, %jit3A_462, %jit3A_459 : i32
      %rem3A_464 = arith.remsi %select_n3A_458, %select_n3A_463 : i32
      %ne3A_465 = arith.constant 0 : i32
      %ne3A_466 = arith.cmpi ne, %rem3A_464, %ne3A_465 : i32
      %lt3A_467 = arith.constant 0 : i32
      %lt3A_468 = arith.cmpi slt, %rem3A_464, %lt3A_467 : i32
      %lt3A_469 = arith.constant 0 : i32
      %lt3A_470 = arith.cmpi slt, %select_n3A_463, %lt3A_469 : i32
      %ne3A_471 = arith.xori %lt3A_468, %lt3A_470 : i1
      %and3A_472 = arith.andi %ne3A_471, %ne3A_466 : i1
      %add3A_473 = arith.addi %rem3A_464, %select_n3A_463 : i32
      %select_n3A_474 = arith.select %and3A_472, %add3A_473, %rem3A_464 : i32
      %mul3A_475 = arith.constant 256 : i32
      %mul3A_476 = arith.muli %select_n3A_474, %mul3A_475 : i32
      %sub3A_477 = arith.constant 512 : i32
      %sub3A_478 = arith.subi %sub3A_477, %mul3A_476 : i32
      %ne3A_479 = arith.constant 0 : i32
      %ne3A_480 = arith.cmpi ne, %select_n3A_474, %ne3A_479 : i32
      %min3A_481 = arith.constant 256 : i32
      %min3A_482 = arith.minsi %sub3A_478, %min3A_481 : i32
      %jit3A_483 = arith.constant 128 : i32
      %div3A_484 = arith.divsi %sub3A_164, %jit3A_483 : i32
      %sign3A_485 = arith.constant 0 : i32
      %sign3A_486 = arith.cmpi sgt, %sub3A_164, %sign3A_485 : i32
      %sign3A_487 = arith.extui %sign3A_486 : i1 to i32
      %sign3A_488 = arith.constant 0 : i32
      %sign3A_489 = arith.cmpi slt, %sub3A_164, %sign3A_488 : i32
      %sign3A_490 = arith.extui %sign3A_489 : i1 to i32
      %sign3A_491 = arith.subi %sign3A_487, %sign3A_490 : i32
      %sign3A_492 = arith.constant 0 : i32
      %sign3A_493 = arith.cmpi sgt, %jit3A_483, %sign3A_492 : i32
      %sign3A_494 = arith.extui %sign3A_493 : i1 to i32
      %sign3A_495 = arith.constant 0 : i32
      %sign3A_496 = arith.cmpi slt, %jit3A_483, %sign3A_495 : i32
      %sign3A_497 = arith.extui %sign3A_496 : i1 to i32
      %sign3A_498 = arith.subi %sign3A_494, %sign3A_497 : i32
      %ne3A_499 = arith.cmpi ne, %sign3A_491, %sign3A_498 : i32
      %rem3A_500 = arith.remsi %sub3A_164, %jit3A_483 : i32
      %ne3A_501 = arith.constant 0 : i32
      %ne3A_502 = arith.cmpi ne, %rem3A_500, %ne3A_501 : i32
      %and3A_503 = arith.andi %ne3A_499, %ne3A_502 : i1
      %sub3A_504 = arith.constant 1 : i32
      %sub3A_505 = arith.subi %div3A_484, %sub3A_504 : i32
      %select_n3A_506 = arith.select %and3A_503, %sub3A_505, %div3A_484 : i32
      %jit3A_507 = arith.constant 2 : i32
      %eq3A_508 = arith.constant 0 : i32
      %eq3A_509 = arith.cmpi eq, %jit3A_507, %eq3A_508 : i32
      %jit3A_510 = arith.constant 1 : i32
      %select_n3A_511 = arith.select %eq3A_509, %jit3A_510, %jit3A_507 : i32
      %rem3A_512 = arith.remsi %select_n3A_506, %select_n3A_511 : i32
      %ne3A_513 = arith.constant 0 : i32
      %ne3A_514 = arith.cmpi ne, %rem3A_512, %ne3A_513 : i32
      %lt3A_515 = arith.constant 0 : i32
      %lt3A_516 = arith.cmpi slt, %rem3A_512, %lt3A_515 : i32
      %lt3A_517 = arith.constant 0 : i32
      %lt3A_518 = arith.cmpi slt, %select_n3A_511, %lt3A_517 : i32
      %ne3A_519 = arith.xori %lt3A_516, %lt3A_518 : i1
      %and3A_520 = arith.andi %ne3A_519, %ne3A_514 : i1
      %add3A_521 = arith.addi %rem3A_512, %select_n3A_511 : i32
      %select_n3A_522 = arith.select %and3A_520, %add3A_521, %rem3A_512 : i32
      %mul3A_523 = arith.constant 128 : i32
      %mul3A_524 = arith.muli %select_n3A_522, %mul3A_523 : i32
      %sub3A_525 = arith.subi %sub3A_478, %mul3A_524 : i32
      %ne3A_526 = arith.constant 0 : i32
      %ne3A_527 = arith.cmpi ne, %select_n3A_522, %ne3A_526 : i32
      %min3A_528 = arith.constant 384 : i32
      %min3A_529 = arith.minsi %sub3A_525, %min3A_528 : i32
      %jit3A_530 = arith.constant 64 : i32
      %div3A_531 = arith.divsi %sub3A_164, %jit3A_530 : i32
      %sign3A_532 = arith.constant 0 : i32
      %sign3A_533 = arith.cmpi sgt, %sub3A_164, %sign3A_532 : i32
      %sign3A_534 = arith.extui %sign3A_533 : i1 to i32
      %sign3A_535 = arith.constant 0 : i32
      %sign3A_536 = arith.cmpi slt, %sub3A_164, %sign3A_535 : i32
      %sign3A_537 = arith.extui %sign3A_536 : i1 to i32
      %sign3A_538 = arith.subi %sign3A_534, %sign3A_537 : i32
      %sign3A_539 = arith.constant 0 : i32
      %sign3A_540 = arith.cmpi sgt, %jit3A_530, %sign3A_539 : i32
      %sign3A_541 = arith.extui %sign3A_540 : i1 to i32
      %sign3A_542 = arith.constant 0 : i32
      %sign3A_543 = arith.cmpi slt, %jit3A_530, %sign3A_542 : i32
      %sign3A_544 = arith.extui %sign3A_543 : i1 to i32
      %sign3A_545 = arith.subi %sign3A_541, %sign3A_544 : i32
      %ne3A_546 = arith.cmpi ne, %sign3A_538, %sign3A_545 : i32
      %rem3A_547 = arith.remsi %sub3A_164, %jit3A_530 : i32
      %ne3A_548 = arith.constant 0 : i32
      %ne3A_549 = arith.cmpi ne, %rem3A_547, %ne3A_548 : i32
      %and3A_550 = arith.andi %ne3A_546, %ne3A_549 : i1
      %sub3A_551 = arith.constant 1 : i32
      %sub3A_552 = arith.subi %div3A_531, %sub3A_551 : i32
      %select_n3A_553 = arith.select %and3A_550, %sub3A_552, %div3A_531 : i32
      %jit3A_554 = arith.constant 2 : i32
      %eq3A_555 = arith.constant 0 : i32
      %eq3A_556 = arith.cmpi eq, %jit3A_554, %eq3A_555 : i32
      %jit3A_557 = arith.constant 1 : i32
      %select_n3A_558 = arith.select %eq3A_556, %jit3A_557, %jit3A_554 : i32
      %rem3A_559 = arith.remsi %select_n3A_553, %select_n3A_558 : i32
      %ne3A_560 = arith.constant 0 : i32
      %ne3A_561 = arith.cmpi ne, %rem3A_559, %ne3A_560 : i32
      %lt3A_562 = arith.constant 0 : i32
      %lt3A_563 = arith.cmpi slt, %rem3A_559, %lt3A_562 : i32
      %lt3A_564 = arith.constant 0 : i32
      %lt3A_565 = arith.cmpi slt, %select_n3A_558, %lt3A_564 : i32
      %ne3A_566 = arith.xori %lt3A_563, %lt3A_565 : i1
      %and3A_567 = arith.andi %ne3A_566, %ne3A_561 : i1
      %add3A_568 = arith.addi %rem3A_559, %select_n3A_558 : i32
      %select_n3A_569 = arith.select %and3A_567, %add3A_568, %rem3A_559 : i32
      %mul3A_570 = arith.constant 64 : i32
      %mul3A_571 = arith.muli %select_n3A_569, %mul3A_570 : i32
      %sub3A_572 = arith.subi %sub3A_525, %mul3A_571 : i32
      %ne3A_573 = arith.constant 0 : i32
      %ne3A_574 = arith.cmpi ne, %select_n3A_569, %ne3A_573 : i32
      %min3A_575 = arith.constant 448 : i32
      %min3A_576 = arith.minsi %sub3A_572, %min3A_575 : i32
      %jit3A_577 = arith.constant 32 : i32
      %div3A_578 = arith.divsi %sub3A_164, %jit3A_577 : i32
      %sign3A_579 = arith.constant 0 : i32
      %sign3A_580 = arith.cmpi sgt, %sub3A_164, %sign3A_579 : i32
      %sign3A_581 = arith.extui %sign3A_580 : i1 to i32
      %sign3A_582 = arith.constant 0 : i32
      %sign3A_583 = arith.cmpi slt, %sub3A_164, %sign3A_582 : i32
      %sign3A_584 = arith.extui %sign3A_583 : i1 to i32
      %sign3A_585 = arith.subi %sign3A_581, %sign3A_584 : i32
      %sign3A_586 = arith.constant 0 : i32
      %sign3A_587 = arith.cmpi sgt, %jit3A_577, %sign3A_586 : i32
      %sign3A_588 = arith.extui %sign3A_587 : i1 to i32
      %sign3A_589 = arith.constant 0 : i32
      %sign3A_590 = arith.cmpi slt, %jit3A_577, %sign3A_589 : i32
      %sign3A_591 = arith.extui %sign3A_590 : i1 to i32
      %sign3A_592 = arith.subi %sign3A_588, %sign3A_591 : i32
      %ne3A_593 = arith.cmpi ne, %sign3A_585, %sign3A_592 : i32
      %rem3A_594 = arith.remsi %sub3A_164, %jit3A_577 : i32
      %ne3A_595 = arith.constant 0 : i32
      %ne3A_596 = arith.cmpi ne, %rem3A_594, %ne3A_595 : i32
      %and3A_597 = arith.andi %ne3A_593, %ne3A_596 : i1
      %sub3A_598 = arith.constant 1 : i32
      %sub3A_599 = arith.subi %div3A_578, %sub3A_598 : i32
      %select_n3A_600 = arith.select %and3A_597, %sub3A_599, %div3A_578 : i32
      %jit3A_601 = arith.constant 2 : i32
      %eq3A_602 = arith.constant 0 : i32
      %eq3A_603 = arith.cmpi eq, %jit3A_601, %eq3A_602 : i32
      %jit3A_604 = arith.constant 1 : i32
      %select_n3A_605 = arith.select %eq3A_603, %jit3A_604, %jit3A_601 : i32
      %rem3A_606 = arith.remsi %select_n3A_600, %select_n3A_605 : i32
      %ne3A_607 = arith.constant 0 : i32
      %ne3A_608 = arith.cmpi ne, %rem3A_606, %ne3A_607 : i32
      %lt3A_609 = arith.constant 0 : i32
      %lt3A_610 = arith.cmpi slt, %rem3A_606, %lt3A_609 : i32
      %lt3A_611 = arith.constant 0 : i32
      %lt3A_612 = arith.cmpi slt, %select_n3A_605, %lt3A_611 : i32
      %ne3A_613 = arith.xori %lt3A_610, %lt3A_612 : i1
      %and3A_614 = arith.andi %ne3A_613, %ne3A_608 : i1
      %add3A_615 = arith.addi %rem3A_606, %select_n3A_605 : i32
      %select_n3A_616 = arith.select %and3A_614, %add3A_615, %rem3A_606 : i32
      %mul3A_617 = arith.constant 32 : i32
      %mul3A_618 = arith.muli %select_n3A_616, %mul3A_617 : i32
      %sub3A_619 = arith.subi %sub3A_572, %mul3A_618 : i32
      %ne3A_620 = arith.constant 0 : i32
      %ne3A_621 = arith.cmpi ne, %select_n3A_616, %ne3A_620 : i32
      %min3A_622 = arith.constant 480 : i32
      %min3A_623 = arith.minsi %sub3A_619, %min3A_622 : i32
      %jit3A_624 = arith.constant 16 : i32
      %div3A_625 = arith.divsi %sub3A_164, %jit3A_624 : i32
      %sign3A_626 = arith.constant 0 : i32
      %sign3A_627 = arith.cmpi sgt, %sub3A_164, %sign3A_626 : i32
      %sign3A_628 = arith.extui %sign3A_627 : i1 to i32
      %sign3A_629 = arith.constant 0 : i32
      %sign3A_630 = arith.cmpi slt, %sub3A_164, %sign3A_629 : i32
      %sign3A_631 = arith.extui %sign3A_630 : i1 to i32
      %sign3A_632 = arith.subi %sign3A_628, %sign3A_631 : i32
      %sign3A_633 = arith.constant 0 : i32
      %sign3A_634 = arith.cmpi sgt, %jit3A_624, %sign3A_633 : i32
      %sign3A_635 = arith.extui %sign3A_634 : i1 to i32
      %sign3A_636 = arith.constant 0 : i32
      %sign3A_637 = arith.cmpi slt, %jit3A_624, %sign3A_636 : i32
      %sign3A_638 = arith.extui %sign3A_637 : i1 to i32
      %sign3A_639 = arith.subi %sign3A_635, %sign3A_638 : i32
      %ne3A_640 = arith.cmpi ne, %sign3A_632, %sign3A_639 : i32
      %rem3A_641 = arith.remsi %sub3A_164, %jit3A_624 : i32
      %ne3A_642 = arith.constant 0 : i32
      %ne3A_643 = arith.cmpi ne, %rem3A_641, %ne3A_642 : i32
      %and3A_644 = arith.andi %ne3A_640, %ne3A_643 : i1
      %sub3A_645 = arith.constant 1 : i32
      %sub3A_646 = arith.subi %div3A_625, %sub3A_645 : i32
      %select_n3A_647 = arith.select %and3A_644, %sub3A_646, %div3A_625 : i32
      %jit3A_648 = arith.constant 2 : i32
      %eq3A_649 = arith.constant 0 : i32
      %eq3A_650 = arith.cmpi eq, %jit3A_648, %eq3A_649 : i32
      %jit3A_651 = arith.constant 1 : i32
      %select_n3A_652 = arith.select %eq3A_650, %jit3A_651, %jit3A_648 : i32
      %rem3A_653 = arith.remsi %select_n3A_647, %select_n3A_652 : i32
      %ne3A_654 = arith.constant 0 : i32
      %ne3A_655 = arith.cmpi ne, %rem3A_653, %ne3A_654 : i32
      %lt3A_656 = arith.constant 0 : i32
      %lt3A_657 = arith.cmpi slt, %rem3A_653, %lt3A_656 : i32
      %lt3A_658 = arith.constant 0 : i32
      %lt3A_659 = arith.cmpi slt, %select_n3A_652, %lt3A_658 : i32
      %ne3A_660 = arith.xori %lt3A_657, %lt3A_659 : i1
      %and3A_661 = arith.andi %ne3A_660, %ne3A_655 : i1
      %add3A_662 = arith.addi %rem3A_653, %select_n3A_652 : i32
      %select_n3A_663 = arith.select %and3A_661, %add3A_662, %rem3A_653 : i32
      %mul3A_664 = arith.constant 16 : i32
      %mul3A_665 = arith.muli %select_n3A_663, %mul3A_664 : i32
      %sub3A_666 = arith.subi %sub3A_619, %mul3A_665 : i32
      %ne3A_667 = arith.constant 0 : i32
      %ne3A_668 = arith.cmpi ne, %select_n3A_663, %ne3A_667 : i32
      %min3A_669 = arith.constant 496 : i32
      %min3A_670 = arith.minsi %sub3A_666, %min3A_669 : i32
      %jit3A_671 = arith.constant 8 : i32
      %div3A_672 = arith.divsi %sub3A_164, %jit3A_671 : i32
      %sign3A_673 = arith.constant 0 : i32
      %sign3A_674 = arith.cmpi sgt, %sub3A_164, %sign3A_673 : i32
      %sign3A_675 = arith.extui %sign3A_674 : i1 to i32
      %sign3A_676 = arith.constant 0 : i32
      %sign3A_677 = arith.cmpi slt, %sub3A_164, %sign3A_676 : i32
      %sign3A_678 = arith.extui %sign3A_677 : i1 to i32
      %sign3A_679 = arith.subi %sign3A_675, %sign3A_678 : i32
      %sign3A_680 = arith.constant 0 : i32
      %sign3A_681 = arith.cmpi sgt, %jit3A_671, %sign3A_680 : i32
      %sign3A_682 = arith.extui %sign3A_681 : i1 to i32
      %sign3A_683 = arith.constant 0 : i32
      %sign3A_684 = arith.cmpi slt, %jit3A_671, %sign3A_683 : i32
      %sign3A_685 = arith.extui %sign3A_684 : i1 to i32
      %sign3A_686 = arith.subi %sign3A_682, %sign3A_685 : i32
      %ne3A_687 = arith.cmpi ne, %sign3A_679, %sign3A_686 : i32
      %rem3A_688 = arith.remsi %sub3A_164, %jit3A_671 : i32
      %ne3A_689 = arith.constant 0 : i32
      %ne3A_690 = arith.cmpi ne, %rem3A_688, %ne3A_689 : i32
      %and3A_691 = arith.andi %ne3A_687, %ne3A_690 : i1
      %sub3A_692 = arith.constant 1 : i32
      %sub3A_693 = arith.subi %div3A_672, %sub3A_692 : i32
      %select_n3A_694 = arith.select %and3A_691, %sub3A_693, %div3A_672 : i32
      %jit3A_695 = arith.constant 2 : i32
      %eq3A_696 = arith.constant 0 : i32
      %eq3A_697 = arith.cmpi eq, %jit3A_695, %eq3A_696 : i32
      %jit3A_698 = arith.constant 1 : i32
      %select_n3A_699 = arith.select %eq3A_697, %jit3A_698, %jit3A_695 : i32
      %rem3A_700 = arith.remsi %select_n3A_694, %select_n3A_699 : i32
      %ne3A_701 = arith.constant 0 : i32
      %ne3A_702 = arith.cmpi ne, %rem3A_700, %ne3A_701 : i32
      %lt3A_703 = arith.constant 0 : i32
      %lt3A_704 = arith.cmpi slt, %rem3A_700, %lt3A_703 : i32
      %lt3A_705 = arith.constant 0 : i32
      %lt3A_706 = arith.cmpi slt, %select_n3A_699, %lt3A_705 : i32
      %ne3A_707 = arith.xori %lt3A_704, %lt3A_706 : i1
      %and3A_708 = arith.andi %ne3A_707, %ne3A_702 : i1
      %add3A_709 = arith.addi %rem3A_700, %select_n3A_699 : i32
      %select_n3A_710 = arith.select %and3A_708, %add3A_709, %rem3A_700 : i32
      %mul3A_711 = arith.constant 8 : i32
      %mul3A_712 = arith.muli %select_n3A_710, %mul3A_711 : i32
      %sub3A_713 = arith.subi %sub3A_666, %mul3A_712 : i32
      %ne3A_714 = arith.constant 0 : i32
      %ne3A_715 = arith.cmpi ne, %select_n3A_710, %ne3A_714 : i32
      %min3A_716 = arith.constant 504 : i32
      %min3A_717 = arith.minsi %sub3A_713, %min3A_716 : i32
      %multiple_of3A_718 = arith.constant 0 : i32
      %multiple_of3A_719 = tpu.assume_multiple %multiple_of3A_718, 8 : i32
      %convert_element_type3A_720 = arith.extui %ne3A_205 : i1 to i32
      %cond3A_721 = arith.constant 0 : i32
      %cond3A_722 = arith.cmpi ne, %convert_element_type3A_720, %cond3A_721 : i32
      scf.if %cond3A_722 {
        %dma_wait3A_768 = arith.constant 0 : i32
        %dma_wait3A_769 = tpu.memref_slice %arg4[%add3A_130, %multiple_of3A_719, %dma_wait3A_768] : memref<512x512x128xf32, #tpu.memory_space<hbm>> -> memref<1x256x128xf32, #tpu.memory_space<hbm>>
        %dma_wait3A_770 = tpu.memref_squeeze %dma_wait3A_769 : memref<1x256x128xf32, #tpu.memory_space<hbm>> -> memref<256x128xf32, #tpu.memory_space<hbm>>
        %dma_wait3A_771 = arith.constant 0 : i32
        %dma_wait3A_772 = tpu.memref_slice %arg11[%multiple_of3A_719, %dma_wait3A_771] : memref<512x128xf32, #tpu.memory_space<vmem_shared>> -> memref<256x128xf32, #tpu.memory_space<vmem_shared>>
        tpu.wait_dma2 semaphore(%arg13 : memref<!tpu.dma_semaphore, #tpu.memory_space<semaphore_mem>>) src(%dma_wait3A_772 : memref<256x128xf32, #tpu.memory_space<vmem_shared>>) dst(%dma_wait3A_770 : memref<256x128xf32, #tpu.memory_space<hbm>>)
      } else {
      }
      %multiple_of3A_723 = tpu.assume_multiple %add3A_209, 8 : i32
      %convert_element_type3A_724 = arith.extui %ne3A_251 : i1 to i32
      %cond3A_725 = arith.constant 0 : i32
      %cond3A_726 = arith.cmpi ne, %convert_element_type3A_724, %cond3A_725 : i32
      scf.if %cond3A_726 {
        %dma_wait3A_768 = arith.constant 0 : i32
        %dma_wait3A_769 = tpu.memref_slice %arg4[%add3A_130, %multiple_of3A_723, %dma_wait3A_768] : memref<512x512x128xf32, #tpu.memory_space<hbm>> -> memref<1x128x128xf32, #tpu.memory_space<hbm>>
        %dma_wait3A_770 = tpu.memref_squeeze %dma_wait3A_769 : memref<1x128x128xf32, #tpu.memory_space<hbm>> -> memref<128x128xf32, #tpu.memory_space<hbm>>
        %dma_wait3A_771 = arith.constant 0 : i32
        %dma_wait3A_772 = tpu.memref_slice %arg11[%multiple_of3A_723, %dma_wait3A_771] : memref<512x128xf32, #tpu.memory_space<vmem_shared>> -> memref<128x128xf32, #tpu.memory_space<vmem_shared>>
        tpu.wait_dma2 semaphore(%arg13 : memref<!tpu.dma_semaphore, #tpu.memory_space<semaphore_mem>>) src(%dma_wait3A_772 : memref<128x128xf32, #tpu.memory_space<vmem_shared>>) dst(%dma_wait3A_770 : memref<128x128xf32, #tpu.memory_space<hbm>>)
      } else {
      }
      %multiple_of3A_727 = tpu.assume_multiple %add3A_254, 8 : i32
      %convert_element_type3A_728 = arith.extui %ne3A_296 : i1 to i32
      %cond3A_729 = arith.constant 0 : i32
      %cond3A_730 = arith.cmpi ne, %convert_element_type3A_728, %cond3A_729 : i32
      scf.if %cond3A_730 {
        %dma_wait3A_768 = arith.constant 0 : i32
        %dma_wait3A_769 = tpu.memref_slice %arg4[%add3A_130, %multiple_of3A_727, %dma_wait3A_768] : memref<512x512x128xf32, #tpu.memory_space<hbm>> -> memref<1x64x128xf32, #tpu.memory_space<hbm>>
        %dma_wait3A_770 = tpu.memref_squeeze %dma_wait3A_769 : memref<1x64x128xf32, #tpu.memory_space<hbm>> -> memref<64x128xf32, #tpu.memory_space<hbm>>
        %dma_wait3A_771 = arith.constant 0 : i32
        %dma_wait3A_772 = tpu.memref_slice %arg11[%multiple_of3A_727, %dma_wait3A_771] : memref<512x128xf32, #tpu.memory_space<vmem_shared>> -> memref<64x128xf32, #tpu.memory_space<vmem_shared>>
        tpu.wait_dma2 semaphore(%arg13 : memref<!tpu.dma_semaphore, #tpu.memory_space<semaphore_mem>>) src(%dma_wait3A_772 : memref<64x128xf32, #tpu.memory_space<vmem_shared>>) dst(%dma_wait3A_770 : memref<64x128xf32, #tpu.memory_space<hbm>>)
      } else {
      }
      %multiple_of3A_731 = tpu.assume_multiple %add3A_299, 8 : i32
      %convert_element_type3A_732 = arith.extui %ne3A_341 : i1 to i32
      %cond3A_733 = arith.constant 0 : i32
      %cond3A_734 = arith.cmpi ne, %convert_element_type3A_732, %cond3A_733 : i32
      scf.if %cond3A_734 {
        %dma_wait3A_768 = arith.constant 0 : i32
        %dma_wait3A_769 = tpu.memref_slice %arg4[%add3A_130, %multiple_of3A_731, %dma_wait3A_768] : memref<512x512x128xf32, #tpu.memory_space<hbm>> -> memref<1x32x128xf32, #tpu.memory_space<hbm>>
        %dma_wait3A_770 = tpu.memref_squeeze %dma_wait3A_769 : memref<1x32x128xf32, #tpu.memory_space<hbm>> -> memref<32x128xf32, #tpu.memory_space<hbm>>
        %dma_wait3A_771 = arith.constant 0 : i32
        %dma_wait3A_772 = tpu.memref_slice %arg11[%multiple_of3A_731, %dma_wait3A_771] : memref<512x128xf32, #tpu.memory_space<vmem_shared>> -> memref<32x128xf32, #tpu.memory_space<vmem_shared>>
        tpu.wait_dma2 semaphore(%arg13 : memref<!tpu.dma_semaphore, #tpu.memory_space<semaphore_mem>>) src(%dma_wait3A_772 : memref<32x128xf32, #tpu.memory_space<vmem_shared>>) dst(%dma_wait3A_770 : memref<32x128xf32, #tpu.memory_space<hbm>>)
      } else {
      }
      %multiple_of3A_735 = tpu.assume_multiple %add3A_344, 8 : i32
      %convert_element_type3A_736 = arith.extui %ne3A_386 : i1 to i32
      %cond3A_737 = arith.constant 0 : i32
      %cond3A_738 = arith.cmpi ne, %convert_element_type3A_736, %cond3A_737 : i32
      scf.if %cond3A_738 {
        %dma_wait3A_768 = arith.constant 0 : i32
        %dma_wait3A_769 = tpu.memref_slice %arg4[%add3A_130, %multiple_of3A_735, %dma_wait3A_768] : memref<512x512x128xf32, #tpu.memory_space<hbm>> -> memref<1x16x128xf32, #tpu.memory_space<hbm>>
        %dma_wait3A_770 = tpu.memref_squeeze %dma_wait3A_769 : memref<1x16x128xf32, #tpu.memory_space<hbm>> -> memref<16x128xf32, #tpu.memory_space<hbm>>
        %dma_wait3A_771 = arith.constant 0 : i32
        %dma_wait3A_772 = tpu.memref_slice %arg11[%multiple_of3A_735, %dma_wait3A_771] : memref<512x128xf32, #tpu.memory_space<vmem_shared>> -> memref<16x128xf32, #tpu.memory_space<vmem_shared>>
        tpu.wait_dma2 semaphore(%arg13 : memref<!tpu.dma_semaphore, #tpu.memory_space<semaphore_mem>>) src(%dma_wait3A_772 : memref<16x128xf32, #tpu.memory_space<vmem_shared>>) dst(%dma_wait3A_770 : memref<16x128xf32, #tpu.memory_space<hbm>>)
      } else {
      }
      %multiple_of3A_739 = tpu.assume_multiple %add3A_389, 8 : i32
      %convert_element_type3A_740 = arith.extui %ne3A_431 : i1 to i32
      %cond3A_741 = arith.constant 0 : i32
      %cond3A_742 = arith.cmpi ne, %convert_element_type3A_740, %cond3A_741 : i32
      scf.if %cond3A_742 {
        %dma_wait3A_768 = arith.constant 0 : i32
        %dma_wait3A_769 = tpu.memref_slice %arg4[%add3A_130, %multiple_of3A_739, %dma_wait3A_768] : memref<512x512x128xf32, #tpu.memory_space<hbm>> -> memref<1x8x128xf32, #tpu.memory_space<hbm>>
        %dma_wait3A_770 = tpu.memref_squeeze %dma_wait3A_769 : memref<1x8x128xf32, #tpu.memory_space<hbm>> -> memref<8x128xf32, #tpu.memory_space<hbm>>
        %dma_wait3A_771 = arith.constant 0 : i32
        %dma_wait3A_772 = tpu.memref_slice %arg11[%multiple_of3A_739, %dma_wait3A_771] : memref<512x128xf32, #tpu.memory_space<vmem_shared>> -> memref<8x128xf32, #tpu.memory_space<vmem_shared>>
        tpu.wait_dma2 semaphore(%arg13 : memref<!tpu.dma_semaphore, #tpu.memory_space<semaphore_mem>>) src(%dma_wait3A_772 : memref<8x128xf32, #tpu.memory_space<vmem_shared>>) dst(%dma_wait3A_770 : memref<8x128xf32, #tpu.memory_space<hbm>>)
      } else {
      }
      %multiple_of3A_743 = tpu.assume_multiple %min3A_482, 8 : i32
      %convert_element_type3A_744 = arith.extui %ne3A_480 : i1 to i32
      %cond3A_745 = arith.constant 0 : i32
      %cond3A_746 = arith.cmpi ne, %convert_element_type3A_744, %cond3A_745 : i32
      scf.if %cond3A_746 {
        %dma_wait3A_768 = arith.constant 0 : i32
        %dma_wait3A_769 = tpu.memref_slice %arg4[%add3A_130, %multiple_of3A_743, %dma_wait3A_768] : memref<512x512x128xf32, #tpu.memory_space<hbm>> -> memref<1x256x128xf32, #tpu.memory_space<hbm>>
        %dma_wait3A_770 = tpu.memref_squeeze %dma_wait3A_769 : memref<1x256x128xf32, #tpu.memory_space<hbm>> -> memref<256x128xf32, #tpu.memory_space<hbm>>
        %dma_wait3A_771 = arith.constant 0 : i32
        %dma_wait3A_772 = tpu.memref_slice %arg12[%multiple_of3A_743, %dma_wait3A_771] : memref<512x128xf32, #tpu.memory_space<vmem_shared>> -> memref<256x128xf32, #tpu.memory_space<vmem_shared>>
        tpu.wait_dma2 semaphore(%arg13 : memref<!tpu.dma_semaphore, #tpu.memory_space<semaphore_mem>>) src(%dma_wait3A_772 : memref<256x128xf32, #tpu.memory_space<vmem_shared>>) dst(%dma_wait3A_770 : memref<256x128xf32, #tpu.memory_space<hbm>>)
      } else {
      }
      %multiple_of3A_747 = tpu.assume_multiple %min3A_529, 8 : i32
      %convert_element_type3A_748 = arith.extui %ne3A_527 : i1 to i32
      %cond3A_749 = arith.constant 0 : i32
      %cond3A_750 = arith.cmpi ne, %convert_element_type3A_748, %cond3A_749 : i32
      scf.if %cond3A_750 {
        %dma_wait3A_768 = arith.constant 0 : i32
        %dma_wait3A_769 = tpu.memref_slice %arg4[%add3A_130, %multiple_of3A_747, %dma_wait3A_768] : memref<512x512x128xf32, #tpu.memory_space<hbm>> -> memref<1x128x128xf32, #tpu.memory_space<hbm>>
        %dma_wait3A_770 = tpu.memref_squeeze %dma_wait3A_769 : memref<1x128x128xf32, #tpu.memory_space<hbm>> -> memref<128x128xf32, #tpu.memory_space<hbm>>
        %dma_wait3A_771 = arith.constant 0 : i32
        %dma_wait3A_772 = tpu.memref_slice %arg12[%multiple_of3A_747, %dma_wait3A_771] : memref<512x128xf32, #tpu.memory_space<vmem_shared>> -> memref<128x128xf32, #tpu.memory_space<vmem_shared>>
        tpu.wait_dma2 semaphore(%arg13 : memref<!tpu.dma_semaphore, #tpu.memory_space<semaphore_mem>>) src(%dma_wait3A_772 : memref<128x128xf32, #tpu.memory_space<vmem_shared>>) dst(%dma_wait3A_770 : memref<128x128xf32, #tpu.memory_space<hbm>>)
      } else {
      }
      %multiple_of3A_751 = tpu.assume_multiple %min3A_576, 8 : i32
      %convert_element_type3A_752 = arith.extui %ne3A_574 : i1 to i32
      %cond3A_753 = arith.constant 0 : i32
      %cond3A_754 = arith.cmpi ne, %convert_element_type3A_752, %cond3A_753 : i32
      scf.if %cond3A_754 {
        %dma_wait3A_768 = arith.constant 0 : i32
        %dma_wait3A_769 = tpu.memref_slice %arg4[%add3A_130, %multiple_of3A_751, %dma_wait3A_768] : memref<512x512x128xf32, #tpu.memory_space<hbm>> -> memref<1x64x128xf32, #tpu.memory_space<hbm>>
        %dma_wait3A_770 = tpu.memref_squeeze %dma_wait3A_769 : memref<1x64x128xf32, #tpu.memory_space<hbm>> -> memref<64x128xf32, #tpu.memory_space<hbm>>
        %dma_wait3A_771 = arith.constant 0 : i32
        %dma_wait3A_772 = tpu.memref_slice %arg12[%multiple_of3A_751, %dma_wait3A_771] : memref<512x128xf32, #tpu.memory_space<vmem_shared>> -> memref<64x128xf32, #tpu.memory_space<vmem_shared>>
        tpu.wait_dma2 semaphore(%arg13 : memref<!tpu.dma_semaphore, #tpu.memory_space<semaphore_mem>>) src(%dma_wait3A_772 : memref<64x128xf32, #tpu.memory_space<vmem_shared>>) dst(%dma_wait3A_770 : memref<64x128xf32, #tpu.memory_space<hbm>>)
      } else {
      }
      %multiple_of3A_755 = tpu.assume_multiple %min3A_623, 8 : i32
      %convert_element_type3A_756 = arith.extui %ne3A_621 : i1 to i32
      %cond3A_757 = arith.constant 0 : i32
      %cond3A_758 = arith.cmpi ne, %convert_element_type3A_756, %cond3A_757 : i32
      scf.if %cond3A_758 {
        %dma_wait3A_768 = arith.constant 0 : i32
        %dma_wait3A_769 = tpu.memref_slice %arg4[%add3A_130, %multiple_of3A_755, %dma_wait3A_768] : memref<512x512x128xf32, #tpu.memory_space<hbm>> -> memref<1x32x128xf32, #tpu.memory_space<hbm>>
        %dma_wait3A_770 = tpu.memref_squeeze %dma_wait3A_769 : memref<1x32x128xf32, #tpu.memory_space<hbm>> -> memref<32x128xf32, #tpu.memory_space<hbm>>
        %dma_wait3A_771 = arith.constant 0 : i32
        %dma_wait3A_772 = tpu.memref_slice %arg12[%multiple_of3A_755, %dma_wait3A_771] : memref<512x128xf32, #tpu.memory_space<vmem_shared>> -> memref<32x128xf32, #tpu.memory_space<vmem_shared>>
        tpu.wait_dma2 semaphore(%arg13 : memref<!tpu.dma_semaphore, #tpu.memory_space<semaphore_mem>>) src(%dma_wait3A_772 : memref<32x128xf32, #tpu.memory_space<vmem_shared>>) dst(%dma_wait3A_770 : memref<32x128xf32, #tpu.memory_space<hbm>>)
      } else {
      }
      %multiple_of3A_759 = tpu.assume_multiple %min3A_670, 8 : i32
      %convert_element_type3A_760 = arith.extui %ne3A_668 : i1 to i32
      %cond3A_761 = arith.constant 0 : i32
      %cond3A_762 = arith.cmpi ne, %convert_element_type3A_760, %cond3A_761 : i32
      scf.if %cond3A_762 {
        %dma_wait3A_768 = arith.constant 0 : i32
        %dma_wait3A_769 = tpu.memref_slice %arg4[%add3A_130, %multiple_of3A_759, %dma_wait3A_768] : memref<512x512x128xf32, #tpu.memory_space<hbm>> -> memref<1x16x128xf32, #tpu.memory_space<hbm>>
        %dma_wait3A_770 = tpu.memref_squeeze %dma_wait3A_769 : memref<1x16x128xf32, #tpu.memory_space<hbm>> -> memref<16x128xf32, #tpu.memory_space<hbm>>
        %dma_wait3A_771 = arith.constant 0 : i32
        %dma_wait3A_772 = tpu.memref_slice %arg12[%multiple_of3A_759, %dma_wait3A_771] : memref<512x128xf32, #tpu.memory_space<vmem_shared>> -> memref<16x128xf32, #tpu.memory_space<vmem_shared>>
        tpu.wait_dma2 semaphore(%arg13 : memref<!tpu.dma_semaphore, #tpu.memory_space<semaphore_mem>>) src(%dma_wait3A_772 : memref<16x128xf32, #tpu.memory_space<vmem_shared>>) dst(%dma_wait3A_770 : memref<16x128xf32, #tpu.memory_space<hbm>>)
      } else {
      }
      %multiple_of3A_763 = tpu.assume_multiple %min3A_717, 8 : i32
      %convert_element_type3A_764 = arith.extui %ne3A_715 : i1 to i32
      %cond3A_765 = arith.constant 0 : i32
      %cond3A_766 = arith.cmpi ne, %convert_element_type3A_764, %cond3A_765 : i32
      scf.if %cond3A_766 {
        %dma_wait3A_768 = arith.constant 0 : i32
        %dma_wait3A_769 = tpu.memref_slice %arg4[%add3A_130, %multiple_of3A_763, %dma_wait3A_768] : memref<512x512x128xf32, #tpu.memory_space<hbm>> -> memref<1x8x128xf32, #tpu.memory_space<hbm>>
        %dma_wait3A_770 = tpu.memref_squeeze %dma_wait3A_769 : memref<1x8x128xf32, #tpu.memory_space<hbm>> -> memref<8x128xf32, #tpu.memory_space<hbm>>
        %dma_wait3A_771 = arith.constant 0 : i32
        %dma_wait3A_772 = tpu.memref_slice %arg12[%multiple_of3A_763, %dma_wait3A_771] : memref<512x128xf32, #tpu.memory_space<vmem_shared>> -> memref<8x128xf32, #tpu.memory_space<vmem_shared>>
        tpu.wait_dma2 semaphore(%arg13 : memref<!tpu.dma_semaphore, #tpu.memory_space<semaphore_mem>>) src(%dma_wait3A_772 : memref<8x128xf32, #tpu.memory_space<vmem_shared>>) dst(%dma_wait3A_770 : memref<8x128xf32, #tpu.memory_space<hbm>>)
      } else {
      }
      %scan3A_767 = arith.constant 0 : i32
      scf.yield %scan3A_767 : i32
    }
    %scan3A_127 = arith.constant 16 : i32
    return
  }
}

</mosaic_0001>

<sc_bundles>
// kernel: _rpe_sc.3.cloned.1.call-start
scs
__scs_entry_jumppad:
0x0: {  	(pc) =	sbr.rel $0x88, $3  }
0x1: {  	(tag) =	ssettag $0x0;
	lr =	simm.s32 $0x1  }
0x2: {  	[smem:$0x3F9F] =	sst lr;
	_ =	strace $0xD0000000  }
0x3: {  	_ = 	snop  }
0x4: {  	_ = 	snop  }
0x5: {  	_ = 	snop  }
0x6: {  	_ = 	snop  }
0x7: {  	_ = 	snop  }
__scs_overlays_trampoline_lowered:
0x8: {  	[smem:$0x3FAE] =	sst s0  }
0x9: {  	[smem:$0x3FAF] =	sst s1  }
0xa: {  	[smem:$0x3FB0] =	sst s2  }
0xb: {  	[smem:$0x3FB1] =	sst s3  }
0xc: {  	[smem:$0x3FB2] =	sst s4  }
0xd: {  	[smem:$0x3FB3] =	sst s5  }
0xe: {  	[smem:$0x3FB4] =	sst s6  }
0xf: {  	[smem:$0x3FB5] =	sst s7  }
0x10: {  	[smem:$0x3FB6] =	sst s8  }
0x11: {  	[smem:$0x3FB7] =	sst s9;
	s0 =	simm.s32 @!p0 $0x0  }
0x12: {  	s1 =	sld [smem:$0x3F9D];
	s0 =	simm.s32 @p0 $0x1  }
0x13: {  	[smem:$0x3FB8] =	sst s0;
	s0 =	simm.s32 @!p1 $0x0  }
0x14: {  	s2 =	sld [smem:$0x3F9C];
	s0 =	simm.s32 @p1 $0x1  }
0x15: {  	[smem:$0x3FB9] =	sst s0;
	s0 =	simm.s32 @!p2 $0x0  }
0x16: {  	s3 =	sld [smem:$0x3FDB];
	s0 =	simm.s32 @p2 $0x1  }
0x17: {  	s4 =	simm.s32 $0x1BF5;
	[smem:$0x3FBB] =	sst s0  }
0x18: {  	s0 =	sld [smem:$0x3F9E];
	_ =	swait.ge [sflag:s4], $0x0  }
0x19: {  	s7 =	sld [smem:$0x3F9F]  }
0x1a: {  	s8 =	sadd.s32 $0xFFFFE003, lr  }
0x1b: {  	s9 =	sadd.s32 $0xFFFFFEF7, lr;
	s5 =	simm.s32 $0xFFFFFFFF;
	p2 =	slt.u32 s8, $0xFFFFF086  }
0x1c: {  	p1 =	slt.u32 s9, $0xF7A;
	s5 =	simm.s32 @!p2 $0x0  }
0x1d: {  	s5 =	simm.s32 @p1 $0x1;
	p0 =	seq.s32 s7, s2  }
0x1e: {  	s7 =	smul.u32 @!p0 $0xF7A, s2;
	p2 =	seq.s32 @!p0 s5, $0x0  }
0x1f: {  	s9 =	smul.u32 $0xF7A, s1;
	s8 =	simm.s32 @!p0 $0x1BF5;
	p2 =	por !p2, p0  }
0x20: {  	[sflag:s8] =	ssyncset.s32 @!p0 $0xFFFFF086;
	s6 =	sadd.s32 @!p0 s3, s7;
	s7 =	simm.s32 @!p0 $0x108  }
0x21: {  	s3 =	sadd.s32 s3, s9;
	s6 =	sadd.s32 @!p0 $0x88, s6;
	s7 =	simm.s32 @p2 $0x1082  }
0x22: {  	[simem:s7], [sflag:s8] =	dma.local @!p0 [hbm:s6], $0xF7A  }
0x23: {  	s9 =	sor.u32 $0xD0000000, s2;
	s6 =	simm.s32 $0x108;
	_ =	swait.ge @!p0 [sflag:s8], $0x0  }
0x24: {  	s3 =	sadd.s32 $0x88, s3;
	s6 =	simm.s32 @!p1 $0x1082;
	[sflag:s4] =	ssyncset.s32 $0xFFFFF086  }
0x25: {  	[simem:s6], [sflag:s4] =	dma.local [hbm:s3], $0xF7A  }
0x26: {  	[smem:$0x3F9F] =	sst s1;
	(tag) =	ssettag s2;
	_ =	strace s9  }
0x27: {  	s1 =	sld [smem:$0x3FAF]  }
0x28: {  	s2 =	sld [smem:$0x3FB0]  }
0x29: {  	s4 =	sld [smem:$0x3FB2]  }
0x2a: {  	p0 =	seq.s32 s5, $0x0;
	s5 =	sld [smem:$0x3FB3]  }
0x2b: {  	s6 =	sld [smem:$0x3FB4]  }
0x2c: {  	s7 =	sld [smem:$0x3FB5]  }
0x2d: {  	s3 =	simm.s32 $0x108;
	s8 =	sld [smem:$0x3FB6]  }
0x2e: {  	s3 =	simm.s32 @!p0 $0x1082;
	s9 =	sld [smem:$0x3FB7]  }
0x2f: {  	lr =	sadd.s32 s0, s3;
	s0 =	sld [smem:$0x3FAE]  }
0x30: {  	s3 =	sld [smem:$0x3FB1]  }
0x31: {  	[smem:$0x3FBA] =	sst s10  }
0x32: {  	s10 =	sld [smem:$0x3FB8];
	_ =	sdelay $0x3  }
0x33: {  	p0 =	seq.s32 s10, $0x1;
	s10 =	sld [smem:$0x3FBA];
	_ =	sdelay $0x3  }
0x34: {  	[smem:$0x3FBA] =	sst s10  }
0x35: {  	s10 =	sld [smem:$0x3FB9];
	_ =	sdelay $0x3  }
0x36: {  	p1 =	seq.s32 s10, $0x1;
	s10 =	sld [smem:$0x3FBA];
	_ =	sdelay $0x3  }
0x37: {  	[smem:$0x3FBA] =	sst s10  }
0x38: {  	s10 =	sld [smem:$0x3FBB]  }
0x39: {  	_ = 	snop;
	(pc) =	sbr.ind lr, $3  }
0x3a: {  	_ = 	snop  }
0x3b: {  	_ = 	snop  }
0x3c: {  	p2 =	seq.s32 s10, $0x1;
	s10 =	sld [smem:$0x3FBA]  }
0x3d: {  	_ =	shalt  }
0x3e: {  	_ =	shalt  }
0x3f: {  	_ =	shalt  }
0x40: {  	_ =	shalt  }
0x41: {  	_ =	shalt  }
0x42: {  	_ =	shalt  }
0x43: {  	_ =	shalt  }
0x44: {  	_ =	shalt  }
0x45: {  	_ =	shalt  }
0x46: {  	_ =	shalt  }
0x47: {  	_ =	shalt  }
0x48: {  	_ =	shalt  }
0x49: {  	_ =	shalt  }
0x4a: {  	_ =	shalt  }
0x4b: {  	_ =	shalt  }
0x4c: {  	_ =	shalt  }
0x4d: {  	_ =	shalt  }
0x4e: {  	_ =	shalt  }
0x4f: {  	_ =	shalt  }
0x50: {  	_ =	shalt  }
0x51: {  	_ =	shalt  }
0x52: {  	_ =	shalt  }
0x53: {  	_ =	shalt  }
0x54: {  	_ =	shalt  }
0x55: {  	_ =	shalt  }
0x56: {  	_ =	shalt  }
0x57: {  	_ =	shalt  }
0x58: {  	_ =	shalt  }
0x59: {  	_ =	shalt  }
0x5a: {  	_ =	shalt  }
0x5b: {  	_ =	shalt  }
0x5c: {  	_ =	shalt  }
0x5d: {  	_ =	shalt  }
0x5e: {  	_ =	shalt  }
0x5f: {  	_ =	shalt  }
0x60: {  	_ =	shalt  }
0x61: {  	_ =	shalt  }
0x62: {  	_ =	shalt  }
0x63: {  	_ =	shalt  }
0x64: {  	_ =	shalt  }
0x65: {  	_ =	shalt  }
0x66: {  	_ =	shalt  }
0x67: {  	_ =	shalt  }
0x68: {  	_ =	shalt  }
0x69: {  	_ =	shalt  }
0x6a: {  	_ =	shalt  }
0x6b: {  	_ =	shalt  }
0x6c: {  	_ =	shalt  }
0x6d: {  	_ =	shalt  }
0x6e: {  	_ =	shalt  }
0x6f: {  	_ =	shalt  }
0x70: {  	_ =	shalt  }
0x71: {  	_ =	shalt  }
0x72: {  	_ =	shalt  }
0x73: {  	_ =	shalt  }
0x74: {  	_ =	shalt  }
0x75: {  	_ =	shalt  }
0x76: {  	_ =	shalt  }
0x77: {  	_ =	shalt  }
0x78: {  	_ =	shalt  }
0x79: {  	_ =	shalt  }
0x7a: {  	_ =	shalt  }
0x7b: {  	_ =	shalt  }
0x7c: {  	_ =	shalt  }
0x7d: {  	_ =	shalt  }
0x7e: {  	_ =	shalt  }
0x7f: {  	_ =	shalt  }
0x80: {  	_ =	shalt  }
0x81: {  	_ =	shalt  }
0x82: {  	_ =	shalt  }
0x83: {  	_ =	shalt  }
0x84: {  	_ =	shalt  }
0x85: {  	_ =	shalt  }
0x86: {  	_ =	shalt  }
0x87: {  	_ =	shalt  }
.Lfunc_end0:
.L_simem_size_0:
called_computation_lowered:
.L_overlay_start_0:
0x88: {  	s2 =	sld [smem:$0x3FD9]  }
0x89: {  	s3 =	sld [smem:$0x3FFE];
	_ =	sdelay $0x1  }
0x8a: {  	s1 =	srdreg.scid  }
0x8b: {  	s0 =	sand.u32 $0x1, s1  }
0x8c: {  	s18 =	sshll.u32 s0, $0xA;
	s2 =	sadd.s32 s3, s2  }
0x8d: {  	s2 =	sadd.s32 s2, s18  }
0x8e: {  	[smem:$0x3FC6] =	sst s2  }
0x8f: {  	_ = 	snop  }
0x90: {  	s2 =	sld [smem:$0x3FC9]  }
0x91: {  	s19 =	sld [smem:$0x3FC8]  }
0x92: {  	s4 =	sld [smem:$0x3FD0];
	(tm) =	ssettm $0x1  }
0x93: {  	s5 =	sld [smem:$0x3FFB];
	_ =	sdelay $0x3  }
0x94: {  	_ =	strace s5  }
0x95: {  	s5 =	sld [smem:$0x3FFC];
	_ =	sdelay $0x3  }
0x96: {  	_ =	strace s5  }
0x97: {  	s5 =	sld [smem:$0x3FFD];
	_ =	sdelay $0x3  }
0x98: {  	_ =	strace s5  }
0x99: {  	_ =	strace $0x8FFFFFFF  }
0x9a: {  	s20 =	sld [smem:$0x3FDB];
	_ =	sdelay $0x1  }
0x9b: {  	s6 =	simm.s32 $_scs_section_size  }
0x9c: {  	s7 =	simm.s32 $_size__tile_overlayer_lowered;
	s8 =	simm.s32 $_tile_overlayer_lowered  }
0x9d: {  	s23 =	simm.s32 $0x1BFF;
	s22 =	sshll.u32 s8, $0x1;
	s5 =	sadd.s32 s6, s20  }
0x9e: {  	s9 =	simm.s32 $0x0;
	s21 =	sshll.u32 s7, $0x1;
	s7 =	sadd.s32 s22, s5  }
0x9f: {  	[timem:s9], [sflag:s23] =	dma.local [hbm:s7], s21  }
0xa0: {  	_ =	swait.ge [sflag:s23], s21  }
0xa1: {  	s6 =	ssub.s32 $0x0, s21;
	[sflag:s23] =	ssyncset.done $0x0  }
0xa2: {  	[sflag:s23] =	ssyncadd.s32 s6;
	_ =	sdelay $0x1  }
0xa3: {  	s24 =	simm.s32 $0x1B8B  }
0xa4: {  	_ =	swait.ge [sflag:s24], $0x1  }
0xa5: {  	[sflag:s24] =	ssyncset.done $0x0  }
0xa6: {  	s25 =	simm.s32 $0x1B8E;
	[sflag:s24] =	ssyncadd.s32 $0xFFFFFFFF  }
0xa7: {  	s26 =	simm.s32 $execute0_lowered;
	[smem:$0x3FD2] =	sst s25  }
0xa8: {  	s6 =	sshll.u32 s26, $0x1;
	_ =	strace $0x80000046;
	[dreg:$0x1] =	wrdreg $0xFFFFFFFF  }
0xa9: {  	s28 =	simm.s32 $_size_execute0_lowered;
	s5 =	sadd.s32 s5, s6;
	[dreg:$0x0] =	wrdreg $0x0  }
0xaa: {  	s6 =	sshll.u32 s28, $0x1;
	[dreg:$0x2] =	wrdreg s5  }
0xab: {  	[dreg:$0x3] =	wrdreg s6  }
0xac: {  	[dreg:$0x4] =	wrdreg $0xC0  }
0xad: {  	_ =	task [dreg:s9], $0x5FFFF  }
0xae: {  	[dreg:$0x1] =	wrdreg $0xFFFFFFFF  }
0xaf: {  	[dreg:$0x0] =	wrdreg $0x60  }
0xb0: {  	[dreg:$0x2] =	wrdreg s2  }
0xb1: {  	[dreg:$0x3] =	wrdreg s19  }
0xb2: {  	[dreg:$0x4] =	wrdreg s4  }
0xb3: {  	[dreg:$0x5] =	wrdreg $0xCC000  }
0xb4: {  	[dreg:$0x6] =	wrdreg $0xDC000  }
0xb5: {  	[dreg:$0x7] =	wrdreg $0x9  }
0xb6: {  	_ =	task.clear_ibuf [dreg:s9], $0x8FFFF;
	_ =	strace $0x90000046  }
0xb7: {  	s29 =	simm.s32 $0x9;
	_ =	strace $0x80000048  }
0xb8: {  	_ =	swait.ge [sflag:s29], $0x1  }
0xb9: {  	[sflag:s29] =	ssyncadd.s32 $0xFFFFFFFF  }
0xba: {  	_ =	strace $0x90000048  }
0xbb: {  	_ =	sfence  }
0xbc: {  	s30 =	sld [smem:$0x0];
	_ =	sdelay $0x2  }
0xbd: {  	s31 =	sshll.u32 s1, $0xD;
	s1 =	sshrl.u32 s1, $0x2  }
0xbe: {  	s3 =	sand.u32 $0x4000, s31;
	s1 =	sadd.s32 s1, s30  }
0xbf: {  	s0 =	sor.u32 s3, s0;
	s1 =	sshll.u32 s1, $0x11  }
0xc0: {  	s0 =	sor.u32 s1, s0  }
0xc1: {  	s0 =	sadd.s32 $0x8F2B, s0  }
0xc2: {  	[sflag:s0] =	ssyncadd.remote.s32 $0x1  }
0xc3: {  	_ =	sfence.sel $0xFFFF  }
0xc4: {  	[dreg:$0x0] =	wrdreg $0xFFFFFFFF;
	(pc) =	sbr.abs _section_cstart, $3  }
0xc5: {  	[dreg:$0x1] =	wrdreg $0xFFFFFFFF  }
0xc6: {  	_ =	task.clear_ibuf [dreg:s9], $0x2FFFF;
	_ =	strace $0x9FFFFFFF  }
0xc7: {  	(tm) =	ssettm $0x7FFFFFFF  }
tec
execute0_lowered:
.L_overlay_start_1:
0x0: {  	(tag) =	ssettag $0x1  }
0x1: {  	s1 =	rddreg [dreg:$0x0]  }
0x2: {  	s2 =	rddreg [dreg:$0x2]  }
0x3: {  	s3 =	srdreg.scid;
	s4 =	rddreg [dreg:$0x3]  }
0x4: {  	s0 =	stileid.u32;
	s5 =	rddreg [dreg:$0x4]  }
0x5: {  	s17 =	simm.s32 $0x5;
	s21 =	simm.s32 $0x2;
	s22 =	simm.s32 $0x3  }
0x6: {  	s23 =	simm.s32 $0x4;
	s24 =	simm.s32 $0x0;
	s3 =	sand.u32 $0x1, s3  }
0x7: {  	s7 =	sshll.u32 s0, $0x4;
	s28 =	sshll.u32 s0, $0x9;
	s12 =	sshll.u32 s0, $0xC  }
0x8: {  	s13 =	sadd.s32 $0x8000, s5;
	s6 =	sshll.u32 s3, $0x8;
	s3 =	ssub.s32 $0x2, s3  }
0x9: {  	s29 =	sadd.s32 s12, s4;
	s6 =	sor.u32 s7, s6;
	s7 =	simm.s32 $0x0  }
0xa: {  	s31 =	sadd.s32 s12, s5;
	s25 =	sshrl.u32 s3, $0x1;
	[smem:$0x7FF] =	sst s7  }
0xb: {  	s8 =	smax.u32 s6, $0x28;
	_ =	strace $0x80000047;
	[dreg:$0x8] =	wrdreg s29  }
0xc: {  	s3 =	ssub.s32 s3, s25;
	s11 =	smin.u32 s8, $0x1C8;
	[dreg:$0x9] =	wrdreg s31  }
0xd: {  	s3 =	smax.u32 s3, $0x1;
	s9 =	sshll.u32 s11, $0x4;
	s30 =	sshll.u32 s11, $0x9  }
0xe: {  	[dreg:$0xa] =	wrdreg s3;
	s26 =	sadd.s32 s1, s9;
	s1 =	sadd.s32 s1, s28  }
0xf: {  	s8 =	sadd.s32 $0xFFFFFD80, s26;
	[dreg:$0x7] =	wrdreg s1;
	s1 =	ssub.s32 $0x51C0, s30  }
0x10: {  	s12 =	sadd.s32 $0x1000, s2;
	[dreg:$0x6] =	wrdreg s8;
	s15 =	sshra.s32 s1, $0x2  }
.LBB2_1:
0x11: {  	s1 =	rddreg [dreg:$0x6]  }
0x12: {  	[tilespmem:s7], [sflag:$0x2] =	stream.linear.gather [hbm4b:s1+s7], $0x3000, $0x38;
	[tilespmem:$0xEC00] =	vst v63  }
0x13: {  	s29 =	rddreg [dreg:$0x1];
	s3 =	simm.s32 $0x4000  }
0x14: {  	[tilespmem:s3], [sflag:$0x5] =	stream.linear.gather [hbm4b:s29+s7], $0x2080, $0x38;
	[tilespmem:$0xEC00] =	vst v63  }
0x15: {  	_ =	swait.ge [sflag:s17], $0x2080  }
0x16: {  	[sflag:s17] =	ssyncset.done $0x0  }
0x17: {  	s31 =	simm.s32 $0x3000;
	s30 =	rddreg [dreg:$0x7];
	[sflag:s17] =	ssyncadd.s32 $0xFFFFDF80  }
0x18: {  	[tilespmem:s31], [sflag:$0x5] =	stream.linear.gather [hbm4b:s30+s7], $0x1000, $0x38;
	[tilespmem:$0xEC00] =	vst v63  }
0x19: {  	_ =	swait.ge [sflag:s17], $0x1000  }
0x1a: {  	[sflag:s17] =	ssyncset.done $0x0  }
0x1b: {  	s25 =	simm.s32 $0x0;
	[sflag:s17] =	ssyncadd.s32 $0xFFFFF000  }
0x1c: {  	s26 =	simm.s32 $0x200;
	v0 =	vld [tilespmem:s25+$0x3000]  }
.LBB2_2:
0x1d: {  	p0 =	sne.s32 s26, $0x3E00;
	v1 =	vld [tilespmem:$0x6000];
	_ =	sdelay $0x4  }
0x1e: {  	v1 =	vadd.f32 v1, v0;
	_ =	sdelay $0x1  }
0x1f: {  	[tilespmem:s25+$0x6400] =	vst v1  }
0x20: {  	v1 =	vld [tilespmem:$0x4000];
	_ =	sdelay $0x4  }
0x21: {  	v0 =	vadd.f32 v1, v0;
	_ =	sdelay $0x1  }
0x22: {  	[tilespmem:s25+$0x7400] =	vst v0;
	v0 =	vld [tilespmem:s25+$0x3010]  }
0x23: {  	v1 =	vld [tilespmem:$0x6010];
	_ =	sdelay $0x4  }
0x24: {  	v1 =	vadd.f32 v1, v0;
	_ =	sdelay $0x1  }
0x25: {  	[tilespmem:s25+$0x6410] =	vst v1  }
0x26: {  	v1 =	vld [tilespmem:$0x4010];
	_ =	sdelay $0x4  }
0x27: {  	v0 =	vadd.f32 v1, v0;
	_ =	sdelay $0x1  }
0x28: {  	[tilespmem:s25+$0x7410] =	vst v0;
	v0 =	vld [tilespmem:s25+$0x3020]  }
0x29: {  	v1 =	vld [tilespmem:$0x6020];
	_ =	sdelay $0x4  }
0x2a: {  	v1 =	vadd.f32 v1, v0;
	_ =	sdelay $0x1  }
0x2b: {  	[tilespmem:s25+$0x6420] =	vst v1  }
0x2c: {  	v1 =	vld [tilespmem:$0x4020];
	_ =	sdelay $0x4  }
0x2d: {  	v0 =	vadd.f32 v1, v0;
	_ =	sdelay $0x1  }
0x2e: {  	[tilespmem:s25+$0x7420] =	vst v0;
	v0 =	vld [tilespmem:s25+$0x3030]  }
0x2f: {  	v1 =	vld [tilespmem:$0x6030];
	_ =	sdelay $0x4  }
0x30: {  	v1 =	vadd.f32 v1, v0;
	_ =	sdelay $0x1  }
0x31: {  	[tilespmem:s25+$0x6430] =	vst v1  }
0x32: {  	v1 =	vld [tilespmem:$0x4030];
	_ =	sdelay $0x4  }
0x33: {  	v0 =	vadd.f32 v1, v0;
	_ =	sdelay $0x1  }
0x34: {  	[tilespmem:s25+$0x7430] =	vst v0;
	v0 =	vld [tilespmem:s25+$0x3040]  }
0x35: {  	v1 =	vld [tilespmem:$0x6040];
	_ =	sdelay $0x4  }
0x36: {  	v1 =	vadd.f32 v1, v0;
	_ =	sdelay $0x1  }
0x37: {  	[tilespmem:s25+$0x6440] =	vst v1  }
0x38: {  	v1 =	vld [tilespmem:$0x4040];
	_ =	sdelay $0x4  }
0x39: {  	v0 =	vadd.f32 v1, v0;
	_ =	sdelay $0x1  }
0x3a: {  	[tilespmem:s25+$0x7440] =	vst v0;
	v0 =	vld [tilespmem:s25+$0x3050]  }
0x3b: {  	v1 =	vld [tilespmem:$0x6050];
	_ =	sdelay $0x4  }
0x3c: {  	v1 =	vadd.f32 v1, v0;
	_ =	sdelay $0x1  }
0x3d: {  	[tilespmem:s25+$0x6450] =	vst v1  }
0x3e: {  	v1 =	vld [tilespmem:$0x4050];
	_ =	sdelay $0x4  }
0x3f: {  	v0 =	vadd.f32 v1, v0;
	_ =	sdelay $0x1  }
0x40: {  	[tilespmem:s25+$0x7450] =	vst v0;
	v0 =	vld [tilespmem:s25+$0x3060]  }
0x41: {  	v1 =	vld [tilespmem:$0x6060];
	_ =	sdelay $0x4  }
0x42: {  	v1 =	vadd.f32 v1, v0;
	_ =	sdelay $0x1  }
0x43: {  	[tilespmem:s25+$0x6460] =	vst v1  }
0x44: {  	v1 =	vld [tilespmem:$0x4060];
	_ =	sdelay $0x4  }
0x45: {  	v0 =	vadd.f32 v1, v0;
	_ =	sdelay $0x1  }
0x46: {  	[tilespmem:s25+$0x7460] =	vst v0;
	v0 =	vld [tilespmem:s25+$0x3070]  }
0x47: {  	v1 =	vld [tilespmem:$0x6070];
	_ =	sdelay $0x4  }
0x48: {  	v1 =	vadd.f32 v1, v0;
	_ =	sdelay $0x1  }
0x49: {  	[tilespmem:s25+$0x6470] =	vst v1  }
0x4a: {  	v1 =	vld [tilespmem:$0x4070];
	_ =	sdelay $0x2  }
.Ltmp0:
0x4b: {  	(pc) =	sbr.rel @p0 .LBB2_2-.Ltmp0, $4  }
0x4c: {  	_ = 	snop  }
0x4d: {  	v1 =	vadd.f32 v1, v0  }
0x4e: {  	s1 =	sshra.s32 s26, $0x2  }
0x4f: {  	s26 =	sadd.s32 $0x200, s26;
	v0 =	vld [tilespmem:s1+$0x3000];
	[tilespmem:s25+$0x7470] =	vst v1;
	s25 =	smov.u32 s1  }
0x50: {  	v1 =	vld [tilespmem:$0x6000];
	_ =	sdelay $0x4  }
0x51: {  	v1 =	vadd.f32 v1, v0;
	_ =	sdelay $0x1  }
0x52: {  	[tilespmem:s25+$0x6400] =	vst v1  }
0x53: {  	v1 =	vld [tilespmem:$0x4000];
	_ =	sdelay $0x4  }
0x54: {  	v49 =	vadd.f32 v1, v0;
	_ =	sdelay $0x1  }
0x55: {  	v50 =	vld [tilespmem:s25+$0x3010];
	[tilespmem:s25+$0x7400] =	vst v49  }
0x56: {  	v51 =	vld [tilespmem:$0x6010];
	_ =	sdelay $0x4  }
0x57: {  	v1 =	vadd.f32 v51, v50;
	_ =	sdelay $0x1  }
0x58: {  	[tilespmem:s25+$0x6410] =	vst v1  }
0x59: {  	v1 =	vld [tilespmem:$0x4010];
	_ =	sdelay $0x4  }
0x5a: {  	v0 =	vadd.f32 v1, v50;
	_ =	sdelay $0x1  }
0x5b: {  	v52 =	vld [tilespmem:s25+$0x3020];
	[tilespmem:s25+$0x7410] =	vst v0  }
0x5c: {  	v53 =	vld [tilespmem:$0x6020];
	_ =	sdelay $0x4  }
0x5d: {  	v1 =	vadd.f32 v53, v52;
	_ =	sdelay $0x1  }
0x5e: {  	[tilespmem:s25+$0x6420] =	vst v1  }
0x5f: {  	v1 =	vld [tilespmem:$0x4020];
	_ =	sdelay $0x4  }
0x60: {  	v0 =	vadd.f32 v1, v52;
	_ =	sdelay $0x1  }
0x61: {  	v54 =	vld [tilespmem:s25+$0x3030];
	[tilespmem:s25+$0x7420] =	vst v0  }
0x62: {  	v55 =	vld [tilespmem:$0x6030];
	_ =	sdelay $0x4  }
0x63: {  	v1 =	vadd.f32 v55, v54;
	_ =	sdelay $0x1  }
0x64: {  	[tilespmem:s25+$0x6430] =	vst v1  }
0x65: {  	v1 =	vld [tilespmem:$0x4030];
	_ =	sdelay $0x4  }
0x66: {  	v0 =	vadd.f32 v1, v54;
	_ =	sdelay $0x1  }
0x67: {  	v56 =	vld [tilespmem:s25+$0x3040];
	[tilespmem:s25+$0x7430] =	vst v0  }
0x68: {  	v57 =	vld [tilespmem:$0x6040];
	_ =	sdelay $0x4  }
0x69: {  	v1 =	vadd.f32 v57, v56;
	_ =	sdelay $0x1  }
0x6a: {  	[tilespmem:s25+$0x6440] =	vst v1  }
0x6b: {  	v1 =	vld [tilespmem:$0x4040];
	_ =	sdelay $0x4  }
0x6c: {  	v0 =	vadd.f32 v1, v56;
	_ =	sdelay $0x1  }
0x6d: {  	v58 =	vld [tilespmem:s25+$0x3050];
	[tilespmem:s25+$0x7440] =	vst v0  }
0x6e: {  	v59 =	vld [tilespmem:$0x6050];
	_ =	sdelay $0x4  }
0x6f: {  	v1 =	vadd.f32 v59, v58;
	_ =	sdelay $0x1  }
0x70: {  	[tilespmem:s25+$0x6450] =	vst v1  }
0x71: {  	v1 =	vld [tilespmem:$0x4050];
	_ =	sdelay $0x4  }
0x72: {  	v0 =	vadd.f32 v1, v58;
	_ =	sdelay $0x1  }
0x73: {  	v60 =	vld [tilespmem:s25+$0x3060];
	[tilespmem:s25+$0x7450] =	vst v0  }
0x74: {  	v61 =	vld [tilespmem:$0x6060];
	_ =	sdelay $0x4  }
0x75: {  	v1 =	vadd.f32 v61, v60;
	_ =	sdelay $0x1  }
0x76: {  	[tilespmem:s25+$0x6460] =	vst v1  }
0x77: {  	v1 =	vld [tilespmem:$0x4060];
	_ =	sdelay $0x4  }
0x78: {  	v0 =	vadd.f32 v1, v60;
	_ =	sdelay $0x1  }
0x79: {  	v62 =	vld [tilespmem:s25+$0x3070];
	[tilespmem:s25+$0x7460] =	vst v0  }
0x7a: {  	v63 =	vld [tilespmem:$0x6070];
	_ =	sdelay $0x4  }
0x7b: {  	v1 =	vadd.f32 v63, v62;
	_ =	sdelay $0x1  }
0x7c: {  	[tilespmem:s25+$0x6470] =	vst v1  }
0x7d: {  	v1 =	vld [tilespmem:$0x4070];
	_ =	sdelay $0x4  }
0x7e: {  	v0 =	vadd.f32 v1, v62;
	_ =	sdelay $0x1  }
0x7f: {  	s1 =	rddreg [dreg:$0x8];
	s3 =	simm.s32 $0x6400;
	[tilespmem:s25+$0x7470] =	vst v0  }
0x80: {  	[spmem:s1] =	stream.linear.scatter [tilespmem:s3], [sflag:$0x5], $0x1000, $0x38;
	[tilespmem:$0xEC00] =	vst v63  }
0x81: {  	_ =	swait.ge [sflag:s17], $0x1000  }
0x82: {  	[sflag:s17] =	ssyncset.done $0x0  }
0x83: {  	s31 =	simm.s32 $0x7400;
	s30 =	rddreg [dreg:$0x9];
	[sflag:s17] =	ssyncadd.s32 $0xFFFFF000  }
0x84: {  	[spmem:s30] =	stream.linear.scatter [tilespmem:s31], [sflag:$0x5], $0x1000, $0x38;
	[tilespmem:$0xEC00] =	vst v63  }
0x85: {  	_ =	swait.ge [sflag:s17], $0x1000  }
0x86: {  	[sflag:s17] =	ssyncset.done $0x0  }
0x87: {  	[sflag:s17] =	ssyncadd.s32 $0xFFFFF000  }
0x88: {  	[bflag:$0x0] =	sbarrier.arrive $0xFFFF  }
0x89: {  	_ =	swait.ge [sflag:s21], $0x3000  }
0x8a: {  	[sflag:s21] =	ssyncset.done $0x0  }
0x8b: {  	s26 =	smov.u32 s6;
	s25 =	simm.s32 $0x0;
	[sflag:s21] =	ssyncadd.s32 $0xFFFFD000  }
.LBB2_4:
0x8c: {  	s28 =	sor.u32 s6, s25  }
0x8d: {  	p0 =	sgt.s32 s28, $0x20;
	s1 =	smov.u32 s28  }
0x8e: {  	s1 =	simm.s32 @!p0 $0x20  }
0x8f: {  	s1 =	smin.u32 s1, $0x1D8  }
0x90: {  	s3 =	sand.u32 $0x7, s1  }
0x91: {  	p4 =	slt.u32 s28, $0x21;
	p1 =	sne.s32 s3, $0x0  }
0x92: {  	p0 =	por !p4, !p1  }
0x93: {  	s3 =	simm.s32 $0xFFFFFFFF;
	p0 =	por !p0, !p0  }
0x94: {  	s3 =	simm.s32 @!p0 $0x0  }
0x95: {  	s30 =	sshll.u32 s3, $0x3  }
0x96: {  	s1 =	sadd.s32 s30, s1  }
0x97: {  	s16 =	simm.s32 $0x1;
	s29 =	sadd.s32 $0xFFFFFFE0, s1  }
0x98: {  	s1 =	sshra.s32 s29, $0x1F;
	p0 =	sgt.s32 s29, $0x7;
	s3 =	sand.u32 $0xFFFFFFF8, s29  }
0x99: {  	s31 =	sand.u32 $0xF8, s29;
	s10 =	sand.u32 $0x78, s29;
	s14 =	sand.u32 $0x38, s29  }
0x9a: {  	s18 =	sshrl.u32 s1, $0x18;
	s16 =	simm.s32 @!p0 $0x0;
	p5 =	sne.s32 s31, $0x0  }
0x9b: {  	s8 =	sshrl.u32 s1, $0x19;
	p6 =	sne.s32 s10, $0x0;
	s11 =	sshrl.u32 s1, $0x1A  }
0x9c: {  	s18 =	sadd.s32 s18, s3;
	s16 =	sadd.s32 s16, s1;
	s9 =	sadd.s32 s8, s3  }
0x9d: {  	s8 =	sand.u32 $0x18, s29;
	s18 =	sshrl.u32 s18, $0x8;
	p0 =	sne.s32 s16, $0x1  }
0x9e: {  	s16 =	sshrl.u32 s9, $0x7;
	s9 =	sshrl.u32 s29, $0x3;
	s20 =	sand.u32 $0x1, s18  }
0x9f: {  	p1 =	por !p5, !p0;
	s16 =	sand.u32 $0x1, s16;
	p3 =	seq.s32 s20, $0x1  }
0xa0: {  	s18 =	simm.s32 $0x100;
	p1 =	por !p1, !p1;
	p2 =	por !p3, !p3  }
0xa1: {  	p2 =	por @!p1 p3, p3;
	p1 =	por !p6, !p0;
	p3 =	seq.s32 s16, $0x1  }
0xa2: {  	s18 =	simm.s32 @!p2 $0x0;
	p4 =	por !p1, !p1;
	p1 =	por !p3, !p3  }
0xa3: {  	s16 =	sshll.u32 @p2 s28, $0xD;
	s31 =	sshll.u32 @p2 s0, $0x6;
	s19 =	sshrl.u32 @p2 s4, $0x3  }
0xa4: {  	p1 =	por @!p4 p3, p3;
	s16 =	sadd.s32 @p2 s2, s16;
	s31 =	sor.u32 @p2 $0x1C01, s31  }
0xa5: {  	p3 =	sne.s32 s14, $0x0;
	p4 =	sne.s32 s8, $0x0;
	s14 =	sand.u32 $0x8, s29  }
0xa6: {  	[hbm:s16], [sflag:s31] =	dma.local @p2 [spmem:s19], $0x1000  }
0xa7: {  	s16 =	sshll.u32 @p1 s28, $0xD;
	s19 =	sshll.u32 @p1 s18, $0x4;
	s31 =	sshll.u32 @p1 s18, $0x7  }
0xa8: {  	s20 =	sshll.u32 @p1 s0, $0x6;
	s16 =	sadd.s32 @p1 s2, s16;
	s31 =	sadd.s32 @p1 s31, s4  }
0xa9: {  	s16 =	sadd.s32 @p1 s19, s16;
	s19 =	sor.u32 @p1 $0x1C01, s20;
	s20 =	sshrl.u32 @p1 s31, $0x3  }
0xaa: {  	[hbm:s16], [sflag:s19] =	dma.local @p1 [spmem:s20], $0x800  }
0xab: {  	s19 =	simm.s32 $0x80;
	s16 =	sadd.s32 s11, s3;
	s20 =	sshrl.u32 s1, $0x1B  }
0xac: {  	s1 =	sshrl.u32 s1, $0x1C;
	s19 =	simm.s32 @!p1 $0x0;
	s16 =	sshrl.u32 s16, $0x6  }
0xad: {  	p1 =	por !p3, !p0;
	s1 =	sadd.s32 s1, s3;
	s18 =	sor.u32 s19, s18  }
0xae: {  	s16 =	sand.u32 $0x1, s16;
	p1 =	por !p1, !p1;
	s19 =	simm.s32 $0x20  }
0xaf: {  	s1 =	sshrl.u32 s1, $0x4;
	p3 =	seq.s32 s16, $0x1;
	s16 =	sadd.s32 s20, s3  }
0xb0: {  	s20 =	simm.s32 $0x40;
	p2 =	por !p3, !p3;
	s16 =	sshrl.u32 s16, $0x5  }
0xb1: {  	p2 =	por @!p1 p3, p3;
	s16 =	sand.u32 $0x1, s16;
	p1 =	por !p4, !p0  }
0xb2: {  	s20 =	simm.s32 @!p2 $0x0;
	p3 =	seq.s32 s16, $0x1;
	p4 =	por !p1, !p1  }
0xb3: {  	p1 =	por !p3, !p3;
	s16 =	sor.u32 s20, s18;
	s20 =	sand.u32 $0x1, s9  }
0xb4: {  	s1 =	sand.u32 $0x1, s1;
	p1 =	por @!p4 p3, p3;
	p5 =	seq.s32 s20, $0x1  }
0xb5: {  	p3 =	seq.s32 s1, $0x1;
	s1 =	sshll.u32 @p2 s28, $0xD;
	s20 =	sshll.u32 @p2 s18, $0x4  }
0xb6: {  	s18 =	sshll.u32 @p2 s18, $0x7;
	p4 =	seq.s32 s14, $0x0;
	s1 =	sadd.s32 @p2 s2, s1  }
0xb7: {  	s18 =	sadd.s32 @p2 s18, s4;
	s1 =	sadd.s32 @p2 s20, s1;
	s20 =	sshll.u32 @p2 s0, $0x6  }
0xb8: {  	p0 =	por !p5, !p0;
	s18 =	sshrl.u32 @p2 s18, $0x3;
	s20 =	sor.u32 @p2 $0x1C01, s20  }
0xb9: {  	[hbm:s1], [sflag:s20] =	dma.local @p2 [spmem:s18], $0x400  }
0xba: {  	s19 =	simm.s32 @!p1 $0x0;
	p0 =	por !p0, !p0;
	s1 =	sshll.u32 @p1 s28, $0xD  }
0xbb: {  	s18 =	sshll.u32 @p1 s16, $0x4;
	s20 =	sshll.u32 @p1 s16, $0x7;
	s1 =	sadd.s32 @p1 s2, s1  }
0xbc: {  	s1 =	sadd.s32 @p1 s18, s1;
	s18 =	sadd.s32 @p1 s20, s4;
	s20 =	sshll.u32 @p1 s0, $0x6  }
0xbd: {  	p2 =	por !p3, !p3;
	s20 =	sor.u32 @p1 $0x1C01, s20;
	s18 =	sshrl.u32 @p1 s18, $0x3  }
0xbe: {  	[hbm:s1], [sflag:s20] =	dma.local @p1 [spmem:s18], $0x200  }
0xbf: {  	p2 =	por @!p0 p3, p3;
	p0 =	sgt.s32 s3, $0x1B7;
	s18 =	sor.u32 s19, s16  }
0xc0: {  	s1 =	sshll.u32 @p2 s28, $0xD;
	s20 =	sshll.u32 @p2 s0, $0x6;
	s16 =	sshll.u32 @p2 s18, $0x4  }
0xc1: {  	s1 =	sadd.s32 @p2 s2, s1;
	s19 =	sshll.u32 @p2 s18, $0x7;
	s20 =	sor.u32 @p2 $0x1C01, s20  }
0xc2: {  	s16 =	sadd.s32 @p2 s16, s1;
	s19 =	sadd.s32 @p2 s19, s4;
	s1 =	ssub.s32 $0x1B8, s3  }
0xc3: {  	s3 =	sshll.u32 @!p4 s28, $0xD;
	s19 =	sshrl.u32 @p2 s19, $0x3;
	s11 =	sand.u32 $0xF8, s1  }
0xc4: {  	s8 =	sand.u32 $0x78, s1;
	s3 =	sadd.s32 @!p4 s2, s3;
	s9 =	sand.u32 $0x38, s1  }
0xc5: {  	[hbm:s16], [sflag:s20] =	dma.local @p2 [spmem:s19], $0x100  }
0xc6: {  	s16 =	sshra.s32 s1, $0x1F;
	s20 =	simm.s32 $0x10;
	p6 =	sne.s32 s11, $0x0  }
0xc7: {  	s10 =	sshrl.u32 s16, $0x18;
	s20 =	simm.s32 @!p2 $0x0;
	p1 =	por !p0, !p6  }
0xc8: {  	s11 =	sshrl.u32 s16, $0x1A;
	s14 =	sshrl.u32 s16, $0x1B;
	s19 =	sadd.s32 s10, s1  }
0xc9: {  	s18 =	sor.u32 s20, s18;
	s20 =	sshrl.u32 s16, $0x19;
	s16 =	sshrl.u32 s16, $0x1C  }
0xca: {  	p1 =	por !p1, !p1;
	s19 =	sshrl.u32 s19, $0x8;
	s16 =	sadd.s32 s16, s1  }
0xcb: {  	s10 =	sand.u32 $0x18, s1;
	s19 =	sand.u32 $0x1, s19;
	s16 =	sshrl.u32 s16, $0x4  }
0xcc: {  	p2 =	seq.s32 s19, $0x1;
	s19 =	sadd.s32 s20, s1;
	s20 =	simm.s32 $0x100  }
0xcd: {  	s16 =	sand.u32 $0x1, s16;
	p3 =	por !p2, !p2;
	s19 =	sshrl.u32 s19, $0x7  }
0xce: {  	p3 =	por @!p1 p2, p2;
	p2 =	sne.s32 s8, $0x0;
	s19 =	sand.u32 $0x1, s19  }
0xcf: {  	s8 =	simm.s32 @!p0 $0x0;
	p1 =	por !p0, !p2;
	p5 =	seq.s32 s19, $0x1  }
0xd0: {  	s19 =	sshll.u32 @!p4 s18, $0x4;
	s18 =	sshll.u32 @!p4 s18, $0x7;
	s20 =	simm.s32 @!p3 $0x200  }
0xd1: {  	s8 =	simm.s32 @p0 $0x1;
	p1 =	por !p1, !p1;
	s3 =	sadd.s32 @!p4 s19, s3  }
0xd2: {  	s18 =	sadd.s32 @!p4 s18, s4;
	s19 =	sshll.u32 @!p4 s0, $0x6;
	p2 =	por !p5, !p5  }
0xd3: {  	s19 =	sor.u32 @!p4 $0x1C01, s19;
	s18 =	sshrl.u32 @!p4 s18, $0x3;
	p2 =	por @!p1 p5, p5  }
0xd4: {  	[hbm:s3], [sflag:s19] =	dma.local @!p4 [spmem:s18], $0x80  }
0xd5: {  	p5 =	sne.s32 s10, $0x0;
	s18 =	simm.s32 $0xFFFFFF80;
	p4 =	sne.s32 s9, $0x0  }
0xd6: {  	s19 =	sadd.s32 s11, s1;
	s3 =	sadd.s32 s14, s1;
	[smem:$0x7FD] =	sst s8  }
0xd7: {  	s1 =	sshrl.u32 s1, $0x3;
	s18 =	simm.s32 @!p2 $0x0;
	s19 =	sshrl.u32 s19, $0x6  }
0xd8: {  	p1 =	por !p0, !p4;
	s3 =	sshrl.u32 s3, $0x5;
	p4 =	por !p0, !p5  }
0xd9: {  	s1 =	sand.u32 $0x1, s1;
	p1 =	por !p1, !p1;
	s19 =	sand.u32 $0x1, s19  }
0xda: {  	s3 =	sand.u32 $0x1, s3;
	s10 =	sadd.s32 s20, s18;
	s8 =	simm.s32 @!p1 $0x0  }
0xdb: {  	s18 =	sshll.u32 @p3 s28, $0xD;
	s8 =	simm.s32 @p1 $0x1;
	p1 =	por !p4, !p4  }
0xdc: {  	p0 =	seq.s32 s3, $0x1;
	[smem:$0x7FB] =	sst s8;
	s3 =	simm.s32 @!p1 $0x0  }
0xdd: {  	s20 =	sshrl.u32 @p3 s13, $0x3;
	s3 =	simm.s32 @p1 $0x1;
	s8 =	sld [smem:$0x7FB]  }
0xde: {  	p6 =	seq.s32 s19, $0x1;
	s19 =	sshll.u32 @p3 s0, $0x6;
	[smem:$0x7FC] =	sst s3  }
0xdf: {  	s18 =	sadd.s32 @p3 s18, s12;
	s19 =	sor.u32 @p3 $0x1C01, s19;
	s9 =	sld [smem:$0x7FC]  }
0xe0: {  	[hbm:s18], [sflag:s19] =	dma.local @p3 [spmem:s20], $0x1000  }
0xe1: {  	p4 =	por !p6, !p6;
	p1 =	por !p0, !p0;
	s18 =	smin.u32 s10, $0x180  }
0xe2: {  	s19 =	simm.s32 $0xFFFFFFC0;
	p3 =	seq.s32 s16, $0x1;
	p5 =	seq.s32 s8, $0x1  }
0xe3: {  	s16 =	sshll.u32 @p2 s28, $0xD;
	s11 =	sld [smem:$0x7FD];
	p4 =	por @!p5 p6, p6  }
0xe4: {  	s20 =	sshll.u32 @p2 s0, $0x6;
	p5 =	seq.s32 s9, $0x1;
	s19 =	simm.s32 @!p4 $0x0  }
0xe5: {  	p1 =	por @!p5 p0, p0;
	p5 =	seq.s32 s1, $0x1;
	s3 =	sadd.s32 s19, s10  }
0xe6: {  	p6 =	seq.s32 s11, $0x1;
	s19 =	sshll.u32 @p2 s18, $0x4;
	s18 =	sshll.u32 @p2 s18, $0x7  }
0xe7: {  	s16 =	sadd.s32 @p2 s2, s16;
	p0 =	por !p6, !p5;
	s18 =	sadd.s32 @p2 s18, s5  }
0xe8: {  	s16 =	sadd.s32 @p2 s19, s16;
	s19 =	sor.u32 @p2 $0x1C01, s20;
	s18 =	sshrl.u32 @p2 s18, $0x3  }
0xe9: {  	[hbm:s16], [sflag:s19] =	dma.local @p2 [spmem:s18], $0x800  }
0xea: {  	s16 =	simm.s32 $0xFFFFFFE0;
	p2 =	por !p0, !p0;
	p0 =	por !p3, !p3  }
0xeb: {  	s18 =	smin.u32 s3, $0x1C0;
	s19 =	sshll.u32 @p4 s28, $0xD;
	p0 =	por @!p2 p3, p3  }
0xec: {  	s16 =	simm.s32 @!p1 $0x0;
	s20 =	sshll.u32 @p4 s18, $0x4;
	s19 =	sadd.s32 @p4 s2, s19  }
0xed: {  	s18 =	sshll.u32 @p4 s18, $0x7;
	s3 =	sadd.s32 s16, s3;
	s16 =	simm.s32 $0xFFFFFFF0  }
0xee: {  	s19 =	sadd.s32 @p4 s20, s19;
	s18 =	sadd.s32 @p4 s18, s5;
	s20 =	sshll.u32 @p4 s0, $0x6  }
0xef: {  	s16 =	simm.s32 @!p0 $0x0;
	s20 =	sor.u32 @p4 $0x1C01, s20;
	s18 =	sshrl.u32 @p4 s18, $0x3  }
0xf0: {  	[hbm:s19], [sflag:s20] =	dma.local @p4 [spmem:s18], $0x400  }
0xf1: {  	s18 =	smin.u32 s3, $0x1E0;
	s3 =	sadd.s32 s16, s3;
	s16 =	sshll.u32 @p1 s28, $0xD  }
0xf2: {  	s14 =	sshll.u32 s1, $0x3;
	s19 =	sshll.u32 @p1 s18, $0x4;
	s16 =	sadd.s32 @p1 s2, s16  }
0xf3: {  	s18 =	sshll.u32 @p1 s18, $0x7;
	s20 =	smin.u32 s3, $0x1F0;
	s3 =	ssub.s32 s3, s14  }
0xf4: {  	s16 =	sadd.s32 @p1 s19, s16;
	s18 =	sadd.s32 @p1 s18, s5;
	s19 =	sshll.u32 @p1 s0, $0x6  }
0xf5: {  	s3 =	smin.u32 s3, $0x1F8;
	s19 =	sor.u32 @p1 $0x1C01, s19;
	s18 =	sshrl.u32 @p1 s18, $0x3  }
0xf6: {  	[hbm:s16], [sflag:s19] =	dma.local @p1 [spmem:s18], $0x200  }
0xf7: {  	s16 =	sshll.u32 @p0 s28, $0xD;
	s18 =	sshll.u32 @p0 s20, $0x4;
	s19 =	sshll.u32 @p0 s20, $0x7  }
0xf8: {  	s20 =	sshll.u32 @p0 s0, $0x6;
	p1 =	seq.s32 s1, $0x0;
	s16 =	sadd.s32 @p0 s2, s16  }
0xf9: {  	s19 =	sadd.s32 @p0 s19, s5;
	s1 =	sshll.u32 @!p1 s28, $0xD;
	s16 =	sadd.s32 @p0 s18, s16  }
0xfa: {  	s18 =	sor.u32 @p0 $0x1C01, s20;
	s19 =	sshrl.u32 @p0 s19, $0x3;
	s1 =	sadd.s32 @!p1 s2, s1  }
0xfb: {  	[hbm:s16], [sflag:s18] =	dma.local @p0 [spmem:s19], $0x100  }
0xfc: {  	p0 =	sgt.s32 s26, $0x20;
	s16 =	smov.u32 s26;
	s18 =	sshll.u32 @!p1 s3, $0x4  }
0xfd: {  	s3 =	sshll.u32 @!p1 s3, $0x7;
	s16 =	simm.s32 @!p0 $0x20;
	s18 =	sand.u32 @!p1 $0x1F80, s18  }
0xfe: {  	s3 =	sadd.s32 @!p1 s3, s5;
	s1 =	sadd.s32 @!p1 s18, s1;
	s18 =	sshll.u32 @!p1 s0, $0x6  }
0xff: {  	s16 =	smin.u32 s16, $0x1D8;
	s3 =	sshrl.u32 @!p1 s3, $0x3;
	s18 =	sor.u32 @!p1 $0x1C01, s18  }
0x100: {  	[hbm:s1], [sflag:s18] =	dma.local @!p1 [spmem:s3], $0x80  }
0x101: {  	s20 =	sand.u32 $0x1, s25;
	s18 =	sadd.s32 s30, s16  }
0x102: {  	p0 =	seq.s32 s20, $0x1;
	p1 =	slt.u32 s25, $0x2;
	s1 =	sadd.s32 $0xFFFFFFE0, s18  }
0x103: {  	s18 =	simm.s32 @!p1 $0x4;
	s19 =	sshll.u32 s1, $0x9;
	s1 =	sand.u32 $0xFFFFFFF8, s1  }
0x104: {  	p2 =	por !p0, p1;
	s3 =	sshra.s32 s19, $0x2;
	s1 =	ssub.s32 s26, s1  }
0x105: {  	s3 =	sand.u32 $0xFFFFFC00, s3;
	p3 =	sgt.s32 s1, $0xFFFFFFE0;
	s16 =	smov.u32 s1  }
0x106: {  	s18 =	simm.s32 @p2 $0x3;
	s3 =	sadd.s32 s3, s15;
	s16 =	simm.s32 @!p3 $0xFFFFFFE0  }
0x107: {  	_ =	swait.ge @!p1 [sflag:s18], $0x2400;
	v0 =	vmov s3;
	p3 =	slt.s32 s16, $0x20  }
0x108: {  	[sflag:s18] =	ssyncset.done @!p1 $0x0;
	s16 =	simm.s32 @!p3 $0x20  }
0x109: {  	s19 =	simm.s32 @!p1 $0x2400;
	[sflag:s18] =	ssyncadd.s32 @!p1 $0xFFFFDC00;
	s16 =	sshll.u32 s16, $0x9  }
0x10a: {  	s3 =	simm.s32 @p1 $0x2400;
	p3 =	por !p0, !p1;
	s16 =	sshra.s32 s16, $0x2  }
0x10b: {  	s30 =	simm.s32 $0x0;
	s19 =	simm.s32 @p2 $0x0;
	s3 =	simm.s32 @p3 $0x0;
	v3 =	vld [tilespmem:s16+$0x5000]  }
0x10c: {  	s19 =	smov.u32 @p1 s3;
	v2 =	vld.idx.msk [tilespmem:v0+s30+$0xFFFFFF90 ss:$0x1], $0xffff  }
0x10d: {  	s3 =	sadd.s32 $0x8470, s19  }
0x10e: {  	v1 =	vmov s3;
	_ =	sdelay $0x2  }
0x10f: {  	v2 =	vadd.f32 v3, v2;
	_ =	sdelay $0x1  }
0x110: {  	[tilespmem:v1+s30+$0xFFFFFF90 ss:$0x1] =	vst.idx.msk $0xffff, v2  }
0x111: {  	v2 =	vld.idx.msk [tilespmem:v0+s30+$0xFFFFFFA0 ss:$0x1], $0xffff  }
0x112: {  	v3 =	vld [tilespmem:s16+$0x5010];
	_ =	sdelay $0x4  }
0x113: {  	v2 =	vadd.f32 v3, v2;
	_ =	sdelay $0x1  }
0x114: {  	[tilespmem:v1+s30+$0xFFFFFFA0 ss:$0x1] =	vst.idx.msk $0xffff, v2  }
0x115: {  	v2 =	vld.idx.msk [tilespmem:v0+s30+$0xFFFFFFB0 ss:$0x1], $0xffff  }
0x116: {  	v3 =	vld [tilespmem:s16+$0x5020];
	_ =	sdelay $0x4  }
0x117: {  	v2 =	vadd.f32 v3, v2;
	_ =	sdelay $0x1  }
0x118: {  	[tilespmem:v1+s30+$0xFFFFFFB0 ss:$0x1] =	vst.idx.msk $0xffff, v2  }
0x119: {  	v2 =	vld.idx.msk [tilespmem:v0+s30+$0xFFFFFFC0 ss:$0x1], $0xffff  }
0x11a: {  	v3 =	vld [tilespmem:s16+$0x5030];
	_ =	sdelay $0x4  }
0x11b: {  	v2 =	vadd.f32 v3, v2;
	_ =	sdelay $0x1  }
0x11c: {  	[tilespmem:v1+s30+$0xFFFFFFC0 ss:$0x1] =	vst.idx.msk $0xffff, v2  }
0x11d: {  	v2 =	vld.idx.msk [tilespmem:v0+s30+$0xFFFFFFD0 ss:$0x1], $0xffff  }
0x11e: {  	v3 =	vld [tilespmem:s16+$0x5040];
	_ =	sdelay $0x4  }
0x11f: {  	v2 =	vadd.f32 v3, v2;
	_ =	sdelay $0x1  }
0x120: {  	[tilespmem:v1+s30+$0xFFFFFFD0 ss:$0x1] =	vst.idx.msk $0xffff, v2  }
0x121: {  	v2 =	vld.idx.msk [tilespmem:v0+s30+$0xFFFFFFE0 ss:$0x1], $0xffff  }
0x122: {  	v3 =	vld [tilespmem:s16+$0x5050];
	_ =	sdelay $0x4  }
0x123: {  	v2 =	vadd.f32 v3, v2;
	_ =	sdelay $0x1  }
0x124: {  	[tilespmem:v1+s30+$0xFFFFFFE0 ss:$0x1] =	vst.idx.msk $0xffff, v2  }
0x125: {  	v2 =	vld.idx.msk [tilespmem:v0+s30+$0xFFFFFFF0 ss:$0x1], $0xffff  }
0x126: {  	v3 =	vld [tilespmem:s16+$0x5060];
	_ =	sdelay $0x4  }
0x127: {  	v2 =	vadd.f32 v3, v2;
	_ =	sdelay $0x1  }
0x128: {  	[tilespmem:v1+s30+$0xFFFFFFF0 ss:$0x1] =	vst.idx.msk $0xffff, v2  }
0x129: {  	v2 =	vld.idx.msk [tilespmem:v0+s30+$0x0 ss:$0x1], $0xffff  }
0x12a: {  	v3 =	vld [tilespmem:s16+$0x5070]  }
0x12b: {  	s3 =	sadd.s32 $0xFFFFFFFF, s1  }
0x12c: {  	p1 =	sgt.s32 s3, $0xFFFFFFE0;
	s16 =	smov.u32 s3  }
0x12d: {  	s16 =	simm.s32 @!p1 $0xFFFFFFE0  }
0x12e: {  	p1 =	slt.s32 s16, $0x20  }
0x12f: {  	s31 =	simm.s32 $0x80;
	s1 =	simm.s32 $0x400;
	s16 =	simm.s32 @!p1 $0x20;
	v2 =	vadd.f32 v3, v2  }
.LBB2_5:
0x130: {  	s16 =	sshll.u32 s16, $0x9;
	s18 =	smov.u32 s1  }
0x131: {  	[tilespmem:v1+s30+$0x0 ss:$0x1] =	vst.idx.msk $0xffff, v2;
	s30 =	smov.u32 s31;
	s31 =	sshra.s32 s1, $0x2;
	s18 =	sadd.s32 $0x200, s1  }
0x132: {  	p1 =	sne.s32 s1, $0x8E00;
	s16 =	sshra.s32 s16, $0x2;
	v2 =	vld.idx.msk [tilespmem:v0+s30+$0xFFFFFF90 ss:$0x1], $0xffff  }
0x133: {  	v3 =	vld [tilespmem:s16+$0x5000];
	_ =	sdelay $0x4  }
0x134: {  	v2 =	vadd.f32 v3, v2;
	_ =	sdelay $0x1  }
0x135: {  	[tilespmem:v1+s30+$0xFFFFFF90 ss:$0x1] =	vst.idx.msk $0xffff, v2  }
0x136: {  	v2 =	vld.idx.msk [tilespmem:v0+s30+$0xFFFFFFA0 ss:$0x1], $0xffff  }
0x137: {  	v3 =	vld [tilespmem:s16+$0x5010];
	_ =	sdelay $0x4  }
0x138: {  	v2 =	vadd.f32 v3, v2;
	_ =	sdelay $0x1  }
0x139: {  	[tilespmem:v1+s30+$0xFFFFFFA0 ss:$0x1] =	vst.idx.msk $0xffff, v2  }
0x13a: {  	v2 =	vld.idx.msk [tilespmem:v0+s30+$0xFFFFFFB0 ss:$0x1], $0xffff  }
0x13b: {  	v3 =	vld [tilespmem:s16+$0x5020];
	_ =	sdelay $0x4  }
0x13c: {  	v2 =	vadd.f32 v3, v2;
	_ =	sdelay $0x1  }
0x13d: {  	[tilespmem:v1+s30+$0xFFFFFFB0 ss:$0x1] =	vst.idx.msk $0xffff, v2  }
0x13e: {  	v2 =	vld.idx.msk [tilespmem:v0+s30+$0xFFFFFFC0 ss:$0x1], $0xffff  }
0x13f: {  	v3 =	vld [tilespmem:s16+$0x5030];
	_ =	sdelay $0x4  }
0x140: {  	v2 =	vadd.f32 v3, v2;
	_ =	sdelay $0x1  }
0x141: {  	[tilespmem:v1+s30+$0xFFFFFFC0 ss:$0x1] =	vst.idx.msk $0xffff, v2  }
0x142: {  	v2 =	vld.idx.msk [tilespmem:v0+s30+$0xFFFFFFD0 ss:$0x1], $0xffff  }
0x143: {  	v3 =	vld [tilespmem:s16+$0x5040];
	_ =	sdelay $0x4  }
0x144: {  	v2 =	vadd.f32 v3, v2;
	_ =	sdelay $0x1  }
0x145: {  	[tilespmem:v1+s30+$0xFFFFFFD0 ss:$0x1] =	vst.idx.msk $0xffff, v2  }
0x146: {  	v2 =	vld.idx.msk [tilespmem:v0+s30+$0xFFFFFFE0 ss:$0x1], $0xffff  }
0x147: {  	v3 =	vld [tilespmem:s16+$0x5050];
	_ =	sdelay $0x4  }
0x148: {  	v2 =	vadd.f32 v3, v2;
	_ =	sdelay $0x1  }
0x149: {  	[tilespmem:v1+s30+$0xFFFFFFE0 ss:$0x1] =	vst.idx.msk $0xffff, v2  }
0x14a: {  	v2 =	vld.idx.msk [tilespmem:v0+s30+$0xFFFFFFF0 ss:$0x1], $0xffff  }
0x14b: {  	v3 =	vld [tilespmem:s16+$0x5060];
	_ =	sdelay $0x4  }
0x14c: {  	v2 =	vadd.f32 v3, v2;
	_ =	sdelay $0x1  }
0x14d: {  	[tilespmem:v1+s30+$0xFFFFFFF0 ss:$0x1] =	vst.idx.msk $0xffff, v2  }
0x14e: {  	v2 =	vld.idx.msk [tilespmem:v0+s30+$0x0 ss:$0x1], $0xffff  }
0x14f: {  	v3 =	vld [tilespmem:s16+$0x5070];
	_ =	sdelay $0x1  }
.Ltmp1:
0x150: {  	s3 =	sadd.s32 $0xFFFFFFFF, s3;
	(pc) =	sbr.rel @p1 .LBB2_5-.Ltmp1, $4  }
0x151: {  	p2 =	sgt.s32 s3, $0xFFFFFFE0;
	s16 =	smov.u32 s3  }
0x152: {  	s16 =	simm.s32 @!p2 $0xFFFFFFE0  }
0x153: {  	p2 =	slt.s32 s16, $0x20;
	v2 =	vadd.f32 v3, v2  }
0x154: {  	s1 =	smov.u32 s18;
	s16 =	simm.s32 @!p2 $0x20  }
0x155: {  	_ =	sdelay $0x3  }
0x156: {  	s1 =	sshll.u32 s16, $0x9;
	[tilespmem:v1+s30+$0x0 ss:$0x1] =	vst.idx.msk $0xffff, v2  }
0x157: {  	v2 =	vld.idx.msk [tilespmem:v0+s31+$0xFFFFFF90 ss:$0x1], $0xffff;
	s1 =	sshra.s32 s1, $0x2  }
0x158: {  	v3 =	vld [tilespmem:s1+$0x5000];
	_ =	sdelay $0x4  }
0x159: {  	v2 =	vadd.f32 v3, v2;
	_ =	sdelay $0x1  }
0x15a: {  	[tilespmem:v1+s31+$0xFFFFFF90 ss:$0x1] =	vst.idx.msk $0xffff, v2  }
0x15b: {  	v2 =	vld.idx.msk [tilespmem:v0+s31+$0xFFFFFFA0 ss:$0x1], $0xffff  }
0x15c: {  	v57 =	vld [tilespmem:s1+$0x5010];
	_ =	sdelay $0x4  }
0x15d: {  	v2 =	vadd.f32 v57, v2;
	_ =	sdelay $0x1  }
0x15e: {  	[tilespmem:v1+s31+$0xFFFFFFA0 ss:$0x1] =	vst.idx.msk $0xffff, v2  }
0x15f: {  	v2 =	vld.idx.msk [tilespmem:v0+s31+$0xFFFFFFB0 ss:$0x1], $0xffff  }
0x160: {  	v58 =	vld [tilespmem:s1+$0x5020];
	_ =	sdelay $0x4  }
0x161: {  	v2 =	vadd.f32 v58, v2;
	_ =	sdelay $0x1  }
0x162: {  	[tilespmem:v1+s31+$0xFFFFFFB0 ss:$0x1] =	vst.idx.msk $0xffff, v2  }
0x163: {  	v2 =	vld.idx.msk [tilespmem:v0+s31+$0xFFFFFFC0 ss:$0x1], $0xffff  }
0x164: {  	v59 =	vld [tilespmem:s1+$0x5030];
	_ =	sdelay $0x4  }
0x165: {  	v2 =	vadd.f32 v59, v2;
	_ =	sdelay $0x1  }
0x166: {  	[tilespmem:v1+s31+$0xFFFFFFC0 ss:$0x1] =	vst.idx.msk $0xffff, v2  }
0x167: {  	v2 =	vld.idx.msk [tilespmem:v0+s31+$0xFFFFFFD0 ss:$0x1], $0xffff  }
0x168: {  	v60 =	vld [tilespmem:s1+$0x5040];
	_ =	sdelay $0x4  }
0x169: {  	v2 =	vadd.f32 v60, v2;
	_ =	sdelay $0x1  }
0x16a: {  	[tilespmem:v1+s31+$0xFFFFFFD0 ss:$0x1] =	vst.idx.msk $0xffff, v2  }
0x16b: {  	v2 =	vld.idx.msk [tilespmem:v0+s31+$0xFFFFFFE0 ss:$0x1], $0xffff  }
0x16c: {  	v61 =	vld [tilespmem:s1+$0x5050];
	_ =	sdelay $0x4  }
0x16d: {  	v2 =	vadd.f32 v61, v2;
	_ =	sdelay $0x1  }
0x16e: {  	[tilespmem:v1+s31+$0xFFFFFFE0 ss:$0x1] =	vst.idx.msk $0xffff, v2  }
0x16f: {  	v2 =	vld.idx.msk [tilespmem:v0+s31+$0xFFFFFFF0 ss:$0x1], $0xffff  }
0x170: {  	v62 =	vld [tilespmem:s1+$0x5060];
	_ =	sdelay $0x4  }
0x171: {  	v2 =	vadd.f32 v62, v2;
	_ =	sdelay $0x1  }
0x172: {  	[tilespmem:v1+s31+$0xFFFFFFF0 ss:$0x1] =	vst.idx.msk $0xffff, v2  }
0x173: {  	v63 =	vld.idx.msk [tilespmem:v0+s31+$0x0 ss:$0x1], $0xffff  }
0x174: {  	v2 =	vld [tilespmem:s1+$0x5070];
	_ =	sdelay $0x2  }
0x175: {  	s30 =	sshll.u32 s29, $0x7  }
0x176: {  	s3 =	sshll.u32 s28, $0x10;
	s1 =	sand.u32 $0x7FFFFC00, s30  }
0x177: {  	s1 =	sadd.s32 s3, s1;
	v0 =	vadd.f32 v2, v63  }
0x178: {  	s1 =	sshrl.u32 s1, $0x3  }
0x179: {  	s16 =	simm.s32 @p0 $0xA800;
	s3 =	simm.s32 @p0 $0x0;
	s1 =	sadd.s32 s2, s1;
	[tilespmem:v1+s31+$0x0 ss:$0x1] =	vst.idx.msk $0xffff, v0  }
0x17a: {  	[hbm4b:s1+s3] =	stream.linear.scatter @p0 [tilespmem:s16], [sflag:$0x4], $0x2400, $0x38;
	[tilespmem:$0xEC00] =	vst v63  }
0x17b: {  	s25 =	sadd.s32 $0x1, s25;
	s3 =	simm.s32 @!p0 $0x0;
	s16 =	simm.s32 @!p0 $0x8400  }
0x17c: {  	[hbm4b:s1+s3] =	stream.linear.scatter @!p0 [tilespmem:s16], [sflag:$0x3], $0x2400, $0x38;
	[tilespmem:$0xEC00] =	vst v63  }
0x17d: {  	p0 =	sne.s32 s25, $0x10  }
.Ltmp2:
0x17e: {  	_ = 	snop;
	(pc) =	sbr.rel @p0 .LBB2_4-.Ltmp2, $2  }
0x17f: {  	_ =	sdelay $0x2  }
0x180: {  	s26 =	sadd.s32 $0x1, s26  }
0x181: {  	s1 =	sadd.s32 $0x0, s6  }
0x182: {  	p0 =	sgt.s32 s1, $0x20  }
0x183: {  	p1 =	slt.u32 s1, $0x21;
	s1 =	simm.s32 @!p0 $0x20  }
0x184: {  	s1 =	smin.u32 s1, $0x1D8  }
0x185: {  	s3 =	sand.u32 $0x7, s1  }
0x186: {  	p6 =	sne.s32 s3, $0x0  }
0x187: {  	p0 =	por !p1, !p6  }
0x188: {  	_ =	swait.ge [sflag:s22], $0x2400;
	s3 =	simm.s32 $0xFFFFFFFF;
	p0 =	por !p0, !p0  }
0x189: {  	[sflag:s22] =	ssyncset.done $0x0;
	s3 =	simm.s32 @!p0 $0x0  }
0x18a: {  	[sflag:s22] =	ssyncadd.s32 $0xFFFFDC00;
	s3 =	sshll.u32 s3, $0x3  }
0x18b: {  	_ =	swait.ge [sflag:s23], $0x2400;
	s1 =	sadd.s32 s3, s1  }
0x18c: {  	s16 =	simm.s32 $0x1;
	[sflag:s23] =	ssyncset.done $0x0;
	s3 =	sadd.s32 $0xFFFFFFE0, s1  }
0x18d: {  	[sflag:s23] =	ssyncadd.s32 $0xFFFFDC00;
	s1 =	sshra.s32 s3, $0x1F;
	p0 =	sgt.s32 s3, $0x7  }
0x18e: {  	s18 =	sshrl.u32 s3, $0x3;
	s19 =	sand.u32 $0xFFFFFFF8, s3;
	s14 =	sand.u32 $0xF8, s3  }
0x18f: {  	s28 =	sand.u32 $0x78, s3;
	s29 =	sand.u32 $0x38, s3;
	s16 =	simm.s32 @!p0 $0x0  }
0x190: {  	s18 =	sand.u32 $0x1, s18;
	s20 =	sshrl.u32 s1, $0x18;
	s25 =	sshrl.u32 s1, $0x19  }
0x191: {  	s26 =	sshrl.u32 s1, $0x1A;
	p2 =	sne.s32 s28, $0x0;
	s28 =	sand.u32 $0x18, s3  }
0x192: {  	s30 =	sshrl.u32 s1, $0x1C;
	p3 =	sne.s32 s14, $0x0;
	s16 =	sadd.s32 s16, s1  }
0x193: {  	s20 =	sadd.s32 s20, s19;
	s25 =	sadd.s32 s25, s19;
	s26 =	sadd.s32 s26, s19  }
0x194: {  	s1 =	sshrl.u32 s1, $0x1B;
	p4 =	sne.s32 s28, $0x0;
	s8 =	sadd.s32 s30, s19  }
0x195: {  	p0 =	sne.s32 s16, $0x1;
	s20 =	sshrl.u32 s20, $0x8;
	s25 =	sshrl.u32 s25, $0x7  }
0x196: {  	s26 =	sshrl.u32 s26, $0x6;
	s1 =	sadd.s32 s1, s19;
	s16 =	simm.s32 $0x1  }
0x197: {  	s9 =	sshrl.u32 s8, $0x4;
	s20 =	sand.u32 $0x1, s20;
	p1 =	por !p2, !p0  }
0x198: {  	s25 =	sand.u32 $0x1, s25;
	s31 =	sand.u32 $0x1, s26;
	p6 =	por !p3, !p0  }
0x199: {  	p4 =	por !p4, !p0;
	s1 =	sshrl.u32 s1, $0x5;
	p2 =	por !p1, !p1  }
0x19a: {  	p5 =	seq.s32 s25, $0x1;
	p1 =	seq.s32 s31, $0x1;
	p6 =	por !p6, !p6  }
0x19b: {  	s1 =	sand.u32 $0x1, s1;
	p4 =	por !p4, !p4;
	s25 =	ssub.s32 $0x1B8, s19  }
0x19c: {  	p3 =	por !p5, !p5;
	s16 =	simm.s32 @!p6 $0x0;
	p6 =	seq.s32 s1, $0x1  }
0x19d: {  	s1 =	sand.u32 $0x1, s9;
	p3 =	por @!p2 p5, p5;
	p5 =	sne.s32 s29, $0x0  }
0x19e: {  	s28 =	sshra.s32 s25, $0x1F;
	s10 =	sand.u32 $0xF8, s25;
	p5 =	por !p5, !p0  }
0x19f: {  	s11 =	sand.u32 $0x38, s25;
	p2 =	por !p1, !p1;
	p5 =	por !p5, !p5  }
0x1a0: {  	s14 =	sshrl.u32 s28, $0x18;
	p2 =	por @!p5 p1, p1;
	p5 =	seq.s32 s18, $0x1  }
0x1a1: {  	s9 =	sshrl.u32 s28, $0x1A;
	p1 =	por !p6, !p6;
	p0 =	por !p5, !p0  }
0x1a2: {  	p5 =	seq.s32 s16, s20;
	p1 =	por @!p4 p6, p6;
	p6 =	seq.s32 s1, $0x1  }
0x1a3: {  	s16 =	simm.s32 @p3 $0x1;
	p0 =	por !p0, !p0;
	p4 =	por !p6, !p6  }
0x1a4: {  	s1 =	simm.s32 @!p5 $0x1;
	s18 =	simm.s32 @p1 $0x1;
	p4 =	por @!p0 p6, p6  }
0x1a5: {  	_ =	swait.ge @!p5 [sflag:s1], $0x1000;
	p0 =	sgt.s32 s19, $0x1B7;
	s8 =	simm.s32 @!p4 $0x0  }
0x1a6: {  	p6 =	sne.s32 s10, $0x0;
	[sflag:s1] =	ssyncset.done @!p5 $0x0;
	s8 =	simm.s32 @p4 $0x1  }
0x1a7: {  	s19 =	sshrl.u32 s28, $0x19;
	[sflag:s1] =	ssyncadd.s32 @!p5 $0xFFFFF000;
	[smem:$0x7FA] =	sst s8  }
0x1a8: {  	p6 =	por !p0, !p6;
	s1 =	simm.s32 @p2 $0x1;
	_ =	swait.ge @p3 [sflag:s16], $0x800  }
0x1a9: {  	p6 =	por !p6, !p6;
	s8 =	sand.u32 $0x78, s25;
	[sflag:s16] =	ssyncset.done @p3 $0x0  }
0x1aa: {  	p4 =	sne.s32 s8, $0x0;
	[sflag:s16] =	ssyncadd.s32 @p3 $0xFFFFF800;
	s16 =	sadd.s32 s19, s25  }
0x1ab: {  	s8 =	simm.s32 @!p6 $0x0;
	p5 =	por !p0, !p4;
	s16 =	sshrl.u32 s16, $0x7  }
0x1ac: {  	s8 =	simm.s32 @p6 $0x1;
	_ =	swait.ge @p2 [sflag:s1], $0x400;
	s31 =	sand.u32 $0x1, s16  }
0x1ad: {  	p5 =	por !p5, !p5;
	[sflag:s1] =	ssyncset.done @p2 $0x0;
	p3 =	seq.s32 s31, $0x1  }
0x1ae: {  	[sflag:s1] =	ssyncadd.s32 @p2 $0xFFFFFC00;
	s1 =	sadd.s32 s9, s25;
	p2 =	por !p3, !p3  }
0x1af: {  	_ =	swait.ge @p1 [sflag:s18], $0x200;
	p2 =	por @!p5 p3, p3;
	p5 =	sne.s32 s11, $0x0  }
0x1b0: {  	s1 =	sshrl.u32 s1, $0x6;
	[smem:$0x7F8] =	sst s8;
	p3 =	por !p0, !p5  }
0x1b1: {  	s1 =	sand.u32 $0x1, s1;
	s8 =	simm.s32 @!p0 $0x0;
	p3 =	por !p3, !p3  }
0x1b2: {  	s8 =	simm.s32 @p0 $0x1;
	p0 =	seq.s32 s1, $0x1;
	s1 =	simm.s32 @!p3 $0x0  }
0x1b3: {  	s26 =	sadd.s32 s14, s25;
	s11 =	sld [smem:$0x7F8];
	s1 =	simm.s32 @p3 $0x1  }
0x1b4: {  	s3 =	sand.u32 $0x8, s3;
	s19 =	sshrl.u32 s26, $0x8;
	[smem:$0x7F9] =	sst s1  }
0x1b5: {  	s20 =	sand.u32 $0x18, s25;
	s10 =	sand.u32 $0x1, s19;
	s14 =	sld [smem:$0x7F9]  }
0x1b6: {  	s26 =	simm.s32 $0x1;
	p6 =	seq.s32 s10, $0x1;
	s16 =	sld [smem:$0x7FA]  }
0x1b7: {  	s19 =	sshrl.u32 s28, $0x1B;
	p5 =	por !p6, !p6;
	p4 =	seq.s32 s11, $0x1  }
0x1b8: {  	p3 =	por !p0, !p0;
	p5 =	por @!p4 p6, p6;
	p4 =	seq.s32 s14, $0x1  }
0x1b9: {  	[sflag:s18] =	ssyncset.done @p1 $0x0;
	p3 =	por @!p4 p0, p0;
	p0 =	seq.s32 s16, $0x1  }
0x1ba: {  	[sflag:s18] =	ssyncadd.s32 @p1 $0xFFFFFE00;
	[smem:$0x7F7] =	sst s8;
	s1 =	simm.s32 @p0 $0x1  }
0x1bb: {  	s18 =	sshrl.u32 s25, $0x3;
	p1 =	seq.s32 s3, $0x0;
	_ =	swait.ge @p0 [sflag:s1], $0x100  }
0x1bc: {  	s29 =	sand.u32 $0x1, s18;
	s3 =	simm.s32 @!p1 $0x1;
	[sflag:s1] =	ssyncset.done @p0 $0x0  }
0x1bd: {  	s16 =	sadd.s32 s19, s25;
	p4 =	sne.s32 s20, $0x0;
	[sflag:s1] =	ssyncadd.s32 @p0 $0xFFFFFF00  }
0x1be: {  	s31 =	sshrl.u32 s16, $0x5;
	s16 =	simm.s32 @p2 $0x1;
	_ =	swait.ge @!p1 [sflag:s3], $0x80  }
0x1bf: {  	s30 =	sand.u32 $0x1, s31;
	s1 =	simm.s32 @p5 $0x1;
	[sflag:s3] =	ssyncset.done @!p1 $0x0  }
.LBB2_8:
0x1c0: {  	s8 =	sld [smem:$0x7F7];
	[sflag:s3] =	ssyncadd.s32 @!p1 $0xFFFFFF80;
	s3 =	simm.s32 @p3 $0x1  }
0x1c1: {  	s18 =	sshrl.u32 s28, $0x1C;
	s31 =	sadd.s32 s26, s6;
	s19 =	sand.u32 $0x8, s25  }
0x1c2: {  	s26 =	sadd.s32 $0x1, s26;
	_ =	swait.ge @p5 [sflag:s1], $0x1000;
	s18 =	sadd.s32 s18, s25  }
0x1c3: {  	[sflag:s1] =	ssyncset.done @p5 $0x0;
	s20 =	sshrl.u32 s18, $0x4;
	p6 =	seq.s32 s8, $0x1  }
0x1c4: {  	[sflag:s1] =	ssyncadd.s32 @p5 $0xFFFFF000;
	p5 =	seq.s32 s29, $0x1;
	s1 =	sand.u32 $0x1, s20  }
0x1c5: {  	p0 =	por !p6, !p4;
	p4 =	seq.s32 s30, $0x1;
	_ =	swait.ge @p2 [sflag:s16], $0x800  }
0x1c6: {  	p0 =	por !p0, !p0;
	p1 =	por !p4, !p4;
	[sflag:s16] =	ssyncset.done @p2 $0x0  }
0x1c7: {  	p1 =	por @!p0 p4, p4;
	p0 =	por !p6, !p5;
	p4 =	seq.s32 s1, $0x1  }
0x1c8: {  	[sflag:s16] =	ssyncadd.s32 @p2 $0xFFFFF800;
	s16 =	smov.u32 s31;
	s18 =	simm.s32 @p1 $0x1  }
0x1c9: {  	p2 =	por !p0, !p0;
	p0 =	por !p4, !p4;
	_ =	swait.ge @p3 [sflag:s3], $0x400  }
0x1ca: {  	p0 =	por @!p2 p4, p4;
	[sflag:s3] =	ssyncset.done @p3 $0x0;
	p2 =	sgt.s32 s31, $0x20  }
0x1cb: {  	[sflag:s3] =	ssyncadd.s32 @p3 $0xFFFFFC00;
	s16 =	simm.s32 @!p2 $0x20;
	p2 =	sne.s32 s26, $0x10  }
0x1cc: {  	s3 =	simm.s32 @p0 $0x1;
	_ =	swait.ge @p1 [sflag:s18], $0x200;
	s8 =	simm.s32 @!p2 $0x0  }
0x1cd: {  	s16 =	smin.u32 s16, $0x1D8;
	[sflag:s18] =	ssyncset.done @p1 $0x0;
	s8 =	simm.s32 @p2 $0x1  }
0x1ce: {  	s20 =	sand.u32 $0x7, s16;
	[smem:$0x7F6] =	sst s8;
	[sflag:s18] =	ssyncadd.s32 @p1 $0xFFFFFE00  }
0x1cf: {  	p4 =	slt.u32 s31, $0x21;
	p5 =	sne.s32 s20, $0x0;
	_ =	swait.ge @p0 [sflag:s3], $0x100  }
0x1d0: {  	p2 =	seq.s32 s19, $0x0;
	p1 =	por !p4, !p5;
	[sflag:s3] =	ssyncset.done @p0 $0x0  }
0x1d1: {  	p1 =	por !p1, !p1;
	[sflag:s3] =	ssyncadd.s32 @p0 $0xFFFFFF00;
	s3 =	simm.s32 $0xFFFFFFFF  }
0x1d2: {  	s1 =	simm.s32 @!p2 $0x1;
	s3 =	simm.s32 @!p1 $0x0  }
0x1d3: {  	_ =	swait.ge @!p2 [sflag:s1], $0x80;
	s3 =	sshll.u32 s3, $0x3  }
0x1d4: {  	[sflag:s1] =	ssyncset.done @!p2 $0x0;
	s3 =	sadd.s32 s3, s16  }
0x1d5: {  	[sflag:s1] =	ssyncadd.s32 @!p2 $0xFFFFFF80;
	s3 =	sadd.s32 $0xFFFFFFE0, s3  }
0x1d6: {  	s16 =	simm.s32 $0x1;
	s18 =	sshra.s32 s3, $0x1F;
	p0 =	sgt.s32 s3, $0x7  }
0x1d7: {  	s9 =	sshrl.u32 s3, $0x3;
	s30 =	sand.u32 $0xFFFFFFF8, s3;
	s20 =	sand.u32 $0xF8, s3  }
0x1d8: {  	s14 =	sand.u32 $0x78, s3;
	s16 =	simm.s32 @!p0 $0x0;
	s1 =	sand.u32 $0x1, s9  }
0x1d9: {  	s10 =	sshrl.u32 s18, $0x18;
	p0 =	sgt.s32 s30, $0x1B7;
	s25 =	ssub.s32 $0x1B8, s30  }
0x1da: {  	s11 =	sshrl.u32 s18, $0x19;
	s31 =	sshrl.u32 s18, $0x1A;
	p6 =	sne.s32 s14, $0x0  }
0x1db: {  	s14 =	sshrl.u32 s18, $0x1C;
	p1 =	sne.s32 s20, $0x0;
	s16 =	sadd.s32 s16, s18  }
0x1dc: {  	s8 =	simm.s32 @!p0 $0x0;
	s19 =	sadd.s32 s10, s30;
	s10 =	sand.u32 $0x18, s3  }
0x1dd: {  	s31 =	sadd.s32 s31, s30;
	s18 =	sshrl.u32 s18, $0x1B;
	s8 =	simm.s32 @p0 $0x1  }
0x1de: {  	p2 =	sne.s32 s16, $0x1;
	s16 =	sadd.s32 s11, s30;
	s19 =	sshrl.u32 s19, $0x8  }
0x1df: {  	s11 =	sand.u32 $0x38, s3;
	s31 =	sshrl.u32 s31, $0x6;
	p4 =	sne.s32 s10, $0x0  }
0x1e0: {  	s10 =	sadd.s32 s18, s30;
	s18 =	sadd.s32 s14, s30;
	[smem:$0x7F7] =	sst s8  }
0x1e1: {  	s8 =	simm.s32 @!p2 $0x0;
	s9 =	sshrl.u32 s16, $0x7;
	s19 =	sand.u32 $0x1, s19  }
0x1e2: {  	p0 =	por !p6, !p2;
	s31 =	sand.u32 $0x1, s31;
	p6 =	por !p1, !p2  }
0x1e3: {  	p4 =	por !p4, !p2;
	s8 =	simm.s32 @p2 $0x1;
	p3 =	por !p0, !p0  }
0x1e4: {  	s9 =	sand.u32 $0x1, s9;
	p0 =	seq.s32 s31, $0x1;
	p6 =	por !p6, !p6  }
0x1e5: {  	[smem:$0x7EC] =	sst s8;
	p5 =	seq.s32 s9, $0x1;
	s9 =	simm.s32 @!p0 $0x0  }
0x1e6: {  	s8 =	sand.u32 $0x18, s25;
	p1 =	por !p5, !p5;
	s9 =	simm.s32 @p0 $0x1  }
0x1e7: {  	[smem:$0x7EB] =	sst s9;
	p1 =	por @!p3 p5, p5;
	p5 =	sne.s32 s11, $0x0  }
0x1e8: {  	p3 =	por !p0, !p0;
	s9 =	sshrl.u32 s10, $0x5;
	s11 =	simm.s32 $0x1  }
0x1e9: {  	s9 =	sand.u32 $0x1, s9;
	s11 =	simm.s32 @!p6 $0x0;
	p0 =	por !p5, !p2  }
0x1ea: {  	p2 =	por !p4, !p4;
	p4 =	seq.s32 s11, s19;
	s19 =	sld [smem:$0x7EB]  }
0x1eb: {  	s31 =	sld [smem:$0x7EC];
	p6 =	seq.s32 s9, $0x1;
	s14 =	simm.s32 @!p2 $0x0  }
0x1ec: {  	p0 =	por !p0, !p0;
	s9 =	simm.s32 @!p6 $0x0;
	s14 =	simm.s32 @p2 $0x1  }
0x1ed: {  	p5 =	por !p6, !p6;
	s9 =	simm.s32 @p6 $0x1;
	p6 =	seq.s32 s19, $0x1  }
0x1ee: {  	p2 =	seq.s32 s1, $0x1;
	p3 =	por @!p0 p6, p6;
	p6 =	seq.s32 s31, $0x1  }
0x1ef: {  	[smem:$0x7ED] =	sst s14;
	p0 =	por !p2, !p6;
	p2 =	sne.s32 s8, $0x0  }
0x1f0: {  	[smem:$0x7EE] =	sst s9;
	s8 =	simm.s32 @!p2 $0x0  }
0x1f1: {  	s11 =	sld [smem:$0x7ED];
	s8 =	simm.s32 @p2 $0x1  }
0x1f2: {  	[smem:$0x7F5] =	sst s8;
	s8 =	simm.s32 @!p4 $0x1  }
0x1f3: {  	s14 =	sld [smem:$0x7EE];
	_ =	swait.ge @!p4 [sflag:s8], $0x1000  }
0x1f4: {  	[sflag:s8] =	ssyncset.done @!p4 $0x0  }
0x1f5: {  	s20 =	sshrl.u32 s18, $0x4;
	s9 =	simm.s32 @p1 $0x1;
	[sflag:s8] =	ssyncadd.s32 @!p4 $0xFFFFF000  }
0x1f6: {  	s28 =	sshrl.u32 s25, $0x3;
	s1 =	sand.u32 $0x1, s20;
	_ =	swait.ge @p1 [sflag:s9], $0x800  }
0x1f7: {  	p2 =	seq.s32 s11, $0x1;
	p6 =	seq.s32 s14, $0x1;
	s31 =	sld [smem:$0x7F7]  }
0x1f8: {  	s29 =	sand.u32 $0x1, s28;
	p5 =	por @!p2 p6, p6;
	p2 =	seq.s32 s1, $0x1  }
0x1f9: {  	s18 =	sand.u32 $0xF8, s25;
	p0 =	por !p0, !p0;
	p6 =	por !p2, !p2  }
0x1fa: {  	p6 =	por @!p0 p2, p2;
	p0 =	sne.s32 s18, $0x0;
	p4 =	seq.s32 s31, $0x1  }
0x1fb: {  	s28 =	sshra.s32 s25, $0x1F;
	s3 =	sand.u32 $0x8, s3;
	p0 =	por !p4, !p0  }
0x1fc: {  	s16 =	sshrl.u32 s28, $0x1B;
	s19 =	sshrl.u32 s28, $0x18;
	s18 =	simm.s32 @!p0 $0x0  }
0x1fd: {  	s20 =	sadd.s32 s19, s25;
	[sflag:s9] =	ssyncset.done @p1 $0x0;
	s18 =	simm.s32 @p0 $0x1  }
0x1fe: {  	s11 =	simm.s32 @p3 $0x1;
	[sflag:s9] =	ssyncadd.s32 @p1 $0xFFFFF800;
	[smem:$0x7EF] =	sst s18  }
0x1ff: {  	s19 =	sshrl.u32 s20, $0x8;
	s20 =	sshrl.u32 s28, $0x19;
	_ =	swait.ge @p3 [sflag:s11], $0x400  }
0x200: {  	s14 =	sadd.s32 s20, s25;
	s1 =	sadd.s32 s16, s25;
	[sflag:s11] =	ssyncset.done @p3 $0x0  }
0x201: {  	s14 =	sshrl.u32 s14, $0x7;
	s10 =	simm.s32 @p5 $0x1;
	[sflag:s11] =	ssyncadd.s32 @p3 $0xFFFFFC00  }
0x202: {  	s16 =	sand.u32 $0x38, s25;
	s14 =	sand.u32 $0x1, s14;
	_ =	swait.ge @p5 [sflag:s10], $0x200  }
0x203: {  	s8 =	simm.s32 @p6 $0x1;
	p1 =	seq.s32 s3, $0x0;
	s20 =	sld [smem:$0x7EF]  }
0x204: {  	s9 =	sand.u32 $0x1, s19;
	s19 =	sshrl.u32 s28, $0x1A;
	p0 =	seq.s32 s14, $0x1  }
0x205: {  	s31 =	sand.u32 $0x78, s25;
	s3 =	simm.s32 @!p0 $0x0;
	[sflag:s10] =	ssyncset.done @p5 $0x0  }
0x206: {  	p2 =	por !p0, !p0;
	[sflag:s10] =	ssyncadd.s32 @p5 $0xFFFFFE00;
	p5 =	seq.s32 s20, $0x1  }
0x207: {  	s3 =	simm.s32 @p0 $0x1;
	p3 =	sne.s32 s31, $0x0;
	p0 =	por !p5, !p5  }
0x208: {  	[smem:$0x7F0] =	sst s3;
	s10 =	sadd.s32 s19, s25;
	s11 =	simm.s32 @!p0 $0x0  }
0x209: {  	s31 =	sshrl.u32 s10, $0x6;
	s11 =	simm.s32 @p0 $0x1;
	p0 =	seq.s32 s9, $0x1  }
0x20a: {  	p5 =	sne.s32 s16, $0x0;
	[smem:$0x7F2] =	sst s11;
	s9 =	simm.s32 @!p0 $0x0  }
0x20b: {  	s10 =	simm.s32 @!p5 $0x0;
	_ =	swait.ge @p6 [sflag:s8], $0x100;
	s9 =	simm.s32 @p0 $0x1  }
0x20c: {  	s10 =	simm.s32 @p5 $0x1;
	[smem:$0x7F3] =	sst s9;
	[sflag:s8] =	ssyncset.done @p6 $0x0  }
0x20d: {  	s3 =	simm.s32 @!p1 $0x1;
	[smem:$0x7F1] =	sst s10;
	[sflag:s8] =	ssyncadd.s32 @p6 $0xFFFFFF00  }
0x20e: {  	s10 =	sld [smem:$0x7F0];
	_ =	swait.ge @!p1 [sflag:s3], $0x80  }
0x20f: {  	s11 =	sld [smem:$0x7F1]  }
0x210: {  	p3 =	por !p4, !p3  }
0x211: {  	p3 =	por !p3, !p3;
	p6 =	seq.s32 s10, $0x1  }
0x212: {  	p2 =	por @!p3 p6, p6;
	p6 =	seq.s32 s11, $0x1  }
0x213: {  	p4 =	por !p4, !p6  }
0x214: {  	s14 =	sld [smem:$0x7F2];
	s8 =	simm.s32 @!p4 $0x0  }
0x215: {  	s18 =	sld [smem:$0x7F3];
	s8 =	simm.s32 @p4 $0x1  }
0x216: {  	[smem:$0x7F4] =	sst s8  }
0x217: {  	s19 =	sld [smem:$0x7F4]  }
0x218: {  	p5 =	por !p0, !p0;
	s9 =	sand.u32 $0x1, s31  }
0x219: {  	s31 =	sld [smem:$0x7F6];
	p6 =	seq.s32 s18, $0x1;
	p4 =	seq.s32 s14, $0x1  }
0x21a: {  	p0 =	seq.s32 s9, $0x1;
	p5 =	por @!p4 p6, p6;
	p6 =	seq.s32 s19, $0x1  }
0x21b: {  	p3 =	por !p0, !p0;
	p4 =	por !p6, !p6  }
0x21c: {  	p3 =	por @!p4 p0, p0;
	p0 =	seq.s32 s31, $0x1  }
.Ltmp3:
0x21d: {  	_ = 	snop;
	(pc) =	sbr.rel @p0 .LBB2_8-.Ltmp3, $4  }
0x21e: {  	s20 =	sld [smem:$0x7F5]  }
0x21f: {  	s1 =	sshrl.u32 s1, $0x5  }
0x220: {  	s30 =	sand.u32 $0x1, s1;
	[sflag:s3] =	ssyncset.done @!p1 $0x0  }
0x221: {  	s16 =	simm.s32 @p2 $0x1;
	s1 =	simm.s32 @p5 $0x1;
	p4 =	seq.s32 s20, $0x1  }
0x222: {  	[sflag:s3] =	ssyncadd.s32 @!p1 $0xFFFFFF80  }
0x223: {  	_ =	swait.ge @p5 [sflag:s1], $0x1000  }
0x224: {  	s3 =	simm.s32 @p3 $0x1;
	[sflag:s1] =	ssyncset.done @p5 $0x0;
	s26 =	sld [smem:$0x7F7]  }
0x225: {  	p1 =	seq.s32 s30, $0x1;
	s28 =	sshrl.u32 s28, $0x1C;
	[sflag:s1] =	ssyncadd.s32 @p5 $0xFFFFF000  }
0x226: {  	s1 =	sadd.s32 s28, s25;
	p5 =	seq.s32 s29, $0x1;
	_ =	swait.ge @p2 [sflag:s16], $0x800  }
0x227: {  	s1 =	sshrl.u32 s1, $0x4;
	p6 =	seq.s32 s26, $0x1;
	[sflag:s16] =	ssyncset.done @p2 $0x0  }
0x228: {  	s1 =	sand.u32 $0x1, s1;
	p0 =	por !p6, !p4;
	[sflag:s16] =	ssyncadd.s32 @p2 $0xFFFFF800  }
0x229: {  	p4 =	por !p0, !p0;
	p0 =	por !p1, !p1;
	_ =	swait.ge @p3 [sflag:s3], $0x400  }
0x22a: {  	p2 =	seq.s32 s1, $0x1;
	p0 =	por @!p4 p1, p1;
	[sflag:s3] =	ssyncset.done @p3 $0x0  }
0x22b: {  	p1 =	por !p6, !p5;
	s8 =	simm.s32 @p0 $0x1;
	[sflag:s3] =	ssyncadd.s32 @p3 $0xFFFFFC00  }
0x22c: {  	p1 =	por !p1, !p1;
	p3 =	por !p2, !p2;
	_ =	swait.ge @p0 [sflag:s8], $0x200  }
0x22d: {  	p3 =	por @!p1 p2, p2;
	[sflag:s8] =	ssyncset.done @p0 $0x0  }
0x22e: {  	s1 =	simm.s32 @p3 $0x1;
	[sflag:s8] =	ssyncadd.s32 @p0 $0xFFFFFE00  }
0x22f: {  	s30 =	sand.u32 $0x8, s25;
	_ =	swait.ge @p3 [sflag:s1], $0x100  }
0x230: {  	p0 =	seq.s32 s30, $0x0;
	[sflag:s1] =	ssyncset.done @p3 $0x0  }
0x231: {  	[sflag:s1] =	ssyncadd.s32 @p3 $0xFFFFFF00;
	s1 =	simm.s32 @!p0 $0x1  }
0x232: {  	_ =	swait.ge @!p0 [sflag:s1], $0x80  }
0x233: {  	s24 =	sadd.s32 $0x1, s24;
	s31 =	rddreg [dreg:$0xa]  }
0x234: {  	p1 =	sne.s32 s24, s31  }
.Ltmp4:
0x235: {  	_ = 	snop;
	(pc) =	sbr.rel @p1 .LBB2_1-.Ltmp4, $3  }
0x236: {  	_ =	sdelay $0x1  }
0x237: {  	[sflag:s1] =	ssyncset.done @!p0 $0x0  }
0x238: {  	[sflag:s1] =	ssyncadd.s32 @!p0 $0xFFFFFF80  }
0x239: {  	_ =	sfence.sel $0x180000  }
0x23a: {  	[bflag:$0x0] =	sbarrier.arrive $0xFFFF  }
0x23b: {  	_ =	strace $0x90000047  }
0x23c: {  	[bflag:$0x2] =	sbarrier.arrive $0xFFFF  }
0x23d: {  	p0 =	sne.s32 s0, $0x0;
	s0 =	rddreg [dreg:$0x5]  }
0x23e: {  	s0 =	sadd.s32 @!p0 $0x100000, s0  }
0x23f: {  	[sflag:s0] =	ssyncadd.tile.s32 @!p0 $0x1;
	_ =	shalt  }
.Lfunc_end2:
_tile_overlayer_lowered:
.L_overlay_start_2:
0x240: {  	(tag) =	ssettag $0x2  }
0x241: {  	s0 =	rddreg [dreg:$0x0];
	s2 =	stileid.u32  }
0x242: {  	s1 =	rddreg [dreg:$0x1];
	p0 =	sne.s32 s2, $0x0  }
0x243: {  	s3 =	rddreg [dreg:$0x2];
	[bflag:$0x3] =	sbarrier.arrive $0xFFFF;
	s2 =	simm.s32 @!p0 $0x1C05  }
0x244: {  	[timem:s3], [sflag:s2] =	dma.local @!p0 [hbm:s0], s1  }
0x245: {  	s0 =	simm.s32 @!p0 $0x5  }
0x246: {  	_ =	swait.ge @!p0 [sflag:s0], s1  }
0x247: {  	s1 =	ssub.s32 @!p0 $0x0, s1;
	[sflag:s0] =	ssyncset.done @!p0 $0x0  }
0x248: {  	[sflag:s0] =	ssyncadd.s32 @!p0 s1  }
0x249: {  	[bflag:$0x3] =	sbarrier.arrive $0xFFFF  }
0x24a: {  	_ =	shalt  }

</sc_bundles>
